<compile_context>
chip_gen: v7x
topology: tpu7x:2x2x1
jax: 0.10.2.dev20260603
libtpu: 0.0.44.dev20260713+nightly
codegen_flags: <defaults>
</compile_context>

<pallas_src>
import jax
import jax.numpy as jnp
from jax.experimental import pallas as pl
from jax.experimental.pallas import tpu as pltpu
from jax.experimental.pallas import tpu_sc as plsc

B, T, H = 2, 2048, 1024
L = H // 4
I = int(H * 2.0)
NS = 2
NR = 8 - NS
NE = NR + NS
TOPK = 2
BASE = 10000.0
SCALE = 1.0
EPS = 1e-5
N = B * T

BQ = 256
BR = 256
RL = 128
BKR = 128
NBP = (N * TOPK) // BKR + NR
PN = NBP * BKR
GW = 128

_f32 = jnp.float32
_bf16 = jnp.bfloat16


def _ln(x, w):
    mu = jnp.mean(x, axis=1, keepdims=True)
    xc = x - mu
    var = jnp.mean(xc * xc, axis=1, keepdims=True)
    return xc * jax.lax.rsqrt(var + EPS) * w


def _prep_kernel(x_ref, ln1w_ref, wqd_ref, wrq_ref, wrk_ref, wkvd_ref,
                 wvu_ref, cos_ref, sin_ref, q_ref, k_ref, v_ref):
    x = x_ref[...]
    xb = _ln(x, ln1w_ref[...]).astype(_bf16)
    ql = jnp.dot(xb, wqd_ref[...], preferred_element_type=_f32).astype(_bf16)
    qr = jnp.dot(ql, wrq_ref[...], preferred_element_type=_f32)
    kr = jnp.dot(xb, wrk_ref[...], preferred_element_type=_f32)
    kv = jnp.dot(xb, wkvd_ref[...], preferred_element_type=_f32).astype(_bf16)
    v = jnp.dot(kv, wvu_ref[...], preferred_element_type=_f32)
    cos = cos_ref[...]
    sin = sin_ref[...]

    def rope(t):
        t1 = t[:, :H // 2]
        t2 = t[:, H // 2:]
        rot = jnp.concatenate([-t2, t1], axis=1)
        return t * cos + rot * sin

    q_ref[...] = rope(qr).astype(_bf16)
    k_ref[...] = rope(kr).astype(_bf16)
    v_ref[...] = v.astype(_bf16)


def _attn_kernel(q_ref, k_ref, v_ref, o_ref):
    qi = pl.program_id(1)
    q = q_ref[0]
    k = k_ref[0]
    s = jax.lax.dot_general(q, k, (((1,), (1,)), ((), ())),
                            preferred_element_type=_f32) * (1.0 / 32.0)
    row = qi * BQ + jax.lax.broadcasted_iota(jnp.int32, (BQ, T), 0)
    col = jax.lax.broadcasted_iota(jnp.int32, (BQ, T), 1)
    s = jnp.where(row >= col, s, -1e30)
    m = jnp.max(s, axis=1, keepdims=True)
    p = jnp.exp(s - m)
    p = p / jnp.sum(p, axis=1, keepdims=True)
    o_ref[0] = jnp.dot(p.astype(_bf16), v_ref[0],
                       preferred_element_type=_f32).astype(_bf16)


def _post_kernel(y_ref, x_ref, wo_ref, ln2w_ref, wrt_ref, bias_ref,
                 h_ref, xn2_ref, logits_ref, lt_ref):
    h = x_ref[...] + jnp.dot(y_ref[...], wo_ref[...],
                             preferred_element_type=_f32)
    h_ref[...] = h
    xn2 = _ln(h, ln2w_ref[...])
    xn2_ref[...] = xn2
    logits = jnp.dot(xn2, wrt_ref[...],
                     preferred_element_type=_f32) + bias_ref[...]
    logits_ref[...] = logits
    lt_ref[...] = jnp.transpose(logits[:, :8])


def _shared_single_kernel(xn2_ref, base_ref, gate_ref, up_ref, down_ref,
                          out_ref):
    xb = xn2_ref[...].astype(_bf16)
    a = jnp.dot(xb, gate_ref[...], preferred_element_type=_f32)
    b = jnp.dot(xb, up_ref[...], preferred_element_type=_f32)
    h1 = (a * jax.nn.sigmoid(a) * b).astype(_bf16)
    out_ref[...] = base_ref[...] + jnp.dot(
        h1, down_ref[...], preferred_element_type=_f32) * (1.0 / NS)


def _cumsum_lanes(x):
    n = x.shape[-1]
    sh = 1
    while sh < n:
        shifted = jnp.concatenate(
            [jnp.zeros((x.shape[0], sh), x.dtype), x[:, :n - sh]], axis=1)
        x = x + shifted
        sh *= 2
    return x


def _routing_kernel(lt_ref, pos0_ref, pos1_ref, w0_ref, w1_ref, beid_ref):
    P = jax.nn.sigmoid(lt_ref[...])
    eio = jax.lax.broadcasted_iota(jnp.int32, (8, N), 0)
    valid = eio < NR
    Pm = jnp.where(valid, P, -1.0)
    m1 = jnp.max(Pm, axis=0, keepdims=True)
    e0 = jnp.min(jnp.where(Pm == m1, eio, NR), axis=0, keepdims=True)
    mask0 = eio == e0
    Pm2 = jnp.where(mask0, -1.0, Pm)
    m2 = jnp.max(Pm2, axis=0, keepdims=True)
    e1 = jnp.min(jnp.where(Pm2 == m2, eio, NR), axis=0, keepdims=True)
    mask1 = eio == e1

    ind0 = mask0.astype(jnp.int32)
    ind1 = mask1.astype(jnp.int32)
    c0 = _cumsum_lanes(ind0) - ind0
    c1 = _cumsum_lanes(ind1) - ind1
    tot0 = jnp.sum(ind0, axis=1, keepdims=True)
    tot1 = jnp.sum(ind1, axis=1, keepdims=True)
    cnt = tot0 + tot1
    pcnt = ((cnt + BKR - 1) // BKR) * BKR

    offs = [jnp.zeros((1, 1), jnp.int32)]
    for e in range(1, NR):
        offs.append(offs[-1] + pcnt[e - 1:e, :])
    offs += [offs[-1] + pcnt[NR - 1:NR, :]] * (8 - NR)
    poff = jnp.concatenate(offs, axis=0)

    rank0 = jnp.sum(jnp.where(mask0, c0, 0), axis=0, keepdims=True)
    rank1 = jnp.sum(jnp.where(mask1, tot0 + c1, 0), axis=0, keepdims=True)
    base0 = jnp.sum(jnp.where(mask0, poff, 0), axis=0, keepdims=True)
    base1 = jnp.sum(jnp.where(mask1, poff, 0), axis=0, keepdims=True)
    pos0_ref[...] = base0 + rank0
    pos1_ref[...] = base1 + rank1
    w0_ref[...] = m1
    w1_ref[...] = m2

    bio = jax.lax.broadcasted_iota(jnp.int32, (1, NBP), 1)
    bstart = bio * BKR
    eid = jnp.full((1, NBP), -1, jnp.int32)
    for e in range(NR):
        pe = poff[e:e + 1, :]
        in_e = (bstart >= pe) & (bstart < pe + pcnt[e:e + 1, :])
        eid = jnp.where(in_e, e, eid)
    beid_ref[...] = eid


def _grouped_ffn_kernel(s_ref, xs_ref, gate_ref, up_ref, down_ref, ys_ref):
    eid = s_ref[pl.program_id(0)]

    @pl.when(eid >= 0)
    def _compute():
        xb = xs_ref[...].astype(_bf16)
        a = jnp.dot(xb, gate_ref[0], preferred_element_type=_f32)
        b = jnp.dot(xb, up_ref[0], preferred_element_type=_f32)
        h1 = (a * jax.nn.sigmoid(a) * b).astype(_bf16)
        ys_ref[...] = jnp.dot(h1, down_ref[0], preferred_element_type=_f32)

    @pl.when(eid < 0)
    def _skip():
        ys_ref[...] = jnp.zeros((BKR, H), _f32)


def _combine_kernel(base_ref, g0_ref, g1_ref, w0_ref, w1_ref, out_ref):
    w0 = jnp.transpose(w0_ref[...])
    w1 = jnp.transpose(w1_ref[...])
    out_ref[...] = (base_ref[...]
                    + w0 * g0_ref[...]
                    + w1 * g1_ref[...])


HQ = H // 4
N2 = 4 * N
PN2 = 4 * PN


def _sc_mesh():
    return plsc.VectorSubcoreMesh(core_axis_name="core",
                                  subcore_axis_name="subcore")


def _sc_scatter_rows(x2, i0x, i1x):

    @pl.kernel(out_type=jax.ShapeDtypeStruct((PN2, HQ), _f32),
               mesh=_sc_mesh())
    def _k(x_hbm, p0_hbm, p1_hbm, o_hbm):
        def body(x_vmem, i0_vmem, i1_vmem):
            pltpu.sync_copy(x_vmem, o_hbm.at[i0_vmem.at[0]])
            pltpu.sync_copy(x_vmem, o_hbm.at[i1_vmem.at[0]])

        pltpu.emit_pipeline(
            body,
            grid=(N2 // GW,),
            in_specs=[
                pl.BlockSpec((GW, HQ), lambda i: (i, 0)),
                pl.BlockSpec((1, GW), lambda i: (0, i)),
                pl.BlockSpec((1, GW), lambda i: (0, i)),
            ],
            out_specs=[],
            core_axis_name=("core", "subcore"),
            dimension_semantics=(pltpu.PARALLEL,),
        )(x_hbm, p0_hbm, p1_hbm)

    return _k(x2, i0x, i1x)


def _sc_gather_rows(y2, ix, nrows):

    @pl.kernel(out_type=jax.ShapeDtypeStruct((nrows, HQ), _f32),
               mesh=_sc_mesh())
    def _k(y_hbm, p_hbm, o_hbm):
        def body(i_vmem, o_vmem):
            pltpu.sync_copy(y_hbm.at[i_vmem.at[0]], o_vmem)

        pltpu.emit_pipeline(
            body,
            grid=(nrows // GW,),
            in_specs=[pl.BlockSpec((1, GW), lambda i: (0, i))],
            out_specs=[pl.BlockSpec((GW, HQ), lambda i: (i, 0))],
            core_axis_name=("core", "subcore"),
            dimension_semantics=(pltpu.PARALLEL,),
        )(p_hbm, o_hbm)

    return _k(y2, ix)


def _subrow_indices(pos, k):
    p = pos.reshape(N, 1)
    return (k * p + jnp.arange(k, dtype=jnp.int32)[None, :]).reshape(1, k * N)


def kernel(x, ln1_w, ln2_w, W_kvd, W_qd, W_ku, W_qu, W_vu, W_rk, W_rq, W_o,
           sh_gate, sh_up, sh_down, rt_gate, rt_up, rt_down, W_router,
           routing_bias):
    del W_ku, W_qu
    xf = x.reshape(N, H)

    wqd_t = W_qd.T.astype(_bf16)
    wrq_t = W_rq.T.astype(_bf16)
    wrk_t = W_rk.T.astype(_bf16)
    wkvd_t = W_kvd.T.astype(_bf16)
    wvu_t = W_vu.T.astype(_bf16)
    wo_t = W_o.T.astype(_bf16)
    ln1w2 = ln1_w.reshape(1, H)
    ln2w2 = ln2_w.reshape(1, H)

    inv_freq = 1.0 / BASE ** (jnp.arange(0, H, 2, dtype=_f32) / H)
    tt = jnp.arange(T, dtype=_f32)
    freqs = tt[:, None] * inv_freq[None, :]
    emb = jnp.concatenate([freqs, freqs], axis=-1)
    cos = jnp.cos(emb) * SCALE
    sin = jnp.sin(emb) * SCALE

    wrt_t = jnp.zeros((H, RL), _f32).at[:, :NR].set(W_router.T)
    bias_p = jnp.full((1, RL), -1e30, _f32).at[0, :NR].set(routing_bias)

    all_gate_t = jnp.concatenate([rt_gate, sh_gate]).transpose(0, 2, 1).astype(_bf16)
    all_up_t = jnp.concatenate([rt_up, sh_up]).transpose(0, 2, 1).astype(_bf16)
    all_down_t = jnp.concatenate([rt_down, sh_down]).transpose(0, 2, 1).astype(_bf16)

    nrow = N // BQ
    row_spec = pl.BlockSpec((BQ, H), lambda i: (i, 0))
    full = lambda shape: pl.BlockSpec(shape, lambda i: tuple(0 for _ in shape))
    cs_spec = pl.BlockSpec((BQ, H), lambda i: (i % (T // BQ), 0))
    q, k, v = pl.pallas_call(
        _prep_kernel,
        grid=(nrow,),
        in_specs=[row_spec, full((1, H)), full((H, L)), full((L, H)),
                  full((H, H)), full((H, L)), full((L, H)), cs_spec, cs_spec],
        out_specs=[row_spec, row_spec, row_spec],
        out_shape=[jax.ShapeDtypeStruct((N, H), _bf16)] * 3,
        compiler_params=pltpu.CompilerParams(
            dimension_semantics=("parallel",)),
    )(xf, ln1w2, wqd_t, wrq_t, wrk_t, wkvd_t, wvu_t, cos, sin)

    q3 = q.reshape(B, T, H)
    k3 = k.reshape(B, T, H)
    v3 = v.reshape(B, T, H)
    qb_spec = pl.BlockSpec((1, BQ, H), lambda b, i: (b, i, 0))
    kv_spec = pl.BlockSpec((1, T, H), lambda b, i: (b, 0, 0))
    y = pl.pallas_call(
        _attn_kernel,
        grid=(B, T // BQ),
        in_specs=[qb_spec, kv_spec, kv_spec],
        out_specs=qb_spec,
        out_shape=jax.ShapeDtypeStruct((B, T, H), _bf16),
        compiler_params=pltpu.CompilerParams(
            dimension_semantics=("parallel", "parallel")),
    )(q3, k3, v3)

    h, xn2, logits, logitsT = pl.pallas_call(
        _post_kernel,
        grid=(nrow,),
        in_specs=[row_spec, row_spec, full((H, H)), full((1, H)),
                  full((H, RL)), full((1, RL))],
        out_specs=[row_spec, row_spec,
                   pl.BlockSpec((BQ, RL), lambda i: (i, 0)),
                   pl.BlockSpec((8, BQ), lambda i: (0, i))],
        out_shape=[jax.ShapeDtypeStruct((N, H), _f32),
                   jax.ShapeDtypeStruct((N, H), _f32),
                   jax.ShapeDtypeStruct((N, RL), _f32),
                   jax.ShapeDtypeStruct((8, N), _f32)],
        compiler_params=pltpu.CompilerParams(
            dimension_semantics=("parallel",)),
    )(y.reshape(N, H), xf, wo_t, ln2w2, wrt_t, bias_p)

    pos0, pos1, w0, w1, beid = pl.pallas_call(
        _routing_kernel,
        grid=(1,),
        in_specs=[pl.BlockSpec((8, N), lambda i: (0, 0))],
        out_specs=[pl.BlockSpec((1, N), lambda i: (0, 0))] * 4
        + [pl.BlockSpec((1, NBP), lambda i: (0, 0))],
        out_shape=[jax.ShapeDtypeStruct((1, N), jnp.int32)] * 2
        + [jax.ShapeDtypeStruct((1, N), _f32)] * 2
        + [jax.ShapeDtypeStruct((1, NBP), jnp.int32)],
    )(logitsT)
    beid_1d = beid.reshape(NBP)

    nrow_m = N // BR
    rspec = pl.BlockSpec((BR, H), lambda r: (r, 0))

    def _shared_call(base_in, j):
        return pl.pallas_call(
            _shared_single_kernel,
            grid=(nrow_m,),
            in_specs=[rspec, rspec, full((H, I)), full((H, I)),
                      full((I, H))],
            out_specs=rspec,
            out_shape=jax.ShapeDtypeStruct((N, H), _f32),
            compiler_params=pltpu.CompilerParams(
                dimension_semantics=("parallel",)),
        )(xn2, base_in, all_gate_t[NR + j], all_up_t[NR + j],
          all_down_t[NR + j])

    base1 = _shared_call(h, 0)

    i0x = _subrow_indices(pos0, 4)
    i1x = _subrow_indices(pos1, 4)
    xs2 = _sc_scatter_rows(xn2.reshape(N2, HQ), i0x, i1x)
    xs = xs2.reshape(PN, H)

    ys = pl.pallas_call(
        _grouped_ffn_kernel,
        grid_spec=pltpu.PrefetchScalarGridSpec(
            num_scalar_prefetch=1,
            grid=(NBP,),
            in_specs=[
                pl.BlockSpec((BKR, H), lambda i, s: (i, 0)),
                pl.BlockSpec((1, H, I),
                             lambda i, s: (jnp.maximum(s[i], 0), 0, 0)),
                pl.BlockSpec((1, H, I),
                             lambda i, s: (jnp.maximum(s[i], 0), 0, 0)),
                pl.BlockSpec((1, I, H),
                             lambda i, s: (jnp.maximum(s[i], 0), 0, 0)),
            ],
            out_specs=pl.BlockSpec((BKR, H), lambda i, s: (i, 0)),
        ),
        out_shape=jax.ShapeDtypeStruct((PN, H), _f32),
    )(beid_1d, xs, all_gate_t[:NR], all_up_t[:NR], all_down_t[:NR])

    base2 = _shared_call(base1, 1)
    ys2 = ys.reshape(4 * PN, HQ)
    g0 = _sc_gather_rows(ys2, i0x, N2).reshape(N, H)
    g1 = _sc_gather_rows(ys2, i1x, N2).reshape(N, H)
    wspec = pl.BlockSpec((1, BQ), lambda i: (0, i))
    gspec = pl.BlockSpec((BQ, H), lambda i: (i, 0))
    out = pl.pallas_call(
        _combine_kernel,
        grid=(nrow,),
        in_specs=[row_spec, gspec, gspec, wspec, wspec],
        out_specs=row_spec,
        out_shape=jax.ShapeDtypeStruct((N, H), _f32),
        compiler_params=pltpu.CompilerParams(
            dimension_semantics=("parallel",)),
    )(base2, g0, g1, w0, w1)

    return out.reshape(B, T, H)

# --- scband reference (transcript-rebuilt; emitter-appended) ---
"""Pipeline reference for scband-deep-seek-block-21294447853773 (READ-ONLY COPY).

The authoritative reference and input builder live on the scoring server;
editing this copy changes nothing except your own understanding.
"""

import jax, jax.numpy as jnp
import numpy as np

B, T, H = 2, 2048, 1024
NH = 1
HD = H // NH
L = H // 4
I = int(H * 2.0)
NS = 2
NR = 8 - NS
TOPK = 2
BASE = 10000.0
SCALE = 1.0
EPS = 1e-5


def setup_inputs(seed: int = 0):
    key = jax.random.key(seed)
    ks = jax.random.split(key, 20)
    s = 0.02
    inp = {}
    inp["x"] = jax.random.normal(ks[0], (B, T, H), dtype=jnp.float32)
    inp["ln1_w"] = jnp.ones((H,), jnp.float32)
    inp["ln2_w"] = jnp.ones((H,), jnp.float32)
    inp["W_kvd"] = jax.random.normal(ks[1], (L, H), dtype=jnp.float32) * s
    inp["W_qd"] = jax.random.normal(ks[2], (L, H), dtype=jnp.float32) * s
    inp["W_ku"] = jax.random.normal(ks[3], (HD, L), dtype=jnp.float32) * s
    inp["W_qu"] = jax.random.normal(ks[4], (HD, L), dtype=jnp.float32) * s
    inp["W_vu"] = jax.random.normal(ks[5], (H, L), dtype=jnp.float32) * s
    inp["W_rk"] = jax.random.normal(ks[6], (HD, H), dtype=jnp.float32) * s
    inp["W_rq"] = jax.random.normal(ks[7], (HD, L), dtype=jnp.float32) * s
    inp["W_o"] = jax.random.normal(ks[8], (H, H), dtype=jnp.float32) * s
    inp["sh_gate"] = jax.random.normal(ks[9], (NS, I, H), dtype=jnp.float32) * s
    inp["sh_up"] = jax.random.normal(ks[10], (NS, I, H), dtype=jnp.float32) * s
    inp["sh_down"] = jax.random.normal(ks[11], (NS, H, I), dtype=jnp.float32) * s
    inp["rt_gate"] = jax.random.normal(ks[12], (NR, I, H), dtype=jnp.float32) * s
    inp["rt_up"] = jax.random.normal(ks[13], (NR, I, H), dtype=jnp.float32) * s
    inp["rt_down"] = jax.random.normal(ks[14], (NR, H, I), dtype=jnp.float32) * s
    inp["W_router"] = jax.random.normal(ks[15], (NR, H), dtype=jnp.float32) * s
    inp["routing_bias"] = jnp.zeros((NR,), jnp.float32)
    return inp


def _ln(x, w):
    mu = jnp.mean(x, axis=-1, keepdims=True)
    var = jnp.mean((x - mu) ** 2, axis=-1, keepdims=True)
    return (x - mu) / jnp.sqrt(var + EPS) * w


def _rotate_half(x):
    h = x.shape[-1] // 2
    return jnp.concatenate([-x[..., h:], x[..., :h]], axis=-1)


def _expert(x, g, u, d):
    return (jax.nn.silu(x @ g.T) * (x @ u.T)) @ d.T


def _attn(x, W_kvd, W_qd, W_ku, W_qu, W_vu, W_rk, W_rq, W_o):
    b, t, _ = x.shape
    kv = x @ W_kvd.T
    ql = x @ W_qd.T
    v = (kv @ W_vu.T).reshape(b, t, NH, HD).transpose(0, 2, 1, 3)
    q_rot = (ql @ W_rq.T).reshape(b, t, NH, HD).transpose(0, 2, 1, 3)
    k_rot = (x @ W_rk.T).reshape(b, t, NH, HD).transpose(0, 2, 1, 3)
    inv_freq = 1.0 / BASE ** (jnp.arange(0, HD, 2, dtype=jnp.float32) / HD)
    tt = jnp.arange(t, dtype=jnp.float32)
    freqs = jnp.einsum("i,j->ij", tt, inv_freq)
    emb = jnp.concatenate([freqs, freqs], axis=-1)
    cos = jnp.cos(emb)[None, None, :, :] * SCALE
    sin = jnp.sin(emb)[None, None, :, :] * SCALE
    q = q_rot * cos + _rotate_half(q_rot) * sin
    k = k_rot * cos + _rotate_half(k_rot) * sin
    scores = jnp.einsum("bhqd,bhkd->bhqk", q, k) / jnp.sqrt(jnp.float32(HD))
    mask = jnp.tril(jnp.ones((t, t), dtype=bool))
    scores = jnp.where(mask[None, None, :, :], scores, -1e30)
    probs = jax.nn.softmax(scores, axis=-1)
    y = jnp.einsum("bhqk,bhkd->bhqd", probs, v)
    y = y.transpose(0, 2, 1, 3).reshape(b, t, H)
    return y @ W_o.T


def _moe(x, sh_gate, sh_up, sh_down, rt_gate, rt_up, rt_down, W_router, routing_bias):
    b, t, _ = x.shape
    xf = x.reshape(-1, H)
    shared = jnp.zeros_like(xf)
    for i in range(NS):
        shared = shared + _expert(xf, sh_gate[i], sh_up[i], sh_down[i])
    shared = shared / NS
    logits = xf @ W_router.T + routing_bias
    probs = jax.nn.sigmoid(logits)
    scores, idx = jax.lax.top_k(probs, TOPK)
    out = jnp.zeros_like(xf)
    for e in range(NR):
        w_e = jnp.sum(scores * (idx == e).astype(scores.dtype), axis=-1)
        out = out + _expert(xf, rt_gate[e], rt_up[e], rt_down[e]) * w_e[:, None]
    return (shared + out).reshape(b, t, H)


def reference(x, ln1_w, ln2_w, W_kvd, W_qd, W_ku, W_qu, W_vu, W_rk, W_rq, W_o, sh_gate, sh_up, sh_down, rt_gate, rt_up, rt_down, W_router, routing_bias):
    h = x + _attn(_ln(x, ln1_w), W_kvd, W_qd, W_ku, W_qu, W_vu, W_rk, W_rq, W_o)
    out = h + _moe(_ln(h, ln2_w), sh_gate, sh_up, sh_down, rt_gate, rt_up, rt_down, W_router, routing_bias)
    return out

if __name__ == "__main__":
    import jax
    _d = setup_inputs()
    print(jax.jit(kernel)(*tuple(_d.values())))

</pallas_src>

<mosaic_0001>
#map = affine_map<(d0, d1) -> (0, 0)>
module attributes {stable_mosaic.version = 14 : i64} {
  func.func @_k(%arg0: i32, %arg1: i32, %arg2: memref<16384x256xf32, #tpu.memory_space<hbm>>, %arg3: memref<1x16384xi32, #tpu.memory_space<hbm>>, %arg4: memref<1x16384xi32, #tpu.memory_space<hbm>>, %arg5: memref<35840x256xf32, #tpu.memory_space<hbm>>) attributes {dimension_semantics = [#tpu.dimension_semantics<core_parallel>, #tpu.dimension_semantics<subcore_parallel>], iteration_bounds = array<i64: 2, 16>, scalar_prefetch = 0 : i64, scratch_operands = 0 : i64, tpu.core_type = #tpu.core_type<sc_vector_subcore>, window_params = [{transform_indices = #map}, {transform_indices = #map}, {transform_indices = #map}, {transform_indices = #map}]} {
    %mul3A = arith.constant 1 : i32
    %mul3A_0 = arith.muli %arg1, %mul3A : i32
    %add3A = arith.constant 0 : i32
    %add3A_1 = arith.addi %add3A, %mul3A_0 : i32
    %mul3A_2 = arith.constant 16 : i32
    %mul3A_3 = arith.muli %arg0, %mul3A_2 : i32
    %add3A_4 = arith.addi %add3A_1, %mul3A_3 : i32
    %mul3A_5 = arith.constant 4 : i32
    %mul3A_6 = arith.muli %add3A_4, %mul3A_5 : i32
    "tpu.region"() ({
      %run_scoped3A = memref.alloca() : memref<2x128x256xf32, #tpu.memory_space<vmem>>
      %run_scoped3A_7 = tpu.sem_alloc : memref<2x!tpu.dma_semaphore, #tpu.memory_space<semaphore_mem>>
      %run_scoped3A_8 = memref.alloca() : memref<2x1x128xi32, #tpu.memory_space<vmem>>
      %run_scoped3A_9 = tpu.sem_alloc : memref<2x!tpu.dma_semaphore, #tpu.memory_space<semaphore_mem>>
      %run_scoped3A_10 = memref.alloca() : memref<2x1x128xi32, #tpu.memory_space<vmem>>
      %run_scoped3A_11 = tpu.sem_alloc : memref<2x!tpu.dma_semaphore, #tpu.memory_space<semaphore_mem>>
      %add3A_12 = arith.constant 0 : i32
      %add3A_13 = arith.addi %add3A_12, %mul3A_6 : i32
      %select_n3A = arith.constant true
      %select_n3A_14 = arith.constant 0 : i32
      %select_n3A_15 = arith.constant -1 : i32
      %select_n3A_16 = arith.select %select_n3A, %select_n3A_15, %select_n3A_14 : i32
      %eq3A = arith.constant -1 : i32
      %eq3A_17 = arith.cmpi eq, %select_n3A_16, %eq3A : i32
      %select_n3A_18 = arith.constant 3 : i32
      %select_n3A_19 = arith.select %eq3A_17, %select_n3A_18, %select_n3A_16 : i32
      %add3A_20 = arith.addi %select_n3A_19, %mul3A_6 : i32
      %select_n3A_21 = arith.constant true
      %select_n3A_22 = arith.constant 0 : i32
      %select_n3A_23 = arith.constant 1 : i32
      %select_n3A_24 = arith.select %select_n3A_21, %select_n3A_23, %select_n3A_22 : i32
      %eq3A_25 = arith.constant 4 : i32
      %eq3A_26 = arith.cmpi eq, %select_n3A_24, %eq3A_25 : i32
      %select_n3A_27 = arith.constant 0 : i32
      %select_n3A_28 = arith.select %eq3A_26, %select_n3A_27, %select_n3A_24 : i32
      %add3A_29 = arith.addi %select_n3A_28, %mul3A_6 : i32
      %add3A_30 = arith.constant 1 : i32
      %add3A_31 = arith.addi %select_n3A_28, %add3A_30 : i32
      %select_n3A_32 = arith.constant true
      %select_n3A_33 = arith.select %select_n3A_32, %add3A_31, %select_n3A_28 : i32
      %eq3A_34 = arith.constant 4 : i32
      %eq3A_35 = arith.cmpi eq, %select_n3A_33, %eq3A_34 : i32
      %select_n3A_36 = arith.constant 0 : i32
      %select_n3A_37 = arith.select %eq3A_35, %select_n3A_36, %select_n3A_33 : i32
      %add3A_38 = arith.addi %select_n3A_37, %mul3A_6 : i32
      "tpu.trace_start"() <{level = 10 : i32, message = "ep_initialize_0"}> : () -> ()
      %rem3A = arith.constant 0 : i32
      %rem3A_39 = arith.constant 2 : i32
      %rem3A_40 = arith.remui %rem3A, %rem3A_39 : i32
      %mul3A_41 = arith.constant 128 : i32
      %mul3A_42 = arith.muli %mul3A_41, %add3A_13 : i32
      %dma_start3A = arith.constant 0 : i32
      %dma_start3A_43 = arith.constant 0 : i32
      %dma_start3A_44 = tpu.memref_slice %run_scoped3A[%rem3A_40, %dma_start3A, %dma_start3A_43] : memref<2x128x256xf32, #tpu.memory_space<vmem>> -> memref<1x128x256xf32, #tpu.memory_space<vmem>>
      %dma_start3A_45 = tpu.memref_squeeze %dma_start3A_44 : memref<1x128x256xf32, #tpu.memory_space<vmem>> -> memref<128x256xf32, #tpu.memory_space<vmem>>
      %dma_start3A_46 = arith.constant 0 : i32
      %dma_start3A_47 = tpu.memref_slice %arg2[%mul3A_42, %dma_start3A_46] : memref<16384x256xf32, #tpu.memory_space<hbm>> -> memref<128x256xf32, #tpu.memory_space<hbm>>
      %dma_start3A_48 = tpu.memref_slice %run_scoped3A_7[%rem3A_40] : memref<2x!tpu.dma_semaphore, #tpu.memory_space<semaphore_mem>> -> memref<1x!tpu.dma_semaphore, #tpu.memory_space<semaphore_mem>>
      %dma_start3A_49 = tpu.memref_squeeze %dma_start3A_48 : memref<1x!tpu.dma_semaphore, #tpu.memory_space<semaphore_mem>> -> memref<!tpu.dma_semaphore, #tpu.memory_space<semaphore_mem>>
      %dma_start3A_50 = arith.constant 0 : i32
      %dma_start3A_51 = arith.constant 0 : i32
      %dma_start3A_52 = tpu.memref_slice %run_scoped3A[%rem3A_40, %dma_start3A_50, %dma_start3A_51] : memref<2x128x256xf32, #tpu.memory_space<vmem>> -> memref<1x128x256xf32, #tpu.memory_space<vmem>>
      %dma_start3A_53 = tpu.memref_squeeze %dma_start3A_52 : memref<1x128x256xf32, #tpu.memory_space<vmem>> -> memref<128x256xf32, #tpu.memory_space<vmem>>
      %dma_start3A_54 = arith.constant 0 : i32
      %dma_start3A_55 = tpu.memref_slice %arg2[%mul3A_42, %dma_start3A_54] : memref<16384x256xf32, #tpu.memory_space<hbm>> -> memref<128x256xf32, #tpu.memory_space<hbm>>
      tpu.enqueue_dma source(%dma_start3A_55 : memref<128x256xf32, #tpu.memory_space<hbm>>) target(%dma_start3A_53 : memref<128x256xf32, #tpu.memory_space<vmem>>) target_semaphore(%dma_start3A_49 : memref<!tpu.dma_semaphore, #tpu.memory_space<semaphore_mem>>)
      %add3A_56 = arith.constant 0 : i32
      %add3A_57 = arith.constant 1 : i32
      %add3A_58 = arith.addi %add3A_56, %add3A_57 : i32
      %select_n3A_59 = arith.constant true
      %select_n3A_60 = arith.constant 0 : i32
      %select_n3A_61 = arith.select %select_n3A_59, %add3A_58, %select_n3A_60 : i32
      %rem3A_62 = arith.constant 0 : i32
      %rem3A_63 = arith.constant 2 : i32
      %rem3A_64 = arith.remui %rem3A_62, %rem3A_63 : i32
      %mul3A_65 = arith.constant 128 : i32
      %mul3A_66 = arith.muli %mul3A_65, %add3A_13 : i32
      %dma_start3A_67 = arith.constant 0 : i32
      %dma_start3A_68 = arith.constant 0 : i32
      %dma_start3A_69 = tpu.memref_slice %run_scoped3A_8[%rem3A_64, %dma_start3A_67, %dma_start3A_68] : memref<2x1x128xi32, #tpu.memory_space<vmem>> -> memref<1x1x128xi32, #tpu.memory_space<vmem>>
      %dma_start3A_70 = tpu.memref_squeeze %dma_start3A_69 : memref<1x1x128xi32, #tpu.memory_space<vmem>> -> memref<1x128xi32, #tpu.memory_space<vmem>>
      %dma_start3A_71 = arith.constant 0 : i32
      %dma_start3A_72 = tpu.memref_slice %arg3[%dma_start3A_71, %mul3A_66] : memref<1x16384xi32, #tpu.memory_space<hbm>> -> memref<1x128xi32, #tpu.memory_space<hbm>>
      %dma_start3A_73 = tpu.memref_slice %run_scoped3A_9[%rem3A_64] : memref<2x!tpu.dma_semaphore, #tpu.memory_space<semaphore_mem>> -> memref<1x!tpu.dma_semaphore, #tpu.memory_space<semaphore_mem>>
      %dma_start3A_74 = tpu.memref_squeeze %dma_start3A_73 : memref<1x!tpu.dma_semaphore, #tpu.memory_space<semaphore_mem>> -> memref<!tpu.dma_semaphore, #tpu.memory_space<semaphore_mem>>
      %dma_start3A_75 = arith.constant 0 : i32
      %dma_start3A_76 = arith.constant 0 : i32
      %dma_start3A_77 = tpu.memref_slice %run_scoped3A_8[%rem3A_64, %dma_start3A_75, %dma_start3A_76] : memref<2x1x128xi32, #tpu.memory_space<vmem>> -> memref<1x1x128xi32, #tpu.memory_space<vmem>>
      %dma_start3A_78 = tpu.memref_squeeze %dma_start3A_77 : memref<1x1x128xi32, #tpu.memory_space<vmem>> -> memref<1x128xi32, #tpu.memory_space<vmem>>
      %dma_start3A_79 = arith.constant 0 : i32
      %dma_start3A_80 = tpu.memref_slice %arg3[%dma_start3A_79, %mul3A_66] : memref<1x16384xi32, #tpu.memory_space<hbm>> -> memref<1x128xi32, #tpu.memory_space<hbm>>
      tpu.enqueue_dma source(%dma_start3A_80 : memref<1x128xi32, #tpu.memory_space<hbm>>) target(%dma_start3A_78 : memref<1x128xi32, #tpu.memory_space<vmem>>) target_semaphore(%dma_start3A_74 : memref<!tpu.dma_semaphore, #tpu.memory_space<semaphore_mem>>)
      %add3A_81 = arith.constant 0 : i32
      %add3A_82 = arith.constant 1 : i32
      %add3A_83 = arith.addi %add3A_81, %add3A_82 : i32
      %select_n3A_84 = arith.constant true
      %select_n3A_85 = arith.constant 0 : i32
      %select_n3A_86 = arith.select %select_n3A_84, %add3A_83, %select_n3A_85 : i32
      %rem3A_87 = arith.constant 0 : i32
      %rem3A_88 = arith.constant 2 : i32
      %rem3A_89 = arith.remui %rem3A_87, %rem3A_88 : i32
      %mul3A_90 = arith.constant 128 : i32
      %mul3A_91 = arith.muli %mul3A_90, %add3A_13 : i32
      %dma_start3A_92 = arith.constant 0 : i32
      %dma_start3A_93 = arith.constant 0 : i32
      %dma_start3A_94 = tpu.memref_slice %run_scoped3A_10[%rem3A_89, %dma_start3A_92, %dma_start3A_93] : memref<2x1x128xi32, #tpu.memory_space<vmem>> -> memref<1x1x128xi32, #tpu.memory_space<vmem>>
      %dma_start3A_95 = tpu.memref_squeeze %dma_start3A_94 : memref<1x1x128xi32, #tpu.memory_space<vmem>> -> memref<1x128xi32, #tpu.memory_space<vmem>>
      %dma_start3A_96 = arith.constant 0 : i32
      %dma_start3A_97 = tpu.memref_slice %arg4[%dma_start3A_96, %mul3A_91] : memref<1x16384xi32, #tpu.memory_space<hbm>> -> memref<1x128xi32, #tpu.memory_space<hbm>>
      %dma_start3A_98 = tpu.memref_slice %run_scoped3A_11[%rem3A_89] : memref<2x!tpu.dma_semaphore, #tpu.memory_space<semaphore_mem>> -> memref<1x!tpu.dma_semaphore, #tpu.memory_space<semaphore_mem>>
      %dma_start3A_99 = tpu.memref_squeeze %dma_start3A_98 : memref<1x!tpu.dma_semaphore, #tpu.memory_space<semaphore_mem>> -> memref<!tpu.dma_semaphore, #tpu.memory_space<semaphore_mem>>
      %dma_start3A_100 = arith.constant 0 : i32
      %dma_start3A_101 = arith.constant 0 : i32
      %dma_start3A_102 = tpu.memref_slice %run_scoped3A_10[%rem3A_89, %dma_start3A_100, %dma_start3A_101] : memref<2x1x128xi32, #tpu.memory_space<vmem>> -> memref<1x1x128xi32, #tpu.memory_space<vmem>>
      %dma_start3A_103 = tpu.memref_squeeze %dma_start3A_102 : memref<1x1x128xi32, #tpu.memory_space<vmem>> -> memref<1x128xi32, #tpu.memory_space<vmem>>
      %dma_start3A_104 = arith.constant 0 : i32
      %dma_start3A_105 = tpu.memref_slice %arg4[%dma_start3A_104, %mul3A_91] : memref<1x16384xi32, #tpu.memory_space<hbm>> -> memref<1x128xi32, #tpu.memory_space<hbm>>
      tpu.enqueue_dma source(%dma_start3A_105 : memref<1x128xi32, #tpu.memory_space<hbm>>) target(%dma_start3A_103 : memref<1x128xi32, #tpu.memory_space<vmem>>) target_semaphore(%dma_start3A_99 : memref<!tpu.dma_semaphore, #tpu.memory_space<semaphore_mem>>)
      %add3A_106 = arith.constant 0 : i32
      %add3A_107 = arith.constant 1 : i32
      %add3A_108 = arith.addi %add3A_106, %add3A_107 : i32
      %select_n3A_109 = arith.constant true
      %select_n3A_110 = arith.constant 0 : i32
      %select_n3A_111 = arith.select %select_n3A_109, %add3A_108, %select_n3A_110 : i32
      "tpu.trace_stop"() : () -> ()
      %scan3A = arith.constant 0 : i32
      %scan3A_112 = arith.constant 0 : i32
      %scan3A_113 = arith.constant 0 : i32
      %scan3A_114 = arith.constant 0 : i32
      %scan3A_115 = arith.constant 0 : i32
      %scan3A_116 = arith.constant 4 : i32
      %scan3A_117 = arith.addi %scan3A_115, %scan3A_116 : i32
      %scan3A_118 = arith.constant 1 : i32
      %scan3A_119:7 = scf.for %scan3A_156 = %scan3A_115 to %scan3A_117 step %scan3A_118 iter_args(%scan3A_157 = %select_n3A_61, %scan3A_158 = %scan3A, %scan3A_159 = %select_n3A_86, %scan3A_160 = %scan3A_112, %scan3A_161 = %select_n3A_111, %scan3A_162 = %scan3A_113, %scan3A_163 = %scan3A_114) -> (i32, i32, i32, i32, i32, i32, i32)  : i32 {
        %eq3A_164 = arith.constant 0 : i32
        %eq3A_165 = arith.cmpi eq, %scan3A_156, %eq3A_164 : i32
        %eq3A_166 = arith.constant 3 : i32
        %eq3A_167 = arith.cmpi eq, %scan3A_156, %eq3A_166 : i32
        %add3A_168 = arith.addi %scan3A_163, %mul3A_6 : i32
        %sub3A_169 = arith.constant 1 : i32
        %sub3A_170 = arith.subi %scan3A_163, %sub3A_169 : i32
        %select_n3A_171 = arith.constant true
        %select_n3A_172 = arith.select %select_n3A_171, %sub3A_170, %scan3A_163 : i32
        %eq3A_173 = arith.constant -1 : i32
        %eq3A_174 = arith.cmpi eq, %select_n3A_172, %eq3A_173 : i32
        %select_n3A_175 = arith.constant 3 : i32
        %select_n3A_176 = arith.select %eq3A_174, %select_n3A_175, %select_n3A_172 : i32
        %add3A_177 = arith.addi %select_n3A_176, %mul3A_6 : i32
        %add3A_178 = arith.constant 1 : i32
        %add3A_179 = arith.addi %scan3A_163, %add3A_178 : i32
        %select_n3A_180 = arith.constant true
        %select_n3A_181 = arith.select %select_n3A_180, %add3A_179, %scan3A_163 : i32
        %eq3A_182 = arith.constant 4 : i32
        %eq3A_183 = arith.cmpi eq, %select_n3A_181, %eq3A_182 : i32
        %select_n3A_184 = arith.constant 0 : i32
        %select_n3A_185 = arith.select %eq3A_183, %select_n3A_184, %select_n3A_181 : i32
        %add3A_186 = arith.addi %select_n3A_185, %mul3A_6 : i32
        %add3A_187 = arith.constant 1 : i32
        %add3A_188 = arith.addi %select_n3A_185, %add3A_187 : i32
        %select_n3A_189 = arith.constant true
        %select_n3A_190 = arith.select %select_n3A_189, %add3A_188, %select_n3A_185 : i32
        %eq3A_191 = arith.constant 4 : i32
        %eq3A_192 = arith.cmpi eq, %select_n3A_190, %eq3A_191 : i32
        %select_n3A_193 = arith.constant 0 : i32
        %select_n3A_194 = arith.select %eq3A_192, %select_n3A_193, %select_n3A_190 : i32
        %add3A_195 = arith.addi %select_n3A_194, %mul3A_6 : i32
        %ne3A = arith.cmpi ne, %add3A_168, %add3A_186 : i32
        %or3A = arith.constant false
        %or3A_196 = arith.ori %or3A, %ne3A : i1
        %or3A_197 = arith.constant false
        %or3A_198 = arith.ori %or3A_196, %or3A_197 : i1
        %ge3A = arith.constant 3 : i32
        %ge3A_199 = arith.cmpi sge, %scan3A_156, %ge3A : i32
        %not3A = arith.constant true
        %not3A_200 = arith.xori %ge3A_199, %not3A : i1
        %and3A = arith.andi %or3A_198, %not3A_200 : i1
        %convert_element_type3A = arith.extui %and3A : i1 to i32
        %cond3A = arith.constant 0 : i32
        %cond3A_201 = arith.cmpi ne, %convert_element_type3A, %cond3A : i32
        scf.if %cond3A_201 {
          "tpu.trace_start"() <{level = 10 : i32, message = "ep_copy_in"}> : () -> ()
          %rem3A_365 = arith.constant 2 : i32
          %rem3A_366 = arith.remui %scan3A_157, %rem3A_365 : i32
          %mul3A_367 = arith.constant 128 : i32
          %mul3A_368 = arith.muli %mul3A_367, %add3A_186 : i32
          %dma_start3A_369 = arith.constant 0 : i32
          %dma_start3A_370 = arith.constant 0 : i32
          %dma_start3A_371 = tpu.memref_slice %run_scoped3A[%rem3A_366, %dma_start3A_369, %dma_start3A_370] : memref<2x128x256xf32, #tpu.memory_space<vmem>> -> memref<1x128x256xf32, #tpu.memory_space<vmem>>
          %dma_start3A_372 = tpu.memref_squeeze %dma_start3A_371 : memref<1x128x256xf32, #tpu.memory_space<vmem>> -> memref<128x256xf32, #tpu.memory_space<vmem>>
          %dma_start3A_373 = arith.constant 0 : i32
          %dma_start3A_374 = tpu.memref_slice %arg2[%mul3A_368, %dma_start3A_373] : memref<16384x256xf32, #tpu.memory_space<hbm>> -> memref<128x256xf32, #tpu.memory_space<hbm>>
          %dma_start3A_375 = tpu.memref_slice %run_scoped3A_7[%rem3A_366] : memref<2x!tpu.dma_semaphore, #tpu.memory_space<semaphore_mem>> -> memref<1x!tpu.dma_semaphore, #tpu.memory_space<semaphore_mem>>
          %dma_start3A_376 = tpu.memref_squeeze %dma_start3A_375 : memref<1x!tpu.dma_semaphore, #tpu.memory_space<semaphore_mem>> -> memref<!tpu.dma_semaphore, #tpu.memory_space<semaphore_mem>>
          %dma_start3A_377 = arith.constant 0 : i32
          %dma_start3A_378 = arith.constant 0 : i32
          %dma_start3A_379 = tpu.memref_slice %run_scoped3A[%rem3A_366, %dma_start3A_377, %dma_start3A_378] : memref<2x128x256xf32, #tpu.memory_space<vmem>> -> memref<1x128x256xf32, #tpu.memory_space<vmem>>
          %dma_start3A_380 = tpu.memref_squeeze %dma_start3A_379 : memref<1x128x256xf32, #tpu.memory_space<vmem>> -> memref<128x256xf32, #tpu.memory_space<vmem>>
          %dma_start3A_381 = arith.constant 0 : i32
          %dma_start3A_382 = tpu.memref_slice %arg2[%mul3A_368, %dma_start3A_381] : memref<16384x256xf32, #tpu.memory_space<hbm>> -> memref<128x256xf32, #tpu.memory_space<hbm>>
          tpu.enqueue_dma source(%dma_start3A_382 : memref<128x256xf32, #tpu.memory_space<hbm>>) target(%dma_start3A_380 : memref<128x256xf32, #tpu.memory_space<vmem>>) target_semaphore(%dma_start3A_376 : memref<!tpu.dma_semaphore, #tpu.memory_space<semaphore_mem>>)
          "tpu.trace_stop"() : () -> ()
        } else {
        }
        %and3A_202 = arith.constant true
        %and3A_203 = arith.andi %and3A, %and3A_202 : i1
        %add3A_204 = arith.constant 1 : i32
        %add3A_205 = arith.addi %scan3A_157, %add3A_204 : i32
        %select_n3A_206 = arith.select %and3A_203, %add3A_205, %scan3A_157 : i32
        %ne3A_207 = arith.cmpi ne, %add3A_168, %add3A_186 : i32
        %or3A_208 = arith.constant false
        %or3A_209 = arith.ori %or3A_208, %ne3A_207 : i1
        %ge3A_210 = arith.constant 3 : i32
        %ge3A_211 = arith.cmpi sge, %scan3A_156, %ge3A_210 : i32
        %not3A_212 = arith.constant true
        %not3A_213 = arith.xori %ge3A_211, %not3A_212 : i1
        %and3A_214 = arith.andi %or3A_209, %not3A_213 : i1
        %convert_element_type3A_215 = arith.extui %and3A_214 : i1 to i32
        %cond3A_216 = arith.constant 0 : i32
        %cond3A_217 = arith.cmpi ne, %convert_element_type3A_215, %cond3A_216 : i32
        scf.if %cond3A_217 {
          "tpu.trace_start"() <{level = 10 : i32, message = "ep_copy_in"}> : () -> ()
          %rem3A_365 = arith.constant 2 : i32
          %rem3A_366 = arith.remui %scan3A_159, %rem3A_365 : i32
          %mul3A_367 = arith.constant 128 : i32
          %mul3A_368 = arith.muli %mul3A_367, %add3A_186 : i32
          %dma_start3A_369 = arith.constant 0 : i32
          %dma_start3A_370 = arith.constant 0 : i32
          %dma_start3A_371 = tpu.memref_slice %run_scoped3A_8[%rem3A_366, %dma_start3A_369, %dma_start3A_370] : memref<2x1x128xi32, #tpu.memory_space<vmem>> -> memref<1x1x128xi32, #tpu.memory_space<vmem>>
          %dma_start3A_372 = tpu.memref_squeeze %dma_start3A_371 : memref<1x1x128xi32, #tpu.memory_space<vmem>> -> memref<1x128xi32, #tpu.memory_space<vmem>>
          %dma_start3A_373 = arith.constant 0 : i32
          %dma_start3A_374 = tpu.memref_slice %arg3[%dma_start3A_373, %mul3A_368] : memref<1x16384xi32, #tpu.memory_space<hbm>> -> memref<1x128xi32, #tpu.memory_space<hbm>>
          %dma_start3A_375 = tpu.memref_slice %run_scoped3A_9[%rem3A_366] : memref<2x!tpu.dma_semaphore, #tpu.memory_space<semaphore_mem>> -> memref<1x!tpu.dma_semaphore, #tpu.memory_space<semaphore_mem>>
          %dma_start3A_376 = tpu.memref_squeeze %dma_start3A_375 : memref<1x!tpu.dma_semaphore, #tpu.memory_space<semaphore_mem>> -> memref<!tpu.dma_semaphore, #tpu.memory_space<semaphore_mem>>
          %dma_start3A_377 = arith.constant 0 : i32
          %dma_start3A_378 = arith.constant 0 : i32
          %dma_start3A_379 = tpu.memref_slice %run_scoped3A_8[%rem3A_366, %dma_start3A_377, %dma_start3A_378] : memref<2x1x128xi32, #tpu.memory_space<vmem>> -> memref<1x1x128xi32, #tpu.memory_space<vmem>>
          %dma_start3A_380 = tpu.memref_squeeze %dma_start3A_379 : memref<1x1x128xi32, #tpu.memory_space<vmem>> -> memref<1x128xi32, #tpu.memory_space<vmem>>
          %dma_start3A_381 = arith.constant 0 : i32
          %dma_start3A_382 = tpu.memref_slice %arg3[%dma_start3A_381, %mul3A_368] : memref<1x16384xi32, #tpu.memory_space<hbm>> -> memref<1x128xi32, #tpu.memory_space<hbm>>
          tpu.enqueue_dma source(%dma_start3A_382 : memref<1x128xi32, #tpu.memory_space<hbm>>) target(%dma_start3A_380 : memref<1x128xi32, #tpu.memory_space<vmem>>) target_semaphore(%dma_start3A_376 : memref<!tpu.dma_semaphore, #tpu.memory_space<semaphore_mem>>)
          "tpu.trace_stop"() : () -> ()
        } else {
        }
        %and3A_218 = arith.constant true
        %and3A_219 = arith.andi %and3A_214, %and3A_218 : i1
        %add3A_220 = arith.constant 1 : i32
        %add3A_221 = arith.addi %scan3A_159, %add3A_220 : i32
        %select_n3A_222 = arith.select %and3A_219, %add3A_221, %scan3A_159 : i32
        %ne3A_223 = arith.cmpi ne, %add3A_168, %add3A_186 : i32
        %or3A_224 = arith.constant false
        %or3A_225 = arith.ori %or3A_224, %ne3A_223 : i1
        %ge3A_226 = arith.constant 3 : i32
        %ge3A_227 = arith.cmpi sge, %scan3A_156, %ge3A_226 : i32
        %not3A_228 = arith.constant true
        %not3A_229 = arith.xori %ge3A_227, %not3A_228 : i1
        %and3A_230 = arith.andi %or3A_225, %not3A_229 : i1
        %convert_element_type3A_231 = arith.extui %and3A_230 : i1 to i32
        %cond3A_232 = arith.constant 0 : i32
        %cond3A_233 = arith.cmpi ne, %convert_element_type3A_231, %cond3A_232 : i32
        scf.if %cond3A_233 {
          "tpu.trace_start"() <{level = 10 : i32, message = "ep_copy_in"}> : () -> ()
          %rem3A_365 = arith.constant 2 : i32
          %rem3A_366 = arith.remui %scan3A_161, %rem3A_365 : i32
          %mul3A_367 = arith.constant 128 : i32
          %mul3A_368 = arith.muli %mul3A_367, %add3A_186 : i32
          %dma_start3A_369 = arith.constant 0 : i32
          %dma_start3A_370 = arith.constant 0 : i32
          %dma_start3A_371 = tpu.memref_slice %run_scoped3A_10[%rem3A_366, %dma_start3A_369, %dma_start3A_370] : memref<2x1x128xi32, #tpu.memory_space<vmem>> -> memref<1x1x128xi32, #tpu.memory_space<vmem>>
          %dma_start3A_372 = tpu.memref_squeeze %dma_start3A_371 : memref<1x1x128xi32, #tpu.memory_space<vmem>> -> memref<1x128xi32, #tpu.memory_space<vmem>>
          %dma_start3A_373 = arith.constant 0 : i32
          %dma_start3A_374 = tpu.memref_slice %arg4[%dma_start3A_373, %mul3A_368] : memref<1x16384xi32, #tpu.memory_space<hbm>> -> memref<1x128xi32, #tpu.memory_space<hbm>>
          %dma_start3A_375 = tpu.memref_slice %run_scoped3A_11[%rem3A_366] : memref<2x!tpu.dma_semaphore, #tpu.memory_space<semaphore_mem>> -> memref<1x!tpu.dma_semaphore, #tpu.memory_space<semaphore_mem>>
          %dma_start3A_376 = tpu.memref_squeeze %dma_start3A_375 : memref<1x!tpu.dma_semaphore, #tpu.memory_space<semaphore_mem>> -> memref<!tpu.dma_semaphore, #tpu.memory_space<semaphore_mem>>
          %dma_start3A_377 = arith.constant 0 : i32
          %dma_start3A_378 = arith.constant 0 : i32
          %dma_start3A_379 = tpu.memref_slice %run_scoped3A_10[%rem3A_366, %dma_start3A_377, %dma_start3A_378] : memref<2x1x128xi32, #tpu.memory_space<vmem>> -> memref<1x1x128xi32, #tpu.memory_space<vmem>>
          %dma_start3A_380 = tpu.memref_squeeze %dma_start3A_379 : memref<1x1x128xi32, #tpu.memory_space<vmem>> -> memref<1x128xi32, #tpu.memory_space<vmem>>
          %dma_start3A_381 = arith.constant 0 : i32
          %dma_start3A_382 = tpu.memref_slice %arg4[%dma_start3A_381, %mul3A_368] : memref<1x16384xi32, #tpu.memory_space<hbm>> -> memref<1x128xi32, #tpu.memory_space<hbm>>
          tpu.enqueue_dma source(%dma_start3A_382 : memref<1x128xi32, #tpu.memory_space<hbm>>) target(%dma_start3A_380 : memref<1x128xi32, #tpu.memory_space<vmem>>) target_semaphore(%dma_start3A_376 : memref<!tpu.dma_semaphore, #tpu.memory_space<semaphore_mem>>)
          "tpu.trace_stop"() : () -> ()
        } else {
        }
        %and3A_234 = arith.constant true
        %and3A_235 = arith.andi %and3A_230, %and3A_234 : i1
        %add3A_236 = arith.constant 1 : i32
        %add3A_237 = arith.addi %scan3A_161, %add3A_236 : i32
        %select_n3A_238 = arith.select %and3A_235, %add3A_237, %scan3A_161 : i32
        %ne3A_239 = arith.cmpi ne, %add3A_168, %add3A_177 : i32
        %or3A_240 = arith.constant false
        %or3A_241 = arith.ori %or3A_240, %ne3A_239 : i1
        %or3A_242 = arith.constant false
        %or3A_243 = arith.ori %or3A_241, %or3A_242 : i1
        %or3A_244 = arith.ori %or3A_243, %eq3A_165 : i1
        %convert_element_type3A_245 = arith.extui %or3A_244 : i1 to i32
        %cond3A_246 = arith.constant 0 : i32
        %cond3A_247 = arith.cmpi ne, %convert_element_type3A_245, %cond3A_246 : i32
        scf.if %cond3A_247 {
          "tpu.trace_start"() <{level = 10 : i32, message = "ep_wait_in"}> : () -> ()
          %mul3A_365 = arith.constant 128 : i32
          %mul3A_366 = arith.muli %mul3A_365, %add3A_168 : i32
          %rem3A_367 = arith.constant 2 : i32
          %rem3A_368 = arith.remui %scan3A_158, %rem3A_367 : i32
          %dma_wait3A = arith.constant 0 : i32
          %dma_wait3A_369 = arith.constant 0 : i32
          %dma_wait3A_370 = tpu.memref_slice %run_scoped3A[%rem3A_368, %dma_wait3A, %dma_wait3A_369] : memref<2x128x256xf32, #tpu.memory_space<vmem>> -> memref<1x128x256xf32, #tpu.memory_space<vmem>>
          %dma_wait3A_371 = tpu.memref_squeeze %dma_wait3A_370 : memref<1x128x256xf32, #tpu.memory_space<vmem>> -> memref<128x256xf32, #tpu.memory_space<vmem>>
          %dma_wait3A_372 = arith.constant 0 : i32
          %dma_wait3A_373 = tpu.memref_slice %arg2[%mul3A_366, %dma_wait3A_372] : memref<16384x256xf32, #tpu.memory_space<hbm>> -> memref<128x256xf32, #tpu.memory_space<hbm>>
          %dma_wait3A_374 = tpu.memref_slice %run_scoped3A_7[%rem3A_368] : memref<2x!tpu.dma_semaphore, #tpu.memory_space<semaphore_mem>> -> memref<1x!tpu.dma_semaphore, #tpu.memory_space<semaphore_mem>>
          %dma_wait3A_375 = tpu.memref_squeeze %dma_wait3A_374 : memref<1x!tpu.dma_semaphore, #tpu.memory_space<semaphore_mem>> -> memref<!tpu.dma_semaphore, #tpu.memory_space<semaphore_mem>>
          %dma_wait3A_376 = arith.constant 0 : i32
          %dma_wait3A_377 = arith.constant 0 : i32
          %dma_wait3A_378 = tpu.memref_slice %run_scoped3A[%rem3A_368, %dma_wait3A_376, %dma_wait3A_377] : memref<2x128x256xf32, #tpu.memory_space<vmem>> -> memref<1x128x256xf32, #tpu.memory_space<vmem>>
          %dma_wait3A_379 = tpu.memref_squeeze %dma_wait3A_378 : memref<1x128x256xf32, #tpu.memory_space<vmem>> -> memref<128x256xf32, #tpu.memory_space<vmem>>
          %dma_wait3A_380 = arith.constant 0 : i32
          %dma_wait3A_381 = tpu.memref_slice %arg2[%mul3A_366, %dma_wait3A_380] : memref<16384x256xf32, #tpu.memory_space<hbm>> -> memref<128x256xf32, #tpu.memory_space<hbm>>
          tpu.wait_dma2 semaphore(%dma_wait3A_375 : memref<!tpu.dma_semaphore, #tpu.memory_space<semaphore_mem>>) src(%dma_wait3A_381 : memref<128x256xf32, #tpu.memory_space<hbm>>) dst(%dma_wait3A_379 : memref<128x256xf32, #tpu.memory_space<vmem>>)
          "tpu.trace_stop"() : () -> ()
        } else {
        }
        %ne3A_248 = arith.cmpi ne, %add3A_168, %add3A_177 : i32
        %or3A_249 = arith.constant false
        %or3A_250 = arith.ori %or3A_249, %ne3A_248 : i1
        %or3A_251 = arith.ori %or3A_250, %eq3A_165 : i1
        %convert_element_type3A_252 = arith.extui %or3A_251 : i1 to i32
        %cond3A_253 = arith.constant 0 : i32
        %cond3A_254 = arith.cmpi ne, %convert_element_type3A_252, %cond3A_253 : i32
        scf.if %cond3A_254 {
          "tpu.trace_start"() <{level = 10 : i32, message = "ep_wait_in"}> : () -> ()
          %mul3A_365 = arith.constant 128 : i32
          %mul3A_366 = arith.muli %mul3A_365, %add3A_168 : i32
          %rem3A_367 = arith.constant 2 : i32
          %rem3A_368 = arith.remui %scan3A_160, %rem3A_367 : i32
          %dma_wait3A = arith.constant 0 : i32
          %dma_wait3A_369 = arith.constant 0 : i32
          %dma_wait3A_370 = tpu.memref_slice %run_scoped3A_8[%rem3A_368, %dma_wait3A, %dma_wait3A_369] : memref<2x1x128xi32, #tpu.memory_space<vmem>> -> memref<1x1x128xi32, #tpu.memory_space<vmem>>
          %dma_wait3A_371 = tpu.memref_squeeze %dma_wait3A_370 : memref<1x1x128xi32, #tpu.memory_space<vmem>> -> memref<1x128xi32, #tpu.memory_space<vmem>>
          %dma_wait3A_372 = arith.constant 0 : i32
          %dma_wait3A_373 = tpu.memref_slice %arg3[%dma_wait3A_372, %mul3A_366] : memref<1x16384xi32, #tpu.memory_space<hbm>> -> memref<1x128xi32, #tpu.memory_space<hbm>>
          %dma_wait3A_374 = tpu.memref_slice %run_scoped3A_9[%rem3A_368] : memref<2x!tpu.dma_semaphore, #tpu.memory_space<semaphore_mem>> -> memref<1x!tpu.dma_semaphore, #tpu.memory_space<semaphore_mem>>
          %dma_wait3A_375 = tpu.memref_squeeze %dma_wait3A_374 : memref<1x!tpu.dma_semaphore, #tpu.memory_space<semaphore_mem>> -> memref<!tpu.dma_semaphore, #tpu.memory_space<semaphore_mem>>
          %dma_wait3A_376 = arith.constant 0 : i32
          %dma_wait3A_377 = arith.constant 0 : i32
          %dma_wait3A_378 = tpu.memref_slice %run_scoped3A_8[%rem3A_368, %dma_wait3A_376, %dma_wait3A_377] : memref<2x1x128xi32, #tpu.memory_space<vmem>> -> memref<1x1x128xi32, #tpu.memory_space<vmem>>
          %dma_wait3A_379 = tpu.memref_squeeze %dma_wait3A_378 : memref<1x1x128xi32, #tpu.memory_space<vmem>> -> memref<1x128xi32, #tpu.memory_space<vmem>>
          %dma_wait3A_380 = arith.constant 0 : i32
          %dma_wait3A_381 = tpu.memref_slice %arg3[%dma_wait3A_380, %mul3A_366] : memref<1x16384xi32, #tpu.memory_space<hbm>> -> memref<1x128xi32, #tpu.memory_space<hbm>>
          tpu.wait_dma2 semaphore(%dma_wait3A_375 : memref<!tpu.dma_semaphore, #tpu.memory_space<semaphore_mem>>) src(%dma_wait3A_381 : memref<1x128xi32, #tpu.memory_space<hbm>>) dst(%dma_wait3A_379 : memref<1x128xi32, #tpu.memory_space<vmem>>)
          "tpu.trace_stop"() : () -> ()
        } else {
        }
        %ne3A_255 = arith.cmpi ne, %add3A_168, %add3A_177 : i32
        %or3A_256 = arith.constant false
        %or3A_257 = arith.ori %or3A_256, %ne3A_255 : i1
        %or3A_258 = arith.ori %or3A_257, %eq3A_165 : i1
        %convert_element_type3A_259 = arith.extui %or3A_258 : i1 to i32
        %cond3A_260 = arith.constant 0 : i32
        %cond3A_261 = arith.cmpi ne, %convert_element_type3A_259, %cond3A_260 : i32
        scf.if %cond3A_261 {
          "tpu.trace_start"() <{level = 10 : i32, message = "ep_wait_in"}> : () -> ()
          %mul3A_365 = arith.constant 128 : i32
          %mul3A_366 = arith.muli %mul3A_365, %add3A_168 : i32
          %rem3A_367 = arith.constant 2 : i32
          %rem3A_368 = arith.remui %scan3A_162, %rem3A_367 : i32
          %dma_wait3A = arith.constant 0 : i32
          %dma_wait3A_369 = arith.constant 0 : i32
          %dma_wait3A_370 = tpu.memref_slice %run_scoped3A_10[%rem3A_368, %dma_wait3A, %dma_wait3A_369] : memref<2x1x128xi32, #tpu.memory_space<vmem>> -> memref<1x1x128xi32, #tpu.memory_space<vmem>>
          %dma_wait3A_371 = tpu.memref_squeeze %dma_wait3A_370 : memref<1x1x128xi32, #tpu.memory_space<vmem>> -> memref<1x128xi32, #tpu.memory_space<vmem>>
          %dma_wait3A_372 = arith.constant 0 : i32
          %dma_wait3A_373 = tpu.memref_slice %arg4[%dma_wait3A_372, %mul3A_366] : memref<1x16384xi32, #tpu.memory_space<hbm>> -> memref<1x128xi32, #tpu.memory_space<hbm>>
          %dma_wait3A_374 = tpu.memref_slice %run_scoped3A_11[%rem3A_368] : memref<2x!tpu.dma_semaphore, #tpu.memory_space<semaphore_mem>> -> memref<1x!tpu.dma_semaphore, #tpu.memory_space<semaphore_mem>>
          %dma_wait3A_375 = tpu.memref_squeeze %dma_wait3A_374 : memref<1x!tpu.dma_semaphore, #tpu.memory_space<semaphore_mem>> -> memref<!tpu.dma_semaphore, #tpu.memory_space<semaphore_mem>>
          %dma_wait3A_376 = arith.constant 0 : i32
          %dma_wait3A_377 = arith.constant 0 : i32
          %dma_wait3A_378 = tpu.memref_slice %run_scoped3A_10[%rem3A_368, %dma_wait3A_376, %dma_wait3A_377] : memref<2x1x128xi32, #tpu.memory_space<vmem>> -> memref<1x1x128xi32, #tpu.memory_space<vmem>>
          %dma_wait3A_379 = tpu.memref_squeeze %dma_wait3A_378 : memref<1x1x128xi32, #tpu.memory_space<vmem>> -> memref<1x128xi32, #tpu.memory_space<vmem>>
          %dma_wait3A_380 = arith.constant 0 : i32
          %dma_wait3A_381 = tpu.memref_slice %arg4[%dma_wait3A_380, %mul3A_366] : memref<1x16384xi32, #tpu.memory_space<hbm>> -> memref<1x128xi32, #tpu.memory_space<hbm>>
          tpu.wait_dma2 semaphore(%dma_wait3A_375 : memref<!tpu.dma_semaphore, #tpu.memory_space<semaphore_mem>>) src(%dma_wait3A_381 : memref<1x128xi32, #tpu.memory_space<hbm>>) dst(%dma_wait3A_379 : memref<1x128xi32, #tpu.memory_space<vmem>>)
          "tpu.trace_stop"() : () -> ()
        } else {
        }
        %rem3A_262 = arith.constant 2 : i32
        %rem3A_263 = arith.remui %scan3A_158, %rem3A_262 : i32
        %rem3A_264 = arith.constant 2 : i32
        %rem3A_265 = arith.remui %scan3A_160, %rem3A_264 : i32
        %rem3A_266 = arith.constant 2 : i32
        %rem3A_267 = arith.remui %scan3A_162, %rem3A_266 : i32
        %run_scoped3A_268 = arith.constant 0 : i32
        "tpu.trace_start"() <{level = 10 : i32, message = "ep_run_kernel"}> : () -> ()
        "tpu.region"() ({
          %run_scoped3A_365 = tpu.sem_alloc : memref<!tpu.dma_semaphore, #tpu.memory_space<semaphore_mem>>
          %dma_start3A_366 = arith.constant 0 : i32
          %dma_start3A_367 = arith.constant 0 : i32
          %dma_start3A_368 = tpu.memref_slice %run_scoped3A[%rem3A_263, %dma_start3A_366, %dma_start3A_367] : memref<2x128x256xf32, #tpu.memory_space<vmem>> -> memref<1x128x256xf32, #tpu.memory_space<vmem>>
          %dma_start3A_369 = tpu.memref_squeeze %dma_start3A_368 : memref<1x128x256xf32, #tpu.memory_space<vmem>> -> memref<128x256xf32, #tpu.memory_space<vmem>>
          %dma_start3A_370 = arith.constant 0 : i32
          %dma_start3A_371 = arith.constant 0 : i32
          %dma_start3A_372 = tpu.memref_slice %run_scoped3A_8[%rem3A_265, %dma_start3A_370, %dma_start3A_371] : memref<2x1x128xi32, #tpu.memory_space<vmem>> -> memref<1x1x128xi32, #tpu.memory_space<vmem>>
          %dma_start3A_373 = tpu.memref_squeeze %dma_start3A_372 : memref<1x1x128xi32, #tpu.memory_space<vmem>> -> memref<1x128xi32, #tpu.memory_space<vmem>>
          %dma_start3A_374 = arith.constant 0 : i32
          %dma_start3A_375 = tpu.memref_slice %dma_start3A_373[%run_scoped3A_268, %dma_start3A_374] : memref<1x128xi32, #tpu.memory_space<vmem>> -> memref<1x128xi32, #tpu.memory_space<vmem>>
          %dma_start3A_376 = tpu.memref_squeeze %dma_start3A_375 : memref<1x128xi32, #tpu.memory_space<vmem>> -> memref<128xi32, #tpu.memory_space<vmem>>
          %dma_start3A_377 = arith.constant 0 : i32
          %dma_start3A_378 = arith.constant 0 : i32
          %dma_start3A_379 = tpu.memref_slice %arg5[%dma_start3A_377, %dma_start3A_378] : memref<35840x256xf32, #tpu.memory_space<hbm>> -> memref<35840x256xf32, #tpu.memory_space<hbm>>
          tpu.enqueue_indirect_dma source(%dma_start3A_369 : memref<128x256xf32, #tpu.memory_space<vmem>>) target(%dma_start3A_379 : memref<35840x256xf32, #tpu.memory_space<hbm>>) offsets(%dma_start3A_376 : memref<128xi32, #tpu.memory_space<vmem>>) semaphore(%run_scoped3A_365 : memref<!tpu.dma_semaphore, #tpu.memory_space<semaphore_mem>>)
          %dma_wait3A = arith.constant 0 : i32
          %dma_wait3A_380 = arith.constant 0 : i32
          %dma_wait3A_381 = tpu.memref_slice %run_scoped3A[%rem3A_263, %dma_wait3A, %dma_wait3A_380] : memref<2x128x256xf32, #tpu.memory_space<vmem>> -> memref<1x128x256xf32, #tpu.memory_space<vmem>>
          %dma_wait3A_382 = tpu.memref_squeeze %dma_wait3A_381 : memref<1x128x256xf32, #tpu.memory_space<vmem>> -> memref<128x256xf32, #tpu.memory_space<vmem>>
          %dma_wait3A_383 = arith.constant 0 : i32
          %dma_wait3A_384 = arith.constant 0 : i32
          %dma_wait3A_385 = tpu.memref_slice %run_scoped3A_8[%rem3A_265, %dma_wait3A_383, %dma_wait3A_384] : memref<2x1x128xi32, #tpu.memory_space<vmem>> -> memref<1x1x128xi32, #tpu.memory_space<vmem>>
          %dma_wait3A_386 = tpu.memref_squeeze %dma_wait3A_385 : memref<1x1x128xi32, #tpu.memory_space<vmem>> -> memref<1x128xi32, #tpu.memory_space<vmem>>
          %dma_wait3A_387 = arith.constant 0 : i32
          %dma_wait3A_388 = tpu.memref_slice %dma_wait3A_386[%run_scoped3A_268, %dma_wait3A_387] : memref<1x128xi32, #tpu.memory_space<vmem>> -> memref<1x128xi32, #tpu.memory_space<vmem>>
          %dma_wait3A_389 = tpu.memref_squeeze %dma_wait3A_388 : memref<1x128xi32, #tpu.memory_space<vmem>> -> memref<128xi32, #tpu.memory_space<vmem>>
          %dma_wait3A_390 = arith.constant 0 : i32
          %dma_wait3A_391 = arith.constant 0 : i32
          %dma_wait3A_392 = tpu.memref_slice %arg5[%dma_wait3A_390, %dma_wait3A_391] : memref<35840x256xf32, #tpu.memory_space<hbm>> -> memref<35840x256xf32, #tpu.memory_space<hbm>>
          tpu.wait_indirect_dma semaphore(%run_scoped3A_365 : memref<!tpu.dma_semaphore, #tpu.memory_space<semaphore_mem>>) src(%dma_wait3A_382 : memref<128x256xf32, #tpu.memory_space<vmem>>) dst(%dma_wait3A_392 : memref<35840x256xf32, #tpu.memory_space<hbm>>)
          tpu.yield
        }) : () -> ()
        %run_scoped3A_269 = arith.constant 0 : i32
        "tpu.region"() ({
          %run_scoped3A_365 = tpu.sem_alloc : memref<!tpu.dma_semaphore, #tpu.memory_space<semaphore_mem>>
          %dma_start3A_366 = arith.constant 0 : i32
          %dma_start3A_367 = arith.constant 0 : i32
          %dma_start3A_368 = tpu.memref_slice %run_scoped3A[%rem3A_263, %dma_start3A_366, %dma_start3A_367] : memref<2x128x256xf32, #tpu.memory_space<vmem>> -> memref<1x128x256xf32, #tpu.memory_space<vmem>>
          %dma_start3A_369 = tpu.memref_squeeze %dma_start3A_368 : memref<1x128x256xf32, #tpu.memory_space<vmem>> -> memref<128x256xf32, #tpu.memory_space<vmem>>
          %dma_start3A_370 = arith.constant 0 : i32
          %dma_start3A_371 = arith.constant 0 : i32
          %dma_start3A_372 = tpu.memref_slice %run_scoped3A_10[%rem3A_267, %dma_start3A_370, %dma_start3A_371] : memref<2x1x128xi32, #tpu.memory_space<vmem>> -> memref<1x1x128xi32, #tpu.memory_space<vmem>>
          %dma_start3A_373 = tpu.memref_squeeze %dma_start3A_372 : memref<1x1x128xi32, #tpu.memory_space<vmem>> -> memref<1x128xi32, #tpu.memory_space<vmem>>
          %dma_start3A_374 = arith.constant 0 : i32
          %dma_start3A_375 = tpu.memref_slice %dma_start3A_373[%run_scoped3A_269, %dma_start3A_374] : memref<1x128xi32, #tpu.memory_space<vmem>> -> memref<1x128xi32, #tpu.memory_space<vmem>>
          %dma_start3A_376 = tpu.memref_squeeze %dma_start3A_375 : memref<1x128xi32, #tpu.memory_space<vmem>> -> memref<128xi32, #tpu.memory_space<vmem>>
          %dma_start3A_377 = arith.constant 0 : i32
          %dma_start3A_378 = arith.constant 0 : i32
          %dma_start3A_379 = tpu.memref_slice %arg5[%dma_start3A_377, %dma_start3A_378] : memref<35840x256xf32, #tpu.memory_space<hbm>> -> memref<35840x256xf32, #tpu.memory_space<hbm>>
          tpu.enqueue_indirect_dma source(%dma_start3A_369 : memref<128x256xf32, #tpu.memory_space<vmem>>) target(%dma_start3A_379 : memref<35840x256xf32, #tpu.memory_space<hbm>>) offsets(%dma_start3A_376 : memref<128xi32, #tpu.memory_space<vmem>>) semaphore(%run_scoped3A_365 : memref<!tpu.dma_semaphore, #tpu.memory_space<semaphore_mem>>)
          %dma_wait3A = arith.constant 0 : i32
          %dma_wait3A_380 = arith.constant 0 : i32
          %dma_wait3A_381 = tpu.memref_slice %run_scoped3A[%rem3A_263, %dma_wait3A, %dma_wait3A_380] : memref<2x128x256xf32, #tpu.memory_space<vmem>> -> memref<1x128x256xf32, #tpu.memory_space<vmem>>
          %dma_wait3A_382 = tpu.memref_squeeze %dma_wait3A_381 : memref<1x128x256xf32, #tpu.memory_space<vmem>> -> memref<128x256xf32, #tpu.memory_space<vmem>>
          %dma_wait3A_383 = arith.constant 0 : i32
          %dma_wait3A_384 = arith.constant 0 : i32
          %dma_wait3A_385 = tpu.memref_slice %run_scoped3A_10[%rem3A_267, %dma_wait3A_383, %dma_wait3A_384] : memref<2x1x128xi32, #tpu.memory_space<vmem>> -> memref<1x1x128xi32, #tpu.memory_space<vmem>>
          %dma_wait3A_386 = tpu.memref_squeeze %dma_wait3A_385 : memref<1x1x128xi32, #tpu.memory_space<vmem>> -> memref<1x128xi32, #tpu.memory_space<vmem>>
          %dma_wait3A_387 = arith.constant 0 : i32
          %dma_wait3A_388 = tpu.memref_slice %dma_wait3A_386[%run_scoped3A_269, %dma_wait3A_387] : memref<1x128xi32, #tpu.memory_space<vmem>> -> memref<1x128xi32, #tpu.memory_space<vmem>>
          %dma_wait3A_389 = tpu.memref_squeeze %dma_wait3A_388 : memref<1x128xi32, #tpu.memory_space<vmem>> -> memref<128xi32, #tpu.memory_space<vmem>>
          %dma_wait3A_390 = arith.constant 0 : i32
          %dma_wait3A_391 = arith.constant 0 : i32
          %dma_wait3A_392 = tpu.memref_slice %arg5[%dma_wait3A_390, %dma_wait3A_391] : memref<35840x256xf32, #tpu.memory_space<hbm>> -> memref<35840x256xf32, #tpu.memory_space<hbm>>
          tpu.wait_indirect_dma semaphore(%run_scoped3A_365 : memref<!tpu.dma_semaphore, #tpu.memory_space<semaphore_mem>>) src(%dma_wait3A_382 : memref<128x256xf32, #tpu.memory_space<vmem>>) dst(%dma_wait3A_392 : memref<35840x256xf32, #tpu.memory_space<hbm>>)
          tpu.yield
        }) : () -> ()
        "tpu.trace_stop"() : () -> ()
        %ne3A_270 = arith.cmpi ne, %add3A_168, %add3A_186 : i32
        %or3A_271 = arith.constant false
        %or3A_272 = arith.ori %or3A_271, %ne3A_270 : i1
        %or3A_273 = arith.constant false
        %or3A_274 = arith.ori %or3A_272, %or3A_273 : i1
        %or3A_275 = arith.ori %or3A_274, %eq3A_167 : i1
        %convert_element_type3A_276 = arith.extui %or3A_275 : i1 to i32
        %cond3A_277 = arith.constant 0 : i32
        %cond3A_278 = arith.cmpi ne, %convert_element_type3A_276, %cond3A_277 : i32
        scf.if %cond3A_278 {
        } else {
        }
        %and3A_279 = arith.constant false
        %and3A_280 = arith.andi %or3A_275, %and3A_279 : i1
        %ne3A_281 = arith.cmpi ne, %add3A_168, %add3A_186 : i32
        %or3A_282 = arith.constant false
        %or3A_283 = arith.ori %or3A_282, %ne3A_281 : i1
        %or3A_284 = arith.ori %or3A_283, %eq3A_167 : i1
        %convert_element_type3A_285 = arith.extui %or3A_284 : i1 to i32
        %cond3A_286 = arith.constant 0 : i32
        %cond3A_287 = arith.cmpi ne, %convert_element_type3A_285, %cond3A_286 : i32
        scf.if %cond3A_287 {
        } else {
        }
        %and3A_288 = arith.constant false
        %and3A_289 = arith.andi %or3A_284, %and3A_288 : i1
        %ne3A_290 = arith.cmpi ne, %add3A_168, %add3A_186 : i32
        %or3A_291 = arith.constant false
        %or3A_292 = arith.ori %or3A_291, %ne3A_290 : i1
        %or3A_293 = arith.ori %or3A_292, %eq3A_167 : i1
        %convert_element_type3A_294 = arith.extui %or3A_293 : i1 to i32
        %cond3A_295 = arith.constant 0 : i32
        %cond3A_296 = arith.cmpi ne, %convert_element_type3A_294, %cond3A_295 : i32
        scf.if %cond3A_296 {
        } else {
        }
        %and3A_297 = arith.constant false
        %and3A_298 = arith.andi %or3A_293, %and3A_297 : i1
        %ne3A_299 = arith.cmpi ne, %add3A_168, %add3A_177 : i32
        %or3A_300 = arith.constant false
        %or3A_301 = arith.ori %or3A_300, %ne3A_299 : i1
        %or3A_302 = arith.constant false
        %or3A_303 = arith.ori %or3A_301, %or3A_302 : i1
        %not3A_304 = arith.constant true
        %not3A_305 = arith.xori %eq3A_165, %not3A_304 : i1
        %and3A_306 = arith.andi %or3A_303, %not3A_305 : i1
        %convert_element_type3A_307 = arith.extui %and3A_306 : i1 to i32
        %cond3A_308 = arith.constant 0 : i32
        %cond3A_309 = arith.cmpi ne, %convert_element_type3A_307, %cond3A_308 : i32
        scf.if %cond3A_309 {
        } else {
        }
        %and3A_310 = arith.constant false
        %and3A_311 = arith.andi %and3A_306, %and3A_310 : i1
        %ne3A_312 = arith.cmpi ne, %add3A_168, %add3A_177 : i32
        %or3A_313 = arith.constant false
        %or3A_314 = arith.ori %or3A_313, %ne3A_312 : i1
        %not3A_315 = arith.constant true
        %not3A_316 = arith.xori %eq3A_165, %not3A_315 : i1
        %and3A_317 = arith.andi %or3A_314, %not3A_316 : i1
        %convert_element_type3A_318 = arith.extui %and3A_317 : i1 to i32
        %cond3A_319 = arith.constant 0 : i32
        %cond3A_320 = arith.cmpi ne, %convert_element_type3A_318, %cond3A_319 : i32
        scf.if %cond3A_320 {
        } else {
        }
        %and3A_321 = arith.constant false
        %and3A_322 = arith.andi %and3A_317, %and3A_321 : i1
        %ne3A_323 = arith.cmpi ne, %add3A_168, %add3A_177 : i32
        %or3A_324 = arith.constant false
        %or3A_325 = arith.ori %or3A_324, %ne3A_323 : i1
        %not3A_326 = arith.constant true
        %not3A_327 = arith.xori %eq3A_165, %not3A_326 : i1
        %and3A_328 = arith.andi %or3A_325, %not3A_327 : i1
        %convert_element_type3A_329 = arith.extui %and3A_328 : i1 to i32
        %cond3A_330 = arith.constant 0 : i32
        %cond3A_331 = arith.cmpi ne, %convert_element_type3A_329, %cond3A_330 : i32
        scf.if %cond3A_331 {
        } else {
        }
        %and3A_332 = arith.constant false
        %and3A_333 = arith.andi %and3A_328, %and3A_332 : i1
        %ne3A_334 = arith.cmpi ne, %add3A_168, %add3A_186 : i32
        %or3A_335 = arith.constant false
        %or3A_336 = arith.ori %or3A_335, %ne3A_334 : i1
        %or3A_337 = arith.constant false
        %or3A_338 = arith.ori %or3A_336, %or3A_337 : i1
        %or3A_339 = arith.ori %or3A_338, %eq3A_167 : i1
        %add3A_340 = arith.constant 1 : i32
        %add3A_341 = arith.addi %scan3A_158, %add3A_340 : i32
        %select_n3A_342 = arith.select %or3A_339, %add3A_341, %scan3A_158 : i32
        %ne3A_343 = arith.cmpi ne, %add3A_168, %add3A_186 : i32
        %or3A_344 = arith.constant false
        %or3A_345 = arith.ori %or3A_344, %ne3A_343 : i1
        %or3A_346 = arith.ori %or3A_345, %eq3A_167 : i1
        %add3A_347 = arith.constant 1 : i32
        %add3A_348 = arith.addi %scan3A_160, %add3A_347 : i32
        %select_n3A_349 = arith.select %or3A_346, %add3A_348, %scan3A_160 : i32
        %ne3A_350 = arith.cmpi ne, %add3A_168, %add3A_186 : i32
        %or3A_351 = arith.constant false
        %or3A_352 = arith.ori %or3A_351, %ne3A_350 : i1
        %or3A_353 = arith.ori %or3A_352, %eq3A_167 : i1
        %add3A_354 = arith.constant 1 : i32
        %add3A_355 = arith.addi %scan3A_162, %add3A_354 : i32
        %select_n3A_356 = arith.select %or3A_353, %add3A_355, %scan3A_162 : i32
        %add3A_357 = arith.constant 1 : i32
        %add3A_358 = arith.addi %scan3A_163, %add3A_357 : i32
        %select_n3A_359 = arith.constant true
        %select_n3A_360 = arith.select %select_n3A_359, %add3A_358, %scan3A_163 : i32
        %eq3A_361 = arith.constant 4 : i32
        %eq3A_362 = arith.cmpi eq, %select_n3A_360, %eq3A_361 : i32
        %select_n3A_363 = arith.constant 0 : i32
        %select_n3A_364 = arith.select %eq3A_362, %select_n3A_363, %select_n3A_360 : i32
        scf.yield %select_n3A_206, %select_n3A_342, %select_n3A_222, %select_n3A_349, %select_n3A_238, %select_n3A_356, %select_n3A_364 : i32, i32, i32, i32, i32, i32, i32
      }
      %scan3A_120 = arith.constant 4 : i32
      %sub3A = arith.constant 1 : i32
      %sub3A_121 = arith.subi %scan3A_119#6, %sub3A : i32
      %select_n3A_122 = arith.constant true
      %select_n3A_123 = arith.select %select_n3A_122, %sub3A_121, %scan3A_119#6 : i32
      %eq3A_124 = arith.constant -1 : i32
      %eq3A_125 = arith.cmpi eq, %select_n3A_123, %eq3A_124 : i32
      %select_n3A_126 = arith.constant 3 : i32
      %select_n3A_127 = arith.select %eq3A_125, %select_n3A_126, %select_n3A_123 : i32
      %add3A_128 = arith.addi %select_n3A_127, %mul3A_6 : i32
      %sub3A_129 = arith.constant 1 : i32
      %sub3A_130 = arith.subi %select_n3A_127, %sub3A_129 : i32
      %select_n3A_131 = arith.constant true
      %select_n3A_132 = arith.select %select_n3A_131, %sub3A_130, %select_n3A_127 : i32
      %eq3A_133 = arith.constant -1 : i32
      %eq3A_134 = arith.cmpi eq, %select_n3A_132, %eq3A_133 : i32
      %select_n3A_135 = arith.constant 3 : i32
      %select_n3A_136 = arith.select %eq3A_134, %select_n3A_135, %select_n3A_132 : i32
      %add3A_137 = arith.addi %select_n3A_136, %mul3A_6 : i32
      %add3A_138 = arith.constant 1 : i32
      %add3A_139 = arith.addi %select_n3A_127, %add3A_138 : i32
      %select_n3A_140 = arith.constant true
      %select_n3A_141 = arith.select %select_n3A_140, %add3A_139, %select_n3A_127 : i32
      %eq3A_142 = arith.constant 4 : i32
      %eq3A_143 = arith.cmpi eq, %select_n3A_141, %eq3A_142 : i32
      %select_n3A_144 = arith.constant 0 : i32
      %select_n3A_145 = arith.select %eq3A_143, %select_n3A_144, %select_n3A_141 : i32
      %add3A_146 = arith.addi %select_n3A_145, %mul3A_6 : i32
      %add3A_147 = arith.constant 1 : i32
      %add3A_148 = arith.addi %select_n3A_145, %add3A_147 : i32
      %select_n3A_149 = arith.constant true
      %select_n3A_150 = arith.select %select_n3A_149, %add3A_148, %select_n3A_145 : i32
      %eq3A_151 = arith.constant 4 : i32
      %eq3A_152 = arith.cmpi eq, %select_n3A_150, %eq3A_151 : i32
      %select_n3A_153 = arith.constant 0 : i32
      %select_n3A_154 = arith.select %eq3A_152, %select_n3A_153, %select_n3A_150 : i32
      %add3A_155 = arith.addi %select_n3A_154, %mul3A_6 : i32
      tpu.yield
    }) : () -> ()
    return
  }
}

#map = affine_map<(d0, d1) -> (0, 0)>
module attributes {stable_mosaic.version = 14 : i64} {
  func.func @_k(%arg0: i32, %arg1: i32, %arg2: memref<35840x256xf32, #tpu.memory_space<hbm>>, %arg3: memref<1x16384xi32, #tpu.memory_space<hbm>>, %arg4: memref<16384x256xf32, #tpu.memory_space<hbm>>) attributes {dimension_semantics = [#tpu.dimension_semantics<core_parallel>, #tpu.dimension_semantics<subcore_parallel>], iteration_bounds = array<i64: 2, 16>, scalar_prefetch = 0 : i64, scratch_operands = 0 : i64, tpu.core_type = #tpu.core_type<sc_vector_subcore>, window_params = [{transform_indices = #map}, {transform_indices = #map}, {transform_indices = #map}]} {
    %mul3A = arith.constant 1 : i32
    %mul3A_0 = arith.muli %arg1, %mul3A : i32
    %add3A = arith.constant 0 : i32
    %add3A_1 = arith.addi %add3A, %mul3A_0 : i32
    %mul3A_2 = arith.constant 16 : i32
    %mul3A_3 = arith.muli %arg0, %mul3A_2 : i32
    %add3A_4 = arith.addi %add3A_1, %mul3A_3 : i32
    %mul3A_5 = arith.constant 4 : i32
    %mul3A_6 = arith.muli %add3A_4, %mul3A_5 : i32
    "tpu.region"() ({
      %run_scoped3A = memref.alloca() : memref<2x1x128xi32, #tpu.memory_space<vmem>>
      %run_scoped3A_7 = tpu.sem_alloc : memref<2x!tpu.dma_semaphore, #tpu.memory_space<semaphore_mem>>
      %run_scoped3A_8 = memref.alloca() : memref<2x128x256xf32, #tpu.memory_space<vmem>>
      %run_scoped3A_9 = tpu.sem_alloc : memref<2x!tpu.dma_semaphore, #tpu.memory_space<semaphore_mem>>
      %add3A_10 = arith.constant 0 : i32
      %add3A_11 = arith.addi %add3A_10, %mul3A_6 : i32
      %select_n3A = arith.constant true
      %select_n3A_12 = arith.constant 0 : i32
      %select_n3A_13 = arith.constant -1 : i32
      %select_n3A_14 = arith.select %select_n3A, %select_n3A_13, %select_n3A_12 : i32
      %eq3A = arith.constant -1 : i32
      %eq3A_15 = arith.cmpi eq, %select_n3A_14, %eq3A : i32
      %select_n3A_16 = arith.constant 3 : i32
      %select_n3A_17 = arith.select %eq3A_15, %select_n3A_16, %select_n3A_14 : i32
      %add3A_18 = arith.addi %select_n3A_17, %mul3A_6 : i32
      %select_n3A_19 = arith.constant true
      %select_n3A_20 = arith.constant 0 : i32
      %select_n3A_21 = arith.constant 1 : i32
      %select_n3A_22 = arith.select %select_n3A_19, %select_n3A_21, %select_n3A_20 : i32
      %eq3A_23 = arith.constant 4 : i32
      %eq3A_24 = arith.cmpi eq, %select_n3A_22, %eq3A_23 : i32
      %select_n3A_25 = arith.constant 0 : i32
      %select_n3A_26 = arith.select %eq3A_24, %select_n3A_25, %select_n3A_22 : i32
      %add3A_27 = arith.addi %select_n3A_26, %mul3A_6 : i32
      %add3A_28 = arith.constant 1 : i32
      %add3A_29 = arith.addi %select_n3A_26, %add3A_28 : i32
      %select_n3A_30 = arith.constant true
      %select_n3A_31 = arith.select %select_n3A_30, %add3A_29, %select_n3A_26 : i32
      %eq3A_32 = arith.constant 4 : i32
      %eq3A_33 = arith.cmpi eq, %select_n3A_31, %eq3A_32 : i32
      %select_n3A_34 = arith.constant 0 : i32
      %select_n3A_35 = arith.select %eq3A_33, %select_n3A_34, %select_n3A_31 : i32
      %add3A_36 = arith.addi %select_n3A_35, %mul3A_6 : i32
      "tpu.trace_start"() <{level = 10 : i32, message = "ep_initialize_0"}> : () -> ()
      %rem3A = arith.constant 0 : i32
      %rem3A_37 = arith.constant 2 : i32
      %rem3A_38 = arith.remui %rem3A, %rem3A_37 : i32
      %mul3A_39 = arith.constant 128 : i32
      %mul3A_40 = arith.muli %mul3A_39, %add3A_11 : i32
      %dma_start3A = arith.constant 0 : i32
      %dma_start3A_41 = arith.constant 0 : i32
      %dma_start3A_42 = tpu.memref_slice %run_scoped3A[%rem3A_38, %dma_start3A, %dma_start3A_41] : memref<2x1x128xi32, #tpu.memory_space<vmem>> -> memref<1x1x128xi32, #tpu.memory_space<vmem>>
      %dma_start3A_43 = tpu.memref_squeeze %dma_start3A_42 : memref<1x1x128xi32, #tpu.memory_space<vmem>> -> memref<1x128xi32, #tpu.memory_space<vmem>>
      %dma_start3A_44 = arith.constant 0 : i32
      %dma_start3A_45 = tpu.memref_slice %arg3[%dma_start3A_44, %mul3A_40] : memref<1x16384xi32, #tpu.memory_space<hbm>> -> memref<1x128xi32, #tpu.memory_space<hbm>>
      %dma_start3A_46 = tpu.memref_slice %run_scoped3A_7[%rem3A_38] : memref<2x!tpu.dma_semaphore, #tpu.memory_space<semaphore_mem>> -> memref<1x!tpu.dma_semaphore, #tpu.memory_space<semaphore_mem>>
      %dma_start3A_47 = tpu.memref_squeeze %dma_start3A_46 : memref<1x!tpu.dma_semaphore, #tpu.memory_space<semaphore_mem>> -> memref<!tpu.dma_semaphore, #tpu.memory_space<semaphore_mem>>
      %dma_start3A_48 = arith.constant 0 : i32
      %dma_start3A_49 = arith.constant 0 : i32
      %dma_start3A_50 = tpu.memref_slice %run_scoped3A[%rem3A_38, %dma_start3A_48, %dma_start3A_49] : memref<2x1x128xi32, #tpu.memory_space<vmem>> -> memref<1x1x128xi32, #tpu.memory_space<vmem>>
      %dma_start3A_51 = tpu.memref_squeeze %dma_start3A_50 : memref<1x1x128xi32, #tpu.memory_space<vmem>> -> memref<1x128xi32, #tpu.memory_space<vmem>>
      %dma_start3A_52 = arith.constant 0 : i32
      %dma_start3A_53 = tpu.memref_slice %arg3[%dma_start3A_52, %mul3A_40] : memref<1x16384xi32, #tpu.memory_space<hbm>> -> memref<1x128xi32, #tpu.memory_space<hbm>>
      tpu.enqueue_dma source(%dma_start3A_53 : memref<1x128xi32, #tpu.memory_space<hbm>>) target(%dma_start3A_51 : memref<1x128xi32, #tpu.memory_space<vmem>>) target_semaphore(%dma_start3A_47 : memref<!tpu.dma_semaphore, #tpu.memory_space<semaphore_mem>>)
      %add3A_54 = arith.constant 0 : i32
      %add3A_55 = arith.constant 1 : i32
      %add3A_56 = arith.addi %add3A_54, %add3A_55 : i32
      %select_n3A_57 = arith.constant true
      %select_n3A_58 = arith.constant 0 : i32
      %select_n3A_59 = arith.select %select_n3A_57, %add3A_56, %select_n3A_58 : i32
      "tpu.trace_stop"() : () -> ()
      %scan3A = arith.constant 0 : i32
      %scan3A_60 = arith.constant 0 : i32
      %scan3A_61 = arith.constant 0 : i32
      %scan3A_62 = arith.constant 0 : i32
      %scan3A_63 = arith.constant 0 : i32
      %scan3A_64 = arith.constant 4 : i32
      %scan3A_65 = arith.addi %scan3A_63, %scan3A_64 : i32
      %scan3A_66 = arith.constant 1 : i32
      %scan3A_67:5 = scf.for %scan3A_121 = %scan3A_63 to %scan3A_65 step %scan3A_66 iter_args(%scan3A_122 = %select_n3A_59, %scan3A_123 = %scan3A, %scan3A_124 = %scan3A_60, %scan3A_125 = %scan3A_61, %scan3A_126 = %scan3A_62) -> (i32, i32, i32, i32, i32)  : i32 {
        %eq3A_127 = arith.constant 0 : i32
        %eq3A_128 = arith.cmpi eq, %scan3A_121, %eq3A_127 : i32
        %eq3A_129 = arith.constant 3 : i32
        %eq3A_130 = arith.cmpi eq, %scan3A_121, %eq3A_129 : i32
        %add3A_131 = arith.addi %scan3A_126, %mul3A_6 : i32
        %sub3A_132 = arith.constant 1 : i32
        %sub3A_133 = arith.subi %scan3A_126, %sub3A_132 : i32
        %select_n3A_134 = arith.constant true
        %select_n3A_135 = arith.select %select_n3A_134, %sub3A_133, %scan3A_126 : i32
        %eq3A_136 = arith.constant -1 : i32
        %eq3A_137 = arith.cmpi eq, %select_n3A_135, %eq3A_136 : i32
        %select_n3A_138 = arith.constant 3 : i32
        %select_n3A_139 = arith.select %eq3A_137, %select_n3A_138, %select_n3A_135 : i32
        %add3A_140 = arith.addi %select_n3A_139, %mul3A_6 : i32
        %add3A_141 = arith.constant 1 : i32
        %add3A_142 = arith.addi %scan3A_126, %add3A_141 : i32
        %select_n3A_143 = arith.constant true
        %select_n3A_144 = arith.select %select_n3A_143, %add3A_142, %scan3A_126 : i32
        %eq3A_145 = arith.constant 4 : i32
        %eq3A_146 = arith.cmpi eq, %select_n3A_144, %eq3A_145 : i32
        %select_n3A_147 = arith.constant 0 : i32
        %select_n3A_148 = arith.select %eq3A_146, %select_n3A_147, %select_n3A_144 : i32
        %add3A_149 = arith.addi %select_n3A_148, %mul3A_6 : i32
        %add3A_150 = arith.constant 1 : i32
        %add3A_151 = arith.addi %select_n3A_148, %add3A_150 : i32
        %select_n3A_152 = arith.constant true
        %select_n3A_153 = arith.select %select_n3A_152, %add3A_151, %select_n3A_148 : i32
        %eq3A_154 = arith.constant 4 : i32
        %eq3A_155 = arith.cmpi eq, %select_n3A_153, %eq3A_154 : i32
        %select_n3A_156 = arith.constant 0 : i32
        %select_n3A_157 = arith.select %eq3A_155, %select_n3A_156, %select_n3A_153 : i32
        %add3A_158 = arith.addi %select_n3A_157, %mul3A_6 : i32
        %ne3A = arith.cmpi ne, %add3A_131, %add3A_149 : i32
        %or3A = arith.constant false
        %or3A_159 = arith.ori %or3A, %ne3A : i1
        %ge3A = arith.constant 3 : i32
        %ge3A_160 = arith.cmpi sge, %scan3A_121, %ge3A : i32
        %not3A = arith.constant true
        %not3A_161 = arith.xori %ge3A_160, %not3A : i1
        %and3A = arith.andi %or3A_159, %not3A_161 : i1
        %convert_element_type3A = arith.extui %and3A : i1 to i32
        %cond3A = arith.constant 0 : i32
        %cond3A_162 = arith.cmpi ne, %convert_element_type3A, %cond3A : i32
        scf.if %cond3A_162 {
          "tpu.trace_start"() <{level = 10 : i32, message = "ep_copy_in"}> : () -> ()
          %rem3A_264 = arith.constant 2 : i32
          %rem3A_265 = arith.remui %scan3A_122, %rem3A_264 : i32
          %mul3A_266 = arith.constant 128 : i32
          %mul3A_267 = arith.muli %mul3A_266, %add3A_149 : i32
          %dma_start3A_268 = arith.constant 0 : i32
          %dma_start3A_269 = arith.constant 0 : i32
          %dma_start3A_270 = tpu.memref_slice %run_scoped3A[%rem3A_265, %dma_start3A_268, %dma_start3A_269] : memref<2x1x128xi32, #tpu.memory_space<vmem>> -> memref<1x1x128xi32, #tpu.memory_space<vmem>>
          %dma_start3A_271 = tpu.memref_squeeze %dma_start3A_270 : memref<1x1x128xi32, #tpu.memory_space<vmem>> -> memref<1x128xi32, #tpu.memory_space<vmem>>
          %dma_start3A_272 = arith.constant 0 : i32
          %dma_start3A_273 = tpu.memref_slice %arg3[%dma_start3A_272, %mul3A_267] : memref<1x16384xi32, #tpu.memory_space<hbm>> -> memref<1x128xi32, #tpu.memory_space<hbm>>
          %dma_start3A_274 = tpu.memref_slice %run_scoped3A_7[%rem3A_265] : memref<2x!tpu.dma_semaphore, #tpu.memory_space<semaphore_mem>> -> memref<1x!tpu.dma_semaphore, #tpu.memory_space<semaphore_mem>>
          %dma_start3A_275 = tpu.memref_squeeze %dma_start3A_274 : memref<1x!tpu.dma_semaphore, #tpu.memory_space<semaphore_mem>> -> memref<!tpu.dma_semaphore, #tpu.memory_space<semaphore_mem>>
          %dma_start3A_276 = arith.constant 0 : i32
          %dma_start3A_277 = arith.constant 0 : i32
          %dma_start3A_278 = tpu.memref_slice %run_scoped3A[%rem3A_265, %dma_start3A_276, %dma_start3A_277] : memref<2x1x128xi32, #tpu.memory_space<vmem>> -> memref<1x1x128xi32, #tpu.memory_space<vmem>>
          %dma_start3A_279 = tpu.memref_squeeze %dma_start3A_278 : memref<1x1x128xi32, #tpu.memory_space<vmem>> -> memref<1x128xi32, #tpu.memory_space<vmem>>
          %dma_start3A_280 = arith.constant 0 : i32
          %dma_start3A_281 = tpu.memref_slice %arg3[%dma_start3A_280, %mul3A_267] : memref<1x16384xi32, #tpu.memory_space<hbm>> -> memref<1x128xi32, #tpu.memory_space<hbm>>
          tpu.enqueue_dma source(%dma_start3A_281 : memref<1x128xi32, #tpu.memory_space<hbm>>) target(%dma_start3A_279 : memref<1x128xi32, #tpu.memory_space<vmem>>) target_semaphore(%dma_start3A_275 : memref<!tpu.dma_semaphore, #tpu.memory_space<semaphore_mem>>)
          "tpu.trace_stop"() : () -> ()
        } else {
        }
        %and3A_163 = arith.constant true
        %and3A_164 = arith.andi %and3A, %and3A_163 : i1
        %add3A_165 = arith.constant 1 : i32
        %add3A_166 = arith.addi %scan3A_122, %add3A_165 : i32
        %select_n3A_167 = arith.select %and3A_164, %add3A_166, %scan3A_122 : i32
        %ne3A_168 = arith.cmpi ne, %add3A_131, %add3A_149 : i32
        %or3A_169 = arith.constant false
        %or3A_170 = arith.ori %or3A_169, %ne3A_168 : i1
        %or3A_171 = arith.constant false
        %or3A_172 = arith.ori %or3A_170, %or3A_171 : i1
        %ge3A_173 = arith.constant 3 : i32
        %ge3A_174 = arith.cmpi sge, %scan3A_121, %ge3A_173 : i32
        %not3A_175 = arith.constant true
        %not3A_176 = arith.xori %ge3A_174, %not3A_175 : i1
        %and3A_177 = arith.andi %or3A_172, %not3A_176 : i1
        %ne3A_178 = arith.cmpi ne, %add3A_131, %add3A_140 : i32
        %or3A_179 = arith.constant false
        %or3A_180 = arith.ori %or3A_179, %ne3A_178 : i1
        %or3A_181 = arith.ori %or3A_180, %eq3A_128 : i1
        %convert_element_type3A_182 = arith.extui %or3A_181 : i1 to i32
        %cond3A_183 = arith.constant 0 : i32
        %cond3A_184 = arith.cmpi ne, %convert_element_type3A_182, %cond3A_183 : i32
        scf.if %cond3A_184 {
          "tpu.trace_start"() <{level = 10 : i32, message = "ep_wait_in"}> : () -> ()
          %mul3A_264 = arith.constant 128 : i32
          %mul3A_265 = arith.muli %mul3A_264, %add3A_131 : i32
          %rem3A_266 = arith.constant 2 : i32
          %rem3A_267 = arith.remui %scan3A_123, %rem3A_266 : i32
          %dma_wait3A_268 = arith.constant 0 : i32
          %dma_wait3A_269 = arith.constant 0 : i32
          %dma_wait3A_270 = tpu.memref_slice %run_scoped3A[%rem3A_267, %dma_wait3A_268, %dma_wait3A_269] : memref<2x1x128xi32, #tpu.memory_space<vmem>> -> memref<1x1x128xi32, #tpu.memory_space<vmem>>
          %dma_wait3A_271 = tpu.memref_squeeze %dma_wait3A_270 : memref<1x1x128xi32, #tpu.memory_space<vmem>> -> memref<1x128xi32, #tpu.memory_space<vmem>>
          %dma_wait3A_272 = arith.constant 0 : i32
          %dma_wait3A_273 = tpu.memref_slice %arg3[%dma_wait3A_272, %mul3A_265] : memref<1x16384xi32, #tpu.memory_space<hbm>> -> memref<1x128xi32, #tpu.memory_space<hbm>>
          %dma_wait3A_274 = tpu.memref_slice %run_scoped3A_7[%rem3A_267] : memref<2x!tpu.dma_semaphore, #tpu.memory_space<semaphore_mem>> -> memref<1x!tpu.dma_semaphore, #tpu.memory_space<semaphore_mem>>
          %dma_wait3A_275 = tpu.memref_squeeze %dma_wait3A_274 : memref<1x!tpu.dma_semaphore, #tpu.memory_space<semaphore_mem>> -> memref<!tpu.dma_semaphore, #tpu.memory_space<semaphore_mem>>
          %dma_wait3A_276 = arith.constant 0 : i32
          %dma_wait3A_277 = arith.constant 0 : i32
          %dma_wait3A_278 = tpu.memref_slice %run_scoped3A[%rem3A_267, %dma_wait3A_276, %dma_wait3A_277] : memref<2x1x128xi32, #tpu.memory_space<vmem>> -> memref<1x1x128xi32, #tpu.memory_space<vmem>>
          %dma_wait3A_279 = tpu.memref_squeeze %dma_wait3A_278 : memref<1x1x128xi32, #tpu.memory_space<vmem>> -> memref<1x128xi32, #tpu.memory_space<vmem>>
          %dma_wait3A_280 = arith.constant 0 : i32
          %dma_wait3A_281 = tpu.memref_slice %arg3[%dma_wait3A_280, %mul3A_265] : memref<1x16384xi32, #tpu.memory_space<hbm>> -> memref<1x128xi32, #tpu.memory_space<hbm>>
          tpu.wait_dma2 semaphore(%dma_wait3A_275 : memref<!tpu.dma_semaphore, #tpu.memory_space<semaphore_mem>>) src(%dma_wait3A_281 : memref<1x128xi32, #tpu.memory_space<hbm>>) dst(%dma_wait3A_279 : memref<1x128xi32, #tpu.memory_space<vmem>>)
          "tpu.trace_stop"() : () -> ()
        } else {
        }
        %ne3A_185 = arith.cmpi ne, %add3A_131, %add3A_140 : i32
        %or3A_186 = arith.constant false
        %or3A_187 = arith.ori %or3A_186, %ne3A_185 : i1
        %or3A_188 = arith.constant false
        %or3A_189 = arith.ori %or3A_187, %or3A_188 : i1
        %or3A_190 = arith.ori %or3A_189, %eq3A_128 : i1
        %convert_element_type3A_191 = arith.extui %or3A_190 : i1 to i32
        %cond3A_192 = arith.constant 0 : i32
        %cond3A_193 = arith.cmpi ne, %convert_element_type3A_191, %cond3A_192 : i32
        scf.if %cond3A_193 {
        } else {
        }
        %rem3A_194 = arith.constant 2 : i32
        %rem3A_195 = arith.remui %scan3A_123, %rem3A_194 : i32
        %rem3A_196 = arith.constant 2 : i32
        %rem3A_197 = arith.remui %scan3A_124, %rem3A_196 : i32
        %run_scoped3A_198 = arith.constant 0 : i32
        "tpu.trace_start"() <{level = 10 : i32, message = "ep_run_kernel"}> : () -> ()
        "tpu.region"() ({
          %run_scoped3A_264 = tpu.sem_alloc : memref<!tpu.dma_semaphore, #tpu.memory_space<semaphore_mem>>
          %dma_start3A_265 = arith.constant 0 : i32
          %dma_start3A_266 = arith.constant 0 : i32
          %dma_start3A_267 = tpu.memref_slice %run_scoped3A_8[%rem3A_197, %dma_start3A_265, %dma_start3A_266] : memref<2x128x256xf32, #tpu.memory_space<vmem>> -> memref<1x128x256xf32, #tpu.memory_space<vmem>>
          %dma_start3A_268 = tpu.memref_squeeze %dma_start3A_267 : memref<1x128x256xf32, #tpu.memory_space<vmem>> -> memref<128x256xf32, #tpu.memory_space<vmem>>
          %dma_start3A_269 = arith.constant 0 : i32
          %dma_start3A_270 = arith.constant 0 : i32
          %dma_start3A_271 = tpu.memref_slice %run_scoped3A[%rem3A_195, %dma_start3A_269, %dma_start3A_270] : memref<2x1x128xi32, #tpu.memory_space<vmem>> -> memref<1x1x128xi32, #tpu.memory_space<vmem>>
          %dma_start3A_272 = tpu.memref_squeeze %dma_start3A_271 : memref<1x1x128xi32, #tpu.memory_space<vmem>> -> memref<1x128xi32, #tpu.memory_space<vmem>>
          %dma_start3A_273 = arith.constant 0 : i32
          %dma_start3A_274 = tpu.memref_slice %dma_start3A_272[%run_scoped3A_198, %dma_start3A_273] : memref<1x128xi32, #tpu.memory_space<vmem>> -> memref<1x128xi32, #tpu.memory_space<vmem>>
          %dma_start3A_275 = tpu.memref_squeeze %dma_start3A_274 : memref<1x128xi32, #tpu.memory_space<vmem>> -> memref<128xi32, #tpu.memory_space<vmem>>
          %dma_start3A_276 = arith.constant 0 : i32
          %dma_start3A_277 = arith.constant 0 : i32
          %dma_start3A_278 = tpu.memref_slice %arg2[%dma_start3A_276, %dma_start3A_277] : memref<35840x256xf32, #tpu.memory_space<hbm>> -> memref<35840x256xf32, #tpu.memory_space<hbm>>
          tpu.enqueue_indirect_dma source(%dma_start3A_278 : memref<35840x256xf32, #tpu.memory_space<hbm>>) target(%dma_start3A_268 : memref<128x256xf32, #tpu.memory_space<vmem>>) offsets(%dma_start3A_275 : memref<128xi32, #tpu.memory_space<vmem>>) semaphore(%run_scoped3A_264 : memref<!tpu.dma_semaphore, #tpu.memory_space<semaphore_mem>>)
          %dma_wait3A_279 = arith.constant 0 : i32
          %dma_wait3A_280 = arith.constant 0 : i32
          %dma_wait3A_281 = tpu.memref_slice %run_scoped3A_8[%rem3A_197, %dma_wait3A_279, %dma_wait3A_280] : memref<2x128x256xf32, #tpu.memory_space<vmem>> -> memref<1x128x256xf32, #tpu.memory_space<vmem>>
          %dma_wait3A_282 = tpu.memref_squeeze %dma_wait3A_281 : memref<1x128x256xf32, #tpu.memory_space<vmem>> -> memref<128x256xf32, #tpu.memory_space<vmem>>
          %dma_wait3A_283 = arith.constant 0 : i32
          %dma_wait3A_284 = arith.constant 0 : i32
          %dma_wait3A_285 = tpu.memref_slice %run_scoped3A[%rem3A_195, %dma_wait3A_283, %dma_wait3A_284] : memref<2x1x128xi32, #tpu.memory_space<vmem>> -> memref<1x1x128xi32, #tpu.memory_space<vmem>>
          %dma_wait3A_286 = tpu.memref_squeeze %dma_wait3A_285 : memref<1x1x128xi32, #tpu.memory_space<vmem>> -> memref<1x128xi32, #tpu.memory_space<vmem>>
          %dma_wait3A_287 = arith.constant 0 : i32
          %dma_wait3A_288 = tpu.memref_slice %dma_wait3A_286[%run_scoped3A_198, %dma_wait3A_287] : memref<1x128xi32, #tpu.memory_space<vmem>> -> memref<1x128xi32, #tpu.memory_space<vmem>>
          %dma_wait3A_289 = tpu.memref_squeeze %dma_wait3A_288 : memref<1x128xi32, #tpu.memory_space<vmem>> -> memref<128xi32, #tpu.memory_space<vmem>>
          %dma_wait3A_290 = arith.constant 0 : i32
          %dma_wait3A_291 = arith.constant 0 : i32
          %dma_wait3A_292 = tpu.memref_slice %arg2[%dma_wait3A_290, %dma_wait3A_291] : memref<35840x256xf32, #tpu.memory_space<hbm>> -> memref<35840x256xf32, #tpu.memory_space<hbm>>
          tpu.wait_indirect_dma semaphore(%run_scoped3A_264 : memref<!tpu.dma_semaphore, #tpu.memory_space<semaphore_mem>>) src(%dma_wait3A_292 : memref<35840x256xf32, #tpu.memory_space<hbm>>) dst(%dma_wait3A_282 : memref<128x256xf32, #tpu.memory_space<vmem>>)
          tpu.yield
        }) : () -> ()
        "tpu.trace_stop"() : () -> ()
        %ne3A_199 = arith.cmpi ne, %add3A_131, %add3A_149 : i32
        %or3A_200 = arith.constant false
        %or3A_201 = arith.ori %or3A_200, %ne3A_199 : i1
        %or3A_202 = arith.ori %or3A_201, %eq3A_130 : i1
        %convert_element_type3A_203 = arith.extui %or3A_202 : i1 to i32
        %cond3A_204 = arith.constant 0 : i32
        %cond3A_205 = arith.cmpi ne, %convert_element_type3A_203, %cond3A_204 : i32
        scf.if %cond3A_205 {
        } else {
        }
        %and3A_206 = arith.constant false
        %and3A_207 = arith.andi %or3A_202, %and3A_206 : i1
        %ne3A_208 = arith.cmpi ne, %add3A_131, %add3A_149 : i32
        %or3A_209 = arith.constant false
        %or3A_210 = arith.ori %or3A_209, %ne3A_208 : i1
        %or3A_211 = arith.constant false
        %or3A_212 = arith.ori %or3A_210, %or3A_211 : i1
        %or3A_213 = arith.ori %or3A_212, %eq3A_130 : i1
        %convert_element_type3A_214 = arith.extui %or3A_213 : i1 to i32
        %cond3A_215 = arith.constant 0 : i32
        %cond3A_216 = arith.cmpi ne, %convert_element_type3A_214, %cond3A_215 : i32
        scf.if %cond3A_216 {
          "tpu.trace_start"() <{level = 10 : i32, message = "ep_copy_out"}> : () -> ()
          %rem3A_264 = arith.constant 2 : i32
          %rem3A_265 = arith.remui %scan3A_124, %rem3A_264 : i32
          %mul3A_266 = arith.constant 128 : i32
          %mul3A_267 = arith.muli %mul3A_266, %add3A_131 : i32
          %dma_start3A_268 = arith.constant 0 : i32
          %dma_start3A_269 = arith.constant 0 : i32
          %dma_start3A_270 = tpu.memref_slice %run_scoped3A_8[%rem3A_265, %dma_start3A_268, %dma_start3A_269] : memref<2x128x256xf32, #tpu.memory_space<vmem>> -> memref<1x128x256xf32, #tpu.memory_space<vmem>>
          %dma_start3A_271 = tpu.memref_squeeze %dma_start3A_270 : memref<1x128x256xf32, #tpu.memory_space<vmem>> -> memref<128x256xf32, #tpu.memory_space<vmem>>
          %dma_start3A_272 = arith.constant 0 : i32
          %dma_start3A_273 = tpu.memref_slice %arg4[%mul3A_267, %dma_start3A_272] : memref<16384x256xf32, #tpu.memory_space<hbm>> -> memref<128x256xf32, #tpu.memory_space<hbm>>
          %dma_start3A_274 = tpu.memref_slice %run_scoped3A_9[%rem3A_265] : memref<2x!tpu.dma_semaphore, #tpu.memory_space<semaphore_mem>> -> memref<1x!tpu.dma_semaphore, #tpu.memory_space<semaphore_mem>>
          %dma_start3A_275 = tpu.memref_squeeze %dma_start3A_274 : memref<1x!tpu.dma_semaphore, #tpu.memory_space<semaphore_mem>> -> memref<!tpu.dma_semaphore, #tpu.memory_space<semaphore_mem>>
          %dma_start3A_276 = arith.constant 0 : i32
          %dma_start3A_277 = tpu.memref_slice %arg4[%mul3A_267, %dma_start3A_276] : memref<16384x256xf32, #tpu.memory_space<hbm>> -> memref<128x256xf32, #tpu.memory_space<hbm>>
          %dma_start3A_278 = arith.constant 0 : i32
          %dma_start3A_279 = arith.constant 0 : i32
          %dma_start3A_280 = tpu.memref_slice %run_scoped3A_8[%rem3A_265, %dma_start3A_278, %dma_start3A_279] : memref<2x128x256xf32, #tpu.memory_space<vmem>> -> memref<1x128x256xf32, #tpu.memory_space<vmem>>
          %dma_start3A_281 = tpu.memref_squeeze %dma_start3A_280 : memref<1x128x256xf32, #tpu.memory_space<vmem>> -> memref<128x256xf32, #tpu.memory_space<vmem>>
          tpu.enqueue_dma source(%dma_start3A_281 : memref<128x256xf32, #tpu.memory_space<vmem>>) target(%dma_start3A_277 : memref<128x256xf32, #tpu.memory_space<hbm>>) target_semaphore(%dma_start3A_275 : memref<!tpu.dma_semaphore, #tpu.memory_space<semaphore_mem>>)
          "tpu.trace_stop"() : () -> ()
        } else {
        }
        %and3A_217 = arith.constant true
        %and3A_218 = arith.andi %or3A_213, %and3A_217 : i1
        %add3A_219 = arith.constant 1 : i32
        %add3A_220 = arith.addi %scan3A_124, %add3A_219 : i32
        %select_n3A_221 = arith.select %and3A_218, %add3A_220, %scan3A_124 : i32
        %ne3A_222 = arith.cmpi ne, %add3A_131, %add3A_140 : i32
        %or3A_223 = arith.constant false
        %or3A_224 = arith.ori %or3A_223, %ne3A_222 : i1
        %not3A_225 = arith.constant true
        %not3A_226 = arith.xori %eq3A_128, %not3A_225 : i1
        %and3A_227 = arith.andi %or3A_224, %not3A_226 : i1
        %convert_element_type3A_228 = arith.extui %and3A_227 : i1 to i32
        %cond3A_229 = arith.constant 0 : i32
        %cond3A_230 = arith.cmpi ne, %convert_element_type3A_228, %cond3A_229 : i32
        scf.if %cond3A_230 {
        } else {
        }
        %and3A_231 = arith.constant false
        %and3A_232 = arith.andi %and3A_227, %and3A_231 : i1
        %ne3A_233 = arith.cmpi ne, %add3A_131, %add3A_140 : i32
        %or3A_234 = arith.constant false
        %or3A_235 = arith.ori %or3A_234, %ne3A_233 : i1
        %or3A_236 = arith.constant false
        %or3A_237 = arith.ori %or3A_235, %or3A_236 : i1
        %not3A_238 = arith.constant true
        %not3A_239 = arith.xori %eq3A_128, %not3A_238 : i1
        %and3A_240 = arith.andi %or3A_237, %not3A_239 : i1
        %convert_element_type3A_241 = arith.extui %and3A_240 : i1 to i32
        %cond3A_242 = arith.constant 0 : i32
        %cond3A_243 = arith.cmpi ne, %convert_element_type3A_241, %cond3A_242 : i32
        scf.if %cond3A_243 {
          "tpu.trace_start"() <{level = 10 : i32, message = "ep_wait_out"}> : () -> ()
          %rem3A_264 = arith.constant 2 : i32
          %rem3A_265 = arith.remui %scan3A_125, %rem3A_264 : i32
          %mul3A_266 = arith.constant 128 : i32
          %mul3A_267 = arith.muli %mul3A_266, %add3A_140 : i32
          %dma_wait3A_268 = arith.constant 0 : i32
          %dma_wait3A_269 = arith.constant 0 : i32
          %dma_wait3A_270 = tpu.memref_slice %run_scoped3A_8[%rem3A_265, %dma_wait3A_268, %dma_wait3A_269] : memref<2x128x256xf32, #tpu.memory_space<vmem>> -> memref<1x128x256xf32, #tpu.memory_space<vmem>>
          %dma_wait3A_271 = tpu.memref_squeeze %dma_wait3A_270 : memref<1x128x256xf32, #tpu.memory_space<vmem>> -> memref<128x256xf32, #tpu.memory_space<vmem>>
          %dma_wait3A_272 = arith.constant 0 : i32
          %dma_wait3A_273 = tpu.memref_slice %arg4[%mul3A_267, %dma_wait3A_272] : memref<16384x256xf32, #tpu.memory_space<hbm>> -> memref<128x256xf32, #tpu.memory_space<hbm>>
          %dma_wait3A_274 = tpu.memref_slice %run_scoped3A_9[%rem3A_265] : memref<2x!tpu.dma_semaphore, #tpu.memory_space<semaphore_mem>> -> memref<1x!tpu.dma_semaphore, #tpu.memory_space<semaphore_mem>>
          %dma_wait3A_275 = tpu.memref_squeeze %dma_wait3A_274 : memref<1x!tpu.dma_semaphore, #tpu.memory_space<semaphore_mem>> -> memref<!tpu.dma_semaphore, #tpu.memory_space<semaphore_mem>>
          %dma_wait3A_276 = arith.constant 0 : i32
          %dma_wait3A_277 = tpu.memref_slice %arg4[%mul3A_267, %dma_wait3A_276] : memref<16384x256xf32, #tpu.memory_space<hbm>> -> memref<128x256xf32, #tpu.memory_space<hbm>>
          %dma_wait3A_278 = arith.constant 0 : i32
          %dma_wait3A_279 = arith.constant 0 : i32
          %dma_wait3A_280 = tpu.memref_slice %run_scoped3A_8[%rem3A_265, %dma_wait3A_278, %dma_wait3A_279] : memref<2x128x256xf32, #tpu.memory_space<vmem>> -> memref<1x128x256xf32, #tpu.memory_space<vmem>>
          %dma_wait3A_281 = tpu.memref_squeeze %dma_wait3A_280 : memref<1x128x256xf32, #tpu.memory_space<vmem>> -> memref<128x256xf32, #tpu.memory_space<vmem>>
          tpu.wait_dma2 semaphore(%dma_wait3A_275 : memref<!tpu.dma_semaphore, #tpu.memory_space<semaphore_mem>>) src(%dma_wait3A_281 : memref<128x256xf32, #tpu.memory_space<vmem>>) dst(%dma_wait3A_277 : memref<128x256xf32, #tpu.memory_space<hbm>>)
          "tpu.trace_stop"() : () -> ()
        } else {
        }
        %and3A_244 = arith.constant true
        %and3A_245 = arith.andi %and3A_240, %and3A_244 : i1
        %add3A_246 = arith.constant 1 : i32
        %add3A_247 = arith.addi %scan3A_125, %add3A_246 : i32
        %select_n3A_248 = arith.select %and3A_245, %add3A_247, %scan3A_125 : i32
        %ne3A_249 = arith.cmpi ne, %add3A_131, %add3A_149 : i32
        %or3A_250 = arith.constant false
        %or3A_251 = arith.ori %or3A_250, %ne3A_249 : i1
        %or3A_252 = arith.ori %or3A_251, %eq3A_130 : i1
        %add3A_253 = arith.constant 1 : i32
        %add3A_254 = arith.addi %scan3A_123, %add3A_253 : i32
        %select_n3A_255 = arith.select %or3A_252, %add3A_254, %scan3A_123 : i32
        %add3A_256 = arith.constant 1 : i32
        %add3A_257 = arith.addi %scan3A_126, %add3A_256 : i32
        %select_n3A_258 = arith.constant true
        %select_n3A_259 = arith.select %select_n3A_258, %add3A_257, %scan3A_126 : i32
        %eq3A_260 = arith.constant 4 : i32
        %eq3A_261 = arith.cmpi eq, %select_n3A_259, %eq3A_260 : i32
        %select_n3A_262 = arith.constant 0 : i32
        %select_n3A_263 = arith.select %eq3A_261, %select_n3A_262, %select_n3A_259 : i32
        scf.yield %select_n3A_167, %select_n3A_255, %select_n3A_221, %select_n3A_248, %select_n3A_263 : i32, i32, i32, i32, i32
      }
      %scan3A_68 = arith.constant 4 : i32
      %sub3A = arith.constant 1 : i32
      %sub3A_69 = arith.subi %scan3A_67#4, %sub3A : i32
      %select_n3A_70 = arith.constant true
      %select_n3A_71 = arith.select %select_n3A_70, %sub3A_69, %scan3A_67#4 : i32
      %eq3A_72 = arith.constant -1 : i32
      %eq3A_73 = arith.cmpi eq, %select_n3A_71, %eq3A_72 : i32
      %select_n3A_74 = arith.constant 3 : i32
      %select_n3A_75 = arith.select %eq3A_73, %select_n3A_74, %select_n3A_71 : i32
      %add3A_76 = arith.addi %select_n3A_75, %mul3A_6 : i32
      %sub3A_77 = arith.constant 1 : i32
      %sub3A_78 = arith.subi %select_n3A_75, %sub3A_77 : i32
      %select_n3A_79 = arith.constant true
      %select_n3A_80 = arith.select %select_n3A_79, %sub3A_78, %select_n3A_75 : i32
      %eq3A_81 = arith.constant -1 : i32
      %eq3A_82 = arith.cmpi eq, %select_n3A_80, %eq3A_81 : i32
      %select_n3A_83 = arith.constant 3 : i32
      %select_n3A_84 = arith.select %eq3A_82, %select_n3A_83, %select_n3A_80 : i32
      %add3A_85 = arith.addi %select_n3A_84, %mul3A_6 : i32
      %add3A_86 = arith.constant 1 : i32
      %add3A_87 = arith.addi %select_n3A_75, %add3A_86 : i32
      %select_n3A_88 = arith.constant true
      %select_n3A_89 = arith.select %select_n3A_88, %add3A_87, %select_n3A_75 : i32
      %eq3A_90 = arith.constant 4 : i32
      %eq3A_91 = arith.cmpi eq, %select_n3A_89, %eq3A_90 : i32
      %select_n3A_92 = arith.constant 0 : i32
      %select_n3A_93 = arith.select %eq3A_91, %select_n3A_92, %select_n3A_89 : i32
      %add3A_94 = arith.addi %select_n3A_93, %mul3A_6 : i32
      %add3A_95 = arith.constant 1 : i32
      %add3A_96 = arith.addi %select_n3A_93, %add3A_95 : i32
      %select_n3A_97 = arith.constant true
      %select_n3A_98 = arith.select %select_n3A_97, %add3A_96, %select_n3A_93 : i32
      %eq3A_99 = arith.constant 4 : i32
      %eq3A_100 = arith.cmpi eq, %select_n3A_98, %eq3A_99 : i32
      %select_n3A_101 = arith.constant 0 : i32
      %select_n3A_102 = arith.select %eq3A_100, %select_n3A_101, %select_n3A_98 : i32
      %add3A_103 = arith.addi %select_n3A_102, %mul3A_6 : i32
      "tpu.trace_start"() <{level = 10 : i32, message = "ep_finalize"}> : () -> ()
      %rem3A_104 = arith.constant 2 : i32
      %rem3A_105 = arith.remui %scan3A_67#3, %rem3A_104 : i32
      %mul3A_106 = arith.constant 128 : i32
      %mul3A_107 = arith.muli %mul3A_106, %add3A_76 : i32
      %dma_wait3A = arith.constant 0 : i32
      %dma_wait3A_108 = arith.constant 0 : i32
      %dma_wait3A_109 = tpu.memref_slice %run_scoped3A_8[%rem3A_105, %dma_wait3A, %dma_wait3A_108] : memref<2x128x256xf32, #tpu.memory_space<vmem>> -> memref<1x128x256xf32, #tpu.memory_space<vmem>>
      %dma_wait3A_110 = tpu.memref_squeeze %dma_wait3A_109 : memref<1x128x256xf32, #tpu.memory_space<vmem>> -> memref<128x256xf32, #tpu.memory_space<vmem>>
      %dma_wait3A_111 = arith.constant 0 : i32
      %dma_wait3A_112 = tpu.memref_slice %arg4[%mul3A_107, %dma_wait3A_111] : memref<16384x256xf32, #tpu.memory_space<hbm>> -> memref<128x256xf32, #tpu.memory_space<hbm>>
      %dma_wait3A_113 = tpu.memref_slice %run_scoped3A_9[%rem3A_105] : memref<2x!tpu.dma_semaphore, #tpu.memory_space<semaphore_mem>> -> memref<1x!tpu.dma_semaphore, #tpu.memory_space<semaphore_mem>>
      %dma_wait3A_114 = tpu.memref_squeeze %dma_wait3A_113 : memref<1x!tpu.dma_semaphore, #tpu.memory_space<semaphore_mem>> -> memref<!tpu.dma_semaphore, #tpu.memory_space<semaphore_mem>>
      %dma_wait3A_115 = arith.constant 0 : i32
      %dma_wait3A_116 = tpu.memref_slice %arg4[%mul3A_107, %dma_wait3A_115] : memref<16384x256xf32, #tpu.memory_space<hbm>> -> memref<128x256xf32, #tpu.memory_space<hbm>>
      %dma_wait3A_117 = arith.constant 0 : i32
      %dma_wait3A_118 = arith.constant 0 : i32
      %dma_wait3A_119 = tpu.memref_slice %run_scoped3A_8[%rem3A_105, %dma_wait3A_117, %dma_wait3A_118] : memref<2x128x256xf32, #tpu.memory_space<vmem>> -> memref<1x128x256xf32, #tpu.memory_space<vmem>>
      %dma_wait3A_120 = tpu.memref_squeeze %dma_wait3A_119 : memref<1x128x256xf32, #tpu.memory_space<vmem>> -> memref<128x256xf32, #tpu.memory_space<vmem>>
      tpu.wait_dma2 semaphore(%dma_wait3A_114 : memref<!tpu.dma_semaphore, #tpu.memory_space<semaphore_mem>>) src(%dma_wait3A_120 : memref<128x256xf32, #tpu.memory_space<vmem>>) dst(%dma_wait3A_116 : memref<128x256xf32, #tpu.memory_space<hbm>>)
      "tpu.trace_stop"() : () -> ()
      tpu.yield
    }) : () -> ()
    return
  }
}

#map = affine_map<(d0, d1) -> (0, 0)>
module attributes {stable_mosaic.version = 14 : i64} {
  func.func @_k(%arg0: i32, %arg1: i32, %arg2: memref<35840x256xf32, #tpu.memory_space<hbm>>, %arg3: memref<1x16384xi32, #tpu.memory_space<hbm>>, %arg4: memref<16384x256xf32, #tpu.memory_space<hbm>>) attributes {dimension_semantics = [#tpu.dimension_semantics<core_parallel>, #tpu.dimension_semantics<subcore_parallel>], iteration_bounds = array<i64: 2, 16>, scalar_prefetch = 0 : i64, scratch_operands = 0 : i64, tpu.core_type = #tpu.core_type<sc_vector_subcore>, window_params = [{transform_indices = #map}, {transform_indices = #map}, {transform_indices = #map}]} {
    %mul3A = arith.constant 1 : i32
    %mul3A_0 = arith.muli %arg1, %mul3A : i32
    %add3A = arith.constant 0 : i32
    %add3A_1 = arith.addi %add3A, %mul3A_0 : i32
    %mul3A_2 = arith.constant 16 : i32
    %mul3A_3 = arith.muli %arg0, %mul3A_2 : i32
    %add3A_4 = arith.addi %add3A_1, %mul3A_3 : i32
    %mul3A_5 = arith.constant 4 : i32
    %mul3A_6 = arith.muli %add3A_4, %mul3A_5 : i32
    "tpu.region"() ({
      %run_scoped3A = memref.alloca() : memref<2x1x128xi32, #tpu.memory_space<vmem>>
      %run_scoped3A_7 = tpu.sem_alloc : memref<2x!tpu.dma_semaphore, #tpu.memory_space<semaphore_mem>>
      %run_scoped3A_8 = memref.alloca() : memref<2x128x256xf32, #tpu.memory_space<vmem>>
      %run_scoped3A_9 = tpu.sem_alloc : memref<2x!tpu.dma_semaphore, #tpu.memory_space<semaphore_mem>>
      %add3A_10 = arith.constant 0 : i32
      %add3A_11 = arith.addi %add3A_10, %mul3A_6 : i32
      %select_n3A = arith.constant true
      %select_n3A_12 = arith.constant 0 : i32
      %select_n3A_13 = arith.constant -1 : i32
      %select_n3A_14 = arith.select %select_n3A, %select_n3A_13, %select_n3A_12 : i32
      %eq3A = arith.constant -1 : i32
      %eq3A_15 = arith.cmpi eq, %select_n3A_14, %eq3A : i32
      %select_n3A_16 = arith.constant 3 : i32
      %select_n3A_17 = arith.select %eq3A_15, %select_n3A_16, %select_n3A_14 : i32
      %add3A_18 = arith.addi %select_n3A_17, %mul3A_6 : i32
      %select_n3A_19 = arith.constant true
      %select_n3A_20 = arith.constant 0 : i32
      %select_n3A_21 = arith.constant 1 : i32
      %select_n3A_22 = arith.select %select_n3A_19, %select_n3A_21, %select_n3A_20 : i32
      %eq3A_23 = arith.constant 4 : i32
      %eq3A_24 = arith.cmpi eq, %select_n3A_22, %eq3A_23 : i32
      %select_n3A_25 = arith.constant 0 : i32
      %select_n3A_26 = arith.select %eq3A_24, %select_n3A_25, %select_n3A_22 : i32
      %add3A_27 = arith.addi %select_n3A_26, %mul3A_6 : i32
      %add3A_28 = arith.constant 1 : i32
      %add3A_29 = arith.addi %select_n3A_26, %add3A_28 : i32
      %select_n3A_30 = arith.constant true
      %select_n3A_31 = arith.select %select_n3A_30, %add3A_29, %select_n3A_26 : i32
      %eq3A_32 = arith.constant 4 : i32
      %eq3A_33 = arith.cmpi eq, %select_n3A_31, %eq3A_32 : i32
      %select_n3A_34 = arith.constant 0 : i32
      %select_n3A_35 = arith.select %eq3A_33, %select_n3A_34, %select_n3A_31 : i32
      %add3A_36 = arith.addi %select_n3A_35, %mul3A_6 : i32
      "tpu.trace_start"() <{level = 10 : i32, message = "ep_initialize_0"}> : () -> ()
      %rem3A = arith.constant 0 : i32
      %rem3A_37 = arith.constant 2 : i32
      %rem3A_38 = arith.remui %rem3A, %rem3A_37 : i32
      %mul3A_39 = arith.constant 128 : i32
      %mul3A_40 = arith.muli %mul3A_39, %add3A_11 : i32
      %dma_start3A = arith.constant 0 : i32
      %dma_start3A_41 = arith.constant 0 : i32
      %dma_start3A_42 = tpu.memref_slice %run_scoped3A[%rem3A_38, %dma_start3A, %dma_start3A_41] : memref<2x1x128xi32, #tpu.memory_space<vmem>> -> memref<1x1x128xi32, #tpu.memory_space<vmem>>
      %dma_start3A_43 = tpu.memref_squeeze %dma_start3A_42 : memref<1x1x128xi32, #tpu.memory_space<vmem>> -> memref<1x128xi32, #tpu.memory_space<vmem>>
      %dma_start3A_44 = arith.constant 0 : i32
      %dma_start3A_45 = tpu.memref_slice %arg3[%dma_start3A_44, %mul3A_40] : memref<1x16384xi32, #tpu.memory_space<hbm>> -> memref<1x128xi32, #tpu.memory_space<hbm>>
      %dma_start3A_46 = tpu.memref_slice %run_scoped3A_7[%rem3A_38] : memref<2x!tpu.dma_semaphore, #tpu.memory_space<semaphore_mem>> -> memref<1x!tpu.dma_semaphore, #tpu.memory_space<semaphore_mem>>
      %dma_start3A_47 = tpu.memref_squeeze %dma_start3A_46 : memref<1x!tpu.dma_semaphore, #tpu.memory_space<semaphore_mem>> -> memref<!tpu.dma_semaphore, #tpu.memory_space<semaphore_mem>>
      %dma_start3A_48 = arith.constant 0 : i32
      %dma_start3A_49 = arith.constant 0 : i32
      %dma_start3A_50 = tpu.memref_slice %run_scoped3A[%rem3A_38, %dma_start3A_48, %dma_start3A_49] : memref<2x1x128xi32, #tpu.memory_space<vmem>> -> memref<1x1x128xi32, #tpu.memory_space<vmem>>
      %dma_start3A_51 = tpu.memref_squeeze %dma_start3A_50 : memref<1x1x128xi32, #tpu.memory_space<vmem>> -> memref<1x128xi32, #tpu.memory_space<vmem>>
      %dma_start3A_52 = arith.constant 0 : i32
      %dma_start3A_53 = tpu.memref_slice %arg3[%dma_start3A_52, %mul3A_40] : memref<1x16384xi32, #tpu.memory_space<hbm>> -> memref<1x128xi32, #tpu.memory_space<hbm>>
      tpu.enqueue_dma source(%dma_start3A_53 : memref<1x128xi32, #tpu.memory_space<hbm>>) target(%dma_start3A_51 : memref<1x128xi32, #tpu.memory_space<vmem>>) target_semaphore(%dma_start3A_47 : memref<!tpu.dma_semaphore, #tpu.memory_space<semaphore_mem>>)
      %add3A_54 = arith.constant 0 : i32
      %add3A_55 = arith.constant 1 : i32
      %add3A_56 = arith.addi %add3A_54, %add3A_55 : i32
      %select_n3A_57 = arith.constant true
      %select_n3A_58 = arith.constant 0 : i32
      %select_n3A_59 = arith.select %select_n3A_57, %add3A_56, %select_n3A_58 : i32
      "tpu.trace_stop"() : () -> ()
      %scan3A = arith.constant 0 : i32
      %scan3A_60 = arith.constant 0 : i32
      %scan3A_61 = arith.constant 0 : i32
      %scan3A_62 = arith.constant 0 : i32
      %scan3A_63 = arith.constant 0 : i32
      %scan3A_64 = arith.constant 4 : i32
      %scan3A_65 = arith.addi %scan3A_63, %scan3A_64 : i32
      %scan3A_66 = arith.constant 1 : i32
      %scan3A_67:5 = scf.for %scan3A_121 = %scan3A_63 to %scan3A_65 step %scan3A_66 iter_args(%scan3A_122 = %select_n3A_59, %scan3A_123 = %scan3A, %scan3A_124 = %scan3A_60, %scan3A_125 = %scan3A_61, %scan3A_126 = %scan3A_62) -> (i32, i32, i32, i32, i32)  : i32 {
        %eq3A_127 = arith.constant 0 : i32
        %eq3A_128 = arith.cmpi eq, %scan3A_121, %eq3A_127 : i32
        %eq3A_129 = arith.constant 3 : i32
        %eq3A_130 = arith.cmpi eq, %scan3A_121, %eq3A_129 : i32
        %add3A_131 = arith.addi %scan3A_126, %mul3A_6 : i32
        %sub3A_132 = arith.constant 1 : i32
        %sub3A_133 = arith.subi %scan3A_126, %sub3A_132 : i32
        %select_n3A_134 = arith.constant true
        %select_n3A_135 = arith.select %select_n3A_134, %sub3A_133, %scan3A_126 : i32
        %eq3A_136 = arith.constant -1 : i32
        %eq3A_137 = arith.cmpi eq, %select_n3A_135, %eq3A_136 : i32
        %select_n3A_138 = arith.constant 3 : i32
        %select_n3A_139 = arith.select %eq3A_137, %select_n3A_138, %select_n3A_135 : i32
        %add3A_140 = arith.addi %select_n3A_139, %mul3A_6 : i32
        %add3A_141 = arith.constant 1 : i32
        %add3A_142 = arith.addi %scan3A_126, %add3A_141 : i32
        %select_n3A_143 = arith.constant true
        %select_n3A_144 = arith.select %select_n3A_143, %add3A_142, %scan3A_126 : i32
        %eq3A_145 = arith.constant 4 : i32
        %eq3A_146 = arith.cmpi eq, %select_n3A_144, %eq3A_145 : i32
        %select_n3A_147 = arith.constant 0 : i32
        %select_n3A_148 = arith.select %eq3A_146, %select_n3A_147, %select_n3A_144 : i32
        %add3A_149 = arith.addi %select_n3A_148, %mul3A_6 : i32
        %add3A_150 = arith.constant 1 : i32
        %add3A_151 = arith.addi %select_n3A_148, %add3A_150 : i32
        %select_n3A_152 = arith.constant true
        %select_n3A_153 = arith.select %select_n3A_152, %add3A_151, %select_n3A_148 : i32
        %eq3A_154 = arith.constant 4 : i32
        %eq3A_155 = arith.cmpi eq, %select_n3A_153, %eq3A_154 : i32
        %select_n3A_156 = arith.constant 0 : i32
        %select_n3A_157 = arith.select %eq3A_155, %select_n3A_156, %select_n3A_153 : i32
        %add3A_158 = arith.addi %select_n3A_157, %mul3A_6 : i32
        %ne3A = arith.cmpi ne, %add3A_131, %add3A_149 : i32
        %or3A = arith.constant false
        %or3A_159 = arith.ori %or3A, %ne3A : i1
        %ge3A = arith.constant 3 : i32
        %ge3A_160 = arith.cmpi sge, %scan3A_121, %ge3A : i32
        %not3A = arith.constant true
        %not3A_161 = arith.xori %ge3A_160, %not3A : i1
        %and3A = arith.andi %or3A_159, %not3A_161 : i1
        %convert_element_type3A = arith.extui %and3A : i1 to i32
        %cond3A = arith.constant 0 : i32
        %cond3A_162 = arith.cmpi ne, %convert_element_type3A, %cond3A : i32
        scf.if %cond3A_162 {
          "tpu.trace_start"() <{level = 10 : i32, message = "ep_copy_in"}> : () -> ()
          %rem3A_264 = arith.constant 2 : i32
          %rem3A_265 = arith.remui %scan3A_122, %rem3A_264 : i32
          %mul3A_266 = arith.constant 128 : i32
          %mul3A_267 = arith.muli %mul3A_266, %add3A_149 : i32
          %dma_start3A_268 = arith.constant 0 : i32
          %dma_start3A_269 = arith.constant 0 : i32
          %dma_start3A_270 = tpu.memref_slice %run_scoped3A[%rem3A_265, %dma_start3A_268, %dma_start3A_269] : memref<2x1x128xi32, #tpu.memory_space<vmem>> -> memref<1x1x128xi32, #tpu.memory_space<vmem>>
          %dma_start3A_271 = tpu.memref_squeeze %dma_start3A_270 : memref<1x1x128xi32, #tpu.memory_space<vmem>> -> memref<1x128xi32, #tpu.memory_space<vmem>>
          %dma_start3A_272 = arith.constant 0 : i32
          %dma_start3A_273 = tpu.memref_slice %arg3[%dma_start3A_272, %mul3A_267] : memref<1x16384xi32, #tpu.memory_space<hbm>> -> memref<1x128xi32, #tpu.memory_space<hbm>>
          %dma_start3A_274 = tpu.memref_slice %run_scoped3A_7[%rem3A_265] : memref<2x!tpu.dma_semaphore, #tpu.memory_space<semaphore_mem>> -> memref<1x!tpu.dma_semaphore, #tpu.memory_space<semaphore_mem>>
          %dma_start3A_275 = tpu.memref_squeeze %dma_start3A_274 : memref<1x!tpu.dma_semaphore, #tpu.memory_space<semaphore_mem>> -> memref<!tpu.dma_semaphore, #tpu.memory_space<semaphore_mem>>
          %dma_start3A_276 = arith.constant 0 : i32
          %dma_start3A_277 = arith.constant 0 : i32
          %dma_start3A_278 = tpu.memref_slice %run_scoped3A[%rem3A_265, %dma_start3A_276, %dma_start3A_277] : memref<2x1x128xi32, #tpu.memory_space<vmem>> -> memref<1x1x128xi32, #tpu.memory_space<vmem>>
          %dma_start3A_279 = tpu.memref_squeeze %dma_start3A_278 : memref<1x1x128xi32, #tpu.memory_space<vmem>> -> memref<1x128xi32, #tpu.memory_space<vmem>>
          %dma_start3A_280 = arith.constant 0 : i32
          %dma_start3A_281 = tpu.memref_slice %arg3[%dma_start3A_280, %mul3A_267] : memref<1x16384xi32, #tpu.memory_space<hbm>> -> memref<1x128xi32, #tpu.memory_space<hbm>>
          tpu.enqueue_dma source(%dma_start3A_281 : memref<1x128xi32, #tpu.memory_space<hbm>>) target(%dma_start3A_279 : memref<1x128xi32, #tpu.memory_space<vmem>>) target_semaphore(%dma_start3A_275 : memref<!tpu.dma_semaphore, #tpu.memory_space<semaphore_mem>>)
          "tpu.trace_stop"() : () -> ()
        } else {
        }
        %and3A_163 = arith.constant true
        %and3A_164 = arith.andi %and3A, %and3A_163 : i1
        %add3A_165 = arith.constant 1 : i32
        %add3A_166 = arith.addi %scan3A_122, %add3A_165 : i32
        %select_n3A_167 = arith.select %and3A_164, %add3A_166, %scan3A_122 : i32
        %ne3A_168 = arith.cmpi ne, %add3A_131, %add3A_149 : i32
        %or3A_169 = arith.constant false
        %or3A_170 = arith.ori %or3A_169, %ne3A_168 : i1
        %or3A_171 = arith.constant false
        %or3A_172 = arith.ori %or3A_170, %or3A_171 : i1
        %ge3A_173 = arith.constant 3 : i32
        %ge3A_174 = arith.cmpi sge, %scan3A_121, %ge3A_173 : i32
        %not3A_175 = arith.constant true
        %not3A_176 = arith.xori %ge3A_174, %not3A_175 : i1
        %and3A_177 = arith.andi %or3A_172, %not3A_176 : i1
        %ne3A_178 = arith.cmpi ne, %add3A_131, %add3A_140 : i32
        %or3A_179 = arith.constant false
        %or3A_180 = arith.ori %or3A_179, %ne3A_178 : i1
        %or3A_181 = arith.ori %or3A_180, %eq3A_128 : i1
        %convert_element_type3A_182 = arith.extui %or3A_181 : i1 to i32
        %cond3A_183 = arith.constant 0 : i32
        %cond3A_184 = arith.cmpi ne, %convert_element_type3A_182, %cond3A_183 : i32
        scf.if %cond3A_184 {
          "tpu.trace_start"() <{level = 10 : i32, message = "ep_wait_in"}> : () -> ()
          %mul3A_264 = arith.constant 128 : i32
          %mul3A_265 = arith.muli %mul3A_264, %add3A_131 : i32
          %rem3A_266 = arith.constant 2 : i32
          %rem3A_267 = arith.remui %scan3A_123, %rem3A_266 : i32
          %dma_wait3A_268 = arith.constant 0 : i32
          %dma_wait3A_269 = arith.constant 0 : i32
          %dma_wait3A_270 = tpu.memref_slice %run_scoped3A[%rem3A_267, %dma_wait3A_268, %dma_wait3A_269] : memref<2x1x128xi32, #tpu.memory_space<vmem>> -> memref<1x1x128xi32, #tpu.memory_space<vmem>>
          %dma_wait3A_271 = tpu.memref_squeeze %dma_wait3A_270 : memref<1x1x128xi32, #tpu.memory_space<vmem>> -> memref<1x128xi32, #tpu.memory_space<vmem>>
          %dma_wait3A_272 = arith.constant 0 : i32
          %dma_wait3A_273 = tpu.memref_slice %arg3[%dma_wait3A_272, %mul3A_265] : memref<1x16384xi32, #tpu.memory_space<hbm>> -> memref<1x128xi32, #tpu.memory_space<hbm>>
          %dma_wait3A_274 = tpu.memref_slice %run_scoped3A_7[%rem3A_267] : memref<2x!tpu.dma_semaphore, #tpu.memory_space<semaphore_mem>> -> memref<1x!tpu.dma_semaphore, #tpu.memory_space<semaphore_mem>>
          %dma_wait3A_275 = tpu.memref_squeeze %dma_wait3A_274 : memref<1x!tpu.dma_semaphore, #tpu.memory_space<semaphore_mem>> -> memref<!tpu.dma_semaphore, #tpu.memory_space<semaphore_mem>>
          %dma_wait3A_276 = arith.constant 0 : i32
          %dma_wait3A_277 = arith.constant 0 : i32
          %dma_wait3A_278 = tpu.memref_slice %run_scoped3A[%rem3A_267, %dma_wait3A_276, %dma_wait3A_277] : memref<2x1x128xi32, #tpu.memory_space<vmem>> -> memref<1x1x128xi32, #tpu.memory_space<vmem>>
          %dma_wait3A_279 = tpu.memref_squeeze %dma_wait3A_278 : memref<1x1x128xi32, #tpu.memory_space<vmem>> -> memref<1x128xi32, #tpu.memory_space<vmem>>
          %dma_wait3A_280 = arith.constant 0 : i32
          %dma_wait3A_281 = tpu.memref_slice %arg3[%dma_wait3A_280, %mul3A_265] : memref<1x16384xi32, #tpu.memory_space<hbm>> -> memref<1x128xi32, #tpu.memory_space<hbm>>
          tpu.wait_dma2 semaphore(%dma_wait3A_275 : memref<!tpu.dma_semaphore, #tpu.memory_space<semaphore_mem>>) src(%dma_wait3A_281 : memref<1x128xi32, #tpu.memory_space<hbm>>) dst(%dma_wait3A_279 : memref<1x128xi32, #tpu.memory_space<vmem>>)
          "tpu.trace_stop"() : () -> ()
        } else {
        }
        %ne3A_185 = arith.cmpi ne, %add3A_131, %add3A_140 : i32
        %or3A_186 = arith.constant false
        %or3A_187 = arith.ori %or3A_186, %ne3A_185 : i1
        %or3A_188 = arith.constant false
        %or3A_189 = arith.ori %or3A_187, %or3A_188 : i1
        %or3A_190 = arith.ori %or3A_189, %eq3A_128 : i1
        %convert_element_type3A_191 = arith.extui %or3A_190 : i1 to i32
        %cond3A_192 = arith.constant 0 : i32
        %cond3A_193 = arith.cmpi ne, %convert_element_type3A_191, %cond3A_192 : i32
        scf.if %cond3A_193 {
        } else {
        }
        %rem3A_194 = arith.constant 2 : i32
        %rem3A_195 = arith.remui %scan3A_123, %rem3A_194 : i32
        %rem3A_196 = arith.constant 2 : i32
        %rem3A_197 = arith.remui %scan3A_124, %rem3A_196 : i32
        %run_scoped3A_198 = arith.constant 0 : i32
        "tpu.trace_start"() <{level = 10 : i32, message = "ep_run_kernel"}> : () -> ()
        "tpu.region"() ({
          %run_scoped3A_264 = tpu.sem_alloc : memref<!tpu.dma_semaphore, #tpu.memory_space<semaphore_mem>>
          %dma_start3A_265 = arith.constant 0 : i32
          %dma_start3A_266 = arith.constant 0 : i32
          %dma_start3A_267 = tpu.memref_slice %run_scoped3A_8[%rem3A_197, %dma_start3A_265, %dma_start3A_266] : memref<2x128x256xf32, #tpu.memory_space<vmem>> -> memref<1x128x256xf32, #tpu.memory_space<vmem>>
          %dma_start3A_268 = tpu.memref_squeeze %dma_start3A_267 : memref<1x128x256xf32, #tpu.memory_space<vmem>> -> memref<128x256xf32, #tpu.memory_space<vmem>>
          %dma_start3A_269 = arith.constant 0 : i32
          %dma_start3A_270 = arith.constant 0 : i32
          %dma_start3A_271 = tpu.memref_slice %run_scoped3A[%rem3A_195, %dma_start3A_269, %dma_start3A_270] : memref<2x1x128xi32, #tpu.memory_space<vmem>> -> memref<1x1x128xi32, #tpu.memory_space<vmem>>
          %dma_start3A_272 = tpu.memref_squeeze %dma_start3A_271 : memref<1x1x128xi32, #tpu.memory_space<vmem>> -> memref<1x128xi32, #tpu.memory_space<vmem>>
          %dma_start3A_273 = arith.constant 0 : i32
          %dma_start3A_274 = tpu.memref_slice %dma_start3A_272[%run_scoped3A_198, %dma_start3A_273] : memref<1x128xi32, #tpu.memory_space<vmem>> -> memref<1x128xi32, #tpu.memory_space<vmem>>
          %dma_start3A_275 = tpu.memref_squeeze %dma_start3A_274 : memref<1x128xi32, #tpu.memory_space<vmem>> -> memref<128xi32, #tpu.memory_space<vmem>>
          %dma_start3A_276 = arith.constant 0 : i32
          %dma_start3A_277 = arith.constant 0 : i32
          %dma_start3A_278 = tpu.memref_slice %arg2[%dma_start3A_276, %dma_start3A_277] : memref<35840x256xf32, #tpu.memory_space<hbm>> -> memref<35840x256xf32, #tpu.memory_space<hbm>>
          tpu.enqueue_indirect_dma source(%dma_start3A_278 : memref<35840x256xf32, #tpu.memory_space<hbm>>) target(%dma_start3A_268 : memref<128x256xf32, #tpu.memory_space<vmem>>) offsets(%dma_start3A_275 : memref<128xi32, #tpu.memory_space<vmem>>) semaphore(%run_scoped3A_264 : memref<!tpu.dma_semaphore, #tpu.memory_space<semaphore_mem>>)
          %dma_wait3A_279 = arith.constant 0 : i32
          %dma_wait3A_280 = arith.constant 0 : i32
          %dma_wait3A_281 = tpu.memref_slice %run_scoped3A_8[%rem3A_197, %dma_wait3A_279, %dma_wait3A_280] : memref<2x128x256xf32, #tpu.memory_space<vmem>> -> memref<1x128x256xf32, #tpu.memory_space<vmem>>
          %dma_wait3A_282 = tpu.memref_squeeze %dma_wait3A_281 : memref<1x128x256xf32, #tpu.memory_space<vmem>> -> memref<128x256xf32, #tpu.memory_space<vmem>>
          %dma_wait3A_283 = arith.constant 0 : i32
          %dma_wait3A_284 = arith.constant 0 : i32
          %dma_wait3A_285 = tpu.memref_slice %run_scoped3A[%rem3A_195, %dma_wait3A_283, %dma_wait3A_284] : memref<2x1x128xi32, #tpu.memory_space<vmem>> -> memref<1x1x128xi32, #tpu.memory_space<vmem>>
          %dma_wait3A_286 = tpu.memref_squeeze %dma_wait3A_285 : memref<1x1x128xi32, #tpu.memory_space<vmem>> -> memref<1x128xi32, #tpu.memory_space<vmem>>
          %dma_wait3A_287 = arith.constant 0 : i32
          %dma_wait3A_288 = tpu.memref_slice %dma_wait3A_286[%run_scoped3A_198, %dma_wait3A_287] : memref<1x128xi32, #tpu.memory_space<vmem>> -> memref<1x128xi32, #tpu.memory_space<vmem>>
          %dma_wait3A_289 = tpu.memref_squeeze %dma_wait3A_288 : memref<1x128xi32, #tpu.memory_space<vmem>> -> memref<128xi32, #tpu.memory_space<vmem>>
          %dma_wait3A_290 = arith.constant 0 : i32
          %dma_wait3A_291 = arith.constant 0 : i32
          %dma_wait3A_292 = tpu.memref_slice %arg2[%dma_wait3A_290, %dma_wait3A_291] : memref<35840x256xf32, #tpu.memory_space<hbm>> -> memref<35840x256xf32, #tpu.memory_space<hbm>>
          tpu.wait_indirect_dma semaphore(%run_scoped3A_264 : memref<!tpu.dma_semaphore, #tpu.memory_space<semaphore_mem>>) src(%dma_wait3A_292 : memref<35840x256xf32, #tpu.memory_space<hbm>>) dst(%dma_wait3A_282 : memref<128x256xf32, #tpu.memory_space<vmem>>)
          tpu.yield
        }) : () -> ()
        "tpu.trace_stop"() : () -> ()
        %ne3A_199 = arith.cmpi ne, %add3A_131, %add3A_149 : i32
        %or3A_200 = arith.constant false
        %or3A_201 = arith.ori %or3A_200, %ne3A_199 : i1
        %or3A_202 = arith.ori %or3A_201, %eq3A_130 : i1
        %convert_element_type3A_203 = arith.extui %or3A_202 : i1 to i32
        %cond3A_204 = arith.constant 0 : i32
        %cond3A_205 = arith.cmpi ne, %convert_element_type3A_203, %cond3A_204 : i32
        scf.if %cond3A_205 {
        } else {
        }
        %and3A_206 = arith.constant false
        %and3A_207 = arith.andi %or3A_202, %and3A_206 : i1
        %ne3A_208 = arith.cmpi ne, %add3A_131, %add3A_149 : i32
        %or3A_209 = arith.constant false
        %or3A_210 = arith.ori %or3A_209, %ne3A_208 : i1
        %or3A_211 = arith.constant false
        %or3A_212 = arith.ori %or3A_210, %or3A_211 : i1
        %or3A_213 = arith.ori %or3A_212, %eq3A_130 : i1
        %convert_element_type3A_214 = arith.extui %or3A_213 : i1 to i32
        %cond3A_215 = arith.constant 0 : i32
        %cond3A_216 = arith.cmpi ne, %convert_element_type3A_214, %cond3A_215 : i32
        scf.if %cond3A_216 {
          "tpu.trace_start"() <{level = 10 : i32, message = "ep_copy_out"}> : () -> ()
          %rem3A_264 = arith.constant 2 : i32
          %rem3A_265 = arith.remui %scan3A_124, %rem3A_264 : i32
          %mul3A_266 = arith.constant 128 : i32
          %mul3A_267 = arith.muli %mul3A_266, %add3A_131 : i32
          %dma_start3A_268 = arith.constant 0 : i32
          %dma_start3A_269 = arith.constant 0 : i32
          %dma_start3A_270 = tpu.memref_slice %run_scoped3A_8[%rem3A_265, %dma_start3A_268, %dma_start3A_269] : memref<2x128x256xf32, #tpu.memory_space<vmem>> -> memref<1x128x256xf32, #tpu.memory_space<vmem>>
          %dma_start3A_271 = tpu.memref_squeeze %dma_start3A_270 : memref<1x128x256xf32, #tpu.memory_space<vmem>> -> memref<128x256xf32, #tpu.memory_space<vmem>>
          %dma_start3A_272 = arith.constant 0 : i32
          %dma_start3A_273 = tpu.memref_slice %arg4[%mul3A_267, %dma_start3A_272] : memref<16384x256xf32, #tpu.memory_space<hbm>> -> memref<128x256xf32, #tpu.memory_space<hbm>>
          %dma_start3A_274 = tpu.memref_slice %run_scoped3A_9[%rem3A_265] : memref<2x!tpu.dma_semaphore, #tpu.memory_space<semaphore_mem>> -> memref<1x!tpu.dma_semaphore, #tpu.memory_space<semaphore_mem>>
          %dma_start3A_275 = tpu.memref_squeeze %dma_start3A_274 : memref<1x!tpu.dma_semaphore, #tpu.memory_space<semaphore_mem>> -> memref<!tpu.dma_semaphore, #tpu.memory_space<semaphore_mem>>
          %dma_start3A_276 = arith.constant 0 : i32
          %dma_start3A_277 = tpu.memref_slice %arg4[%mul3A_267, %dma_start3A_276] : memref<16384x256xf32, #tpu.memory_space<hbm>> -> memref<128x256xf32, #tpu.memory_space<hbm>>
          %dma_start3A_278 = arith.constant 0 : i32
          %dma_start3A_279 = arith.constant 0 : i32
          %dma_start3A_280 = tpu.memref_slice %run_scoped3A_8[%rem3A_265, %dma_start3A_278, %dma_start3A_279] : memref<2x128x256xf32, #tpu.memory_space<vmem>> -> memref<1x128x256xf32, #tpu.memory_space<vmem>>
          %dma_start3A_281 = tpu.memref_squeeze %dma_start3A_280 : memref<1x128x256xf32, #tpu.memory_space<vmem>> -> memref<128x256xf32, #tpu.memory_space<vmem>>
          tpu.enqueue_dma source(%dma_start3A_281 : memref<128x256xf32, #tpu.memory_space<vmem>>) target(%dma_start3A_277 : memref<128x256xf32, #tpu.memory_space<hbm>>) target_semaphore(%dma_start3A_275 : memref<!tpu.dma_semaphore, #tpu.memory_space<semaphore_mem>>)
          "tpu.trace_stop"() : () -> ()
        } else {
        }
        %and3A_217 = arith.constant true
        %and3A_218 = arith.andi %or3A_213, %and3A_217 : i1
        %add3A_219 = arith.constant 1 : i32
        %add3A_220 = arith.addi %scan3A_124, %add3A_219 : i32
        %select_n3A_221 = arith.select %and3A_218, %add3A_220, %scan3A_124 : i32
        %ne3A_222 = arith.cmpi ne, %add3A_131, %add3A_140 : i32
        %or3A_223 = arith.constant false
        %or3A_224 = arith.ori %or3A_223, %ne3A_222 : i1
        %not3A_225 = arith.constant true
        %not3A_226 = arith.xori %eq3A_128, %not3A_225 : i1
        %and3A_227 = arith.andi %or3A_224, %not3A_226 : i1
        %convert_element_type3A_228 = arith.extui %and3A_227 : i1 to i32
        %cond3A_229 = arith.constant 0 : i32
        %cond3A_230 = arith.cmpi ne, %convert_element_type3A_228, %cond3A_229 : i32
        scf.if %cond3A_230 {
        } else {
        }
        %and3A_231 = arith.constant false
        %and3A_232 = arith.andi %and3A_227, %and3A_231 : i1
        %ne3A_233 = arith.cmpi ne, %add3A_131, %add3A_140 : i32
        %or3A_234 = arith.constant false
        %or3A_235 = arith.ori %or3A_234, %ne3A_233 : i1
        %or3A_236 = arith.constant false
        %or3A_237 = arith.ori %or3A_235, %or3A_236 : i1
        %not3A_238 = arith.constant true
        %not3A_239 = arith.xori %eq3A_128, %not3A_238 : i1
        %and3A_240 = arith.andi %or3A_237, %not3A_239 : i1
        %convert_element_type3A_241 = arith.extui %and3A_240 : i1 to i32
        %cond3A_242 = arith.constant 0 : i32
        %cond3A_243 = arith.cmpi ne, %convert_element_type3A_241, %cond3A_242 : i32
        scf.if %cond3A_243 {
          "tpu.trace_start"() <{level = 10 : i32, message = "ep_wait_out"}> : () -> ()
          %rem3A_264 = arith.constant 2 : i32
          %rem3A_265 = arith.remui %scan3A_125, %rem3A_264 : i32
          %mul3A_266 = arith.constant 128 : i32
          %mul3A_267 = arith.muli %mul3A_266, %add3A_140 : i32
          %dma_wait3A_268 = arith.constant 0 : i32
          %dma_wait3A_269 = arith.constant 0 : i32
          %dma_wait3A_270 = tpu.memref_slice %run_scoped3A_8[%rem3A_265, %dma_wait3A_268, %dma_wait3A_269] : memref<2x128x256xf32, #tpu.memory_space<vmem>> -> memref<1x128x256xf32, #tpu.memory_space<vmem>>
          %dma_wait3A_271 = tpu.memref_squeeze %dma_wait3A_270 : memref<1x128x256xf32, #tpu.memory_space<vmem>> -> memref<128x256xf32, #tpu.memory_space<vmem>>
          %dma_wait3A_272 = arith.constant 0 : i32
          %dma_wait3A_273 = tpu.memref_slice %arg4[%mul3A_267, %dma_wait3A_272] : memref<16384x256xf32, #tpu.memory_space<hbm>> -> memref<128x256xf32, #tpu.memory_space<hbm>>
          %dma_wait3A_274 = tpu.memref_slice %run_scoped3A_9[%rem3A_265] : memref<2x!tpu.dma_semaphore, #tpu.memory_space<semaphore_mem>> -> memref<1x!tpu.dma_semaphore, #tpu.memory_space<semaphore_mem>>
          %dma_wait3A_275 = tpu.memref_squeeze %dma_wait3A_274 : memref<1x!tpu.dma_semaphore, #tpu.memory_space<semaphore_mem>> -> memref<!tpu.dma_semaphore, #tpu.memory_space<semaphore_mem>>
          %dma_wait3A_276 = arith.constant 0 : i32
          %dma_wait3A_277 = tpu.memref_slice %arg4[%mul3A_267, %dma_wait3A_276] : memref<16384x256xf32, #tpu.memory_space<hbm>> -> memref<128x256xf32, #tpu.memory_space<hbm>>
          %dma_wait3A_278 = arith.constant 0 : i32
          %dma_wait3A_279 = arith.constant 0 : i32
          %dma_wait3A_280 = tpu.memref_slice %run_scoped3A_8[%rem3A_265, %dma_wait3A_278, %dma_wait3A_279] : memref<2x128x256xf32, #tpu.memory_space<vmem>> -> memref<1x128x256xf32, #tpu.memory_space<vmem>>
          %dma_wait3A_281 = tpu.memref_squeeze %dma_wait3A_280 : memref<1x128x256xf32, #tpu.memory_space<vmem>> -> memref<128x256xf32, #tpu.memory_space<vmem>>
          tpu.wait_dma2 semaphore(%dma_wait3A_275 : memref<!tpu.dma_semaphore, #tpu.memory_space<semaphore_mem>>) src(%dma_wait3A_281 : memref<128x256xf32, #tpu.memory_space<vmem>>) dst(%dma_wait3A_277 : memref<128x256xf32, #tpu.memory_space<hbm>>)
          "tpu.trace_stop"() : () -> ()
        } else {
        }
        %and3A_244 = arith.constant true
        %and3A_245 = arith.andi %and3A_240, %and3A_244 : i1
        %add3A_246 = arith.constant 1 : i32
        %add3A_247 = arith.addi %scan3A_125, %add3A_246 : i32
        %select_n3A_248 = arith.select %and3A_245, %add3A_247, %scan3A_125 : i32
        %ne3A_249 = arith.cmpi ne, %add3A_131, %add3A_149 : i32
        %or3A_250 = arith.constant false
        %or3A_251 = arith.ori %or3A_250, %ne3A_249 : i1
        %or3A_252 = arith.ori %or3A_251, %eq3A_130 : i1
        %add3A_253 = arith.constant 1 : i32
        %add3A_254 = arith.addi %scan3A_123, %add3A_253 : i32
        %select_n3A_255 = arith.select %or3A_252, %add3A_254, %scan3A_123 : i32
        %add3A_256 = arith.constant 1 : i32
        %add3A_257 = arith.addi %scan3A_126, %add3A_256 : i32
        %select_n3A_258 = arith.constant true
        %select_n3A_259 = arith.select %select_n3A_258, %add3A_257, %scan3A_126 : i32
        %eq3A_260 = arith.constant 4 : i32
        %eq3A_261 = arith.cmpi eq, %select_n3A_259, %eq3A_260 : i32
        %select_n3A_262 = arith.constant 0 : i32
        %select_n3A_263 = arith.select %eq3A_261, %select_n3A_262, %select_n3A_259 : i32
        scf.yield %select_n3A_167, %select_n3A_255, %select_n3A_221, %select_n3A_248, %select_n3A_263 : i32, i32, i32, i32, i32
      }
      %scan3A_68 = arith.constant 4 : i32
      %sub3A = arith.constant 1 : i32
      %sub3A_69 = arith.subi %scan3A_67#4, %sub3A : i32
      %select_n3A_70 = arith.constant true
      %select_n3A_71 = arith.select %select_n3A_70, %sub3A_69, %scan3A_67#4 : i32
      %eq3A_72 = arith.constant -1 : i32
      %eq3A_73 = arith.cmpi eq, %select_n3A_71, %eq3A_72 : i32
      %select_n3A_74 = arith.constant 3 : i32
      %select_n3A_75 = arith.select %eq3A_73, %select_n3A_74, %select_n3A_71 : i32
      %add3A_76 = arith.addi %select_n3A_75, %mul3A_6 : i32
      %sub3A_77 = arith.constant 1 : i32
      %sub3A_78 = arith.subi %select_n3A_75, %sub3A_77 : i32
      %select_n3A_79 = arith.constant true
      %select_n3A_80 = arith.select %select_n3A_79, %sub3A_78, %select_n3A_75 : i32
      %eq3A_81 = arith.constant -1 : i32
      %eq3A_82 = arith.cmpi eq, %select_n3A_80, %eq3A_81 : i32
      %select_n3A_83 = arith.constant 3 : i32
      %select_n3A_84 = arith.select %eq3A_82, %select_n3A_83, %select_n3A_80 : i32
      %add3A_85 = arith.addi %select_n3A_84, %mul3A_6 : i32
      %add3A_86 = arith.constant 1 : i32
      %add3A_87 = arith.addi %select_n3A_75, %add3A_86 : i32
      %select_n3A_88 = arith.constant true
      %select_n3A_89 = arith.select %select_n3A_88, %add3A_87, %select_n3A_75 : i32
      %eq3A_90 = arith.constant 4 : i32
      %eq3A_91 = arith.cmpi eq, %select_n3A_89, %eq3A_90 : i32
      %select_n3A_92 = arith.constant 0 : i32
      %select_n3A_93 = arith.select %eq3A_91, %select_n3A_92, %select_n3A_89 : i32
      %add3A_94 = arith.addi %select_n3A_93, %mul3A_6 : i32
      %add3A_95 = arith.constant 1 : i32
      %add3A_96 = arith.addi %select_n3A_93, %add3A_95 : i32
      %select_n3A_97 = arith.constant true
      %select_n3A_98 = arith.select %select_n3A_97, %add3A_96, %select_n3A_93 : i32
      %eq3A_99 = arith.constant 4 : i32
      %eq3A_100 = arith.cmpi eq, %select_n3A_98, %eq3A_99 : i32
      %select_n3A_101 = arith.constant 0 : i32
      %select_n3A_102 = arith.select %eq3A_100, %select_n3A_101, %select_n3A_98 : i32
      %add3A_103 = arith.addi %select_n3A_102, %mul3A_6 : i32
      "tpu.trace_start"() <{level = 10 : i32, message = "ep_finalize"}> : () -> ()
      %rem3A_104 = arith.constant 2 : i32
      %rem3A_105 = arith.remui %scan3A_67#3, %rem3A_104 : i32
      %mul3A_106 = arith.constant 128 : i32
      %mul3A_107 = arith.muli %mul3A_106, %add3A_76 : i32
      %dma_wait3A = arith.constant 0 : i32
      %dma_wait3A_108 = arith.constant 0 : i32
      %dma_wait3A_109 = tpu.memref_slice %run_scoped3A_8[%rem3A_105, %dma_wait3A, %dma_wait3A_108] : memref<2x128x256xf32, #tpu.memory_space<vmem>> -> memref<1x128x256xf32, #tpu.memory_space<vmem>>
      %dma_wait3A_110 = tpu.memref_squeeze %dma_wait3A_109 : memref<1x128x256xf32, #tpu.memory_space<vmem>> -> memref<128x256xf32, #tpu.memory_space<vmem>>
      %dma_wait3A_111 = arith.constant 0 : i32
      %dma_wait3A_112 = tpu.memref_slice %arg4[%mul3A_107, %dma_wait3A_111] : memref<16384x256xf32, #tpu.memory_space<hbm>> -> memref<128x256xf32, #tpu.memory_space<hbm>>
      %dma_wait3A_113 = tpu.memref_slice %run_scoped3A_9[%rem3A_105] : memref<2x!tpu.dma_semaphore, #tpu.memory_space<semaphore_mem>> -> memref<1x!tpu.dma_semaphore, #tpu.memory_space<semaphore_mem>>
      %dma_wait3A_114 = tpu.memref_squeeze %dma_wait3A_113 : memref<1x!tpu.dma_semaphore, #tpu.memory_space<semaphore_mem>> -> memref<!tpu.dma_semaphore, #tpu.memory_space<semaphore_mem>>
      %dma_wait3A_115 = arith.constant 0 : i32
      %dma_wait3A_116 = tpu.memref_slice %arg4[%mul3A_107, %dma_wait3A_115] : memref<16384x256xf32, #tpu.memory_space<hbm>> -> memref<128x256xf32, #tpu.memory_space<hbm>>
      %dma_wait3A_117 = arith.constant 0 : i32
      %dma_wait3A_118 = arith.constant 0 : i32
      %dma_wait3A_119 = tpu.memref_slice %run_scoped3A_8[%rem3A_105, %dma_wait3A_117, %dma_wait3A_118] : memref<2x128x256xf32, #tpu.memory_space<vmem>> -> memref<1x128x256xf32, #tpu.memory_space<vmem>>
      %dma_wait3A_120 = tpu.memref_squeeze %dma_wait3A_119 : memref<1x128x256xf32, #tpu.memory_space<vmem>> -> memref<128x256xf32, #tpu.memory_space<vmem>>
      tpu.wait_dma2 semaphore(%dma_wait3A_114 : memref<!tpu.dma_semaphore, #tpu.memory_space<semaphore_mem>>) src(%dma_wait3A_120 : memref<128x256xf32, #tpu.memory_space<vmem>>) dst(%dma_wait3A_116 : memref<128x256xf32, #tpu.memory_space<hbm>>)
      "tpu.trace_stop"() : () -> ()
      tpu.yield
    }) : () -> ()
    return
  }
}

module attributes {stable_mosaic.version = 14 : i64} {
  func.func @_prep_kernel(%arg0: i32, %arg1: memref<256x1024xf32, #tpu.memory_space<vmem>>, %arg2: memref<1x1024xf32, #tpu.memory_space<vmem>>, %arg3: memref<1024x256xbf16, #tpu.memory_space<vmem>>, %arg4: memref<256x1024xbf16, #tpu.memory_space<vmem>>, %arg5: memref<1024x1024xbf16, #tpu.memory_space<vmem>>, %arg6: memref<1024x256xbf16, #tpu.memory_space<vmem>>, %arg7: memref<256x1024xbf16, #tpu.memory_space<vmem>>, %arg8: memref<256x1024xf32, #tpu.memory_space<vmem>>, %arg9: memref<256x1024xf32, #tpu.memory_space<vmem>>, %arg10: memref<256x1024xbf16, #tpu.memory_space<vmem>>, %arg11: memref<256x1024xbf16, #tpu.memory_space<vmem>>, %arg12: memref<256x1024xbf16, #tpu.memory_space<vmem>>) attributes {dimension_semantics = [#tpu.dimension_semantics<parallel>], iteration_bounds = array<i64: 16>, scalar_prefetch = 0 : i64, scratch_operands = 0 : i64, tpu.core_type = #tpu.core_type<tc>, window_params = [{transform_indices = @transform_0, window_bounds = array<i64: 256, 1024>}, {pipeline_mode = #tpu.pipeline_mode<synchronous>, transform_indices = @transform_1, window_bounds = array<i64: 1, 1024>}, {pipeline_mode = #tpu.pipeline_mode<synchronous>, transform_indices = @transform_2, window_bounds = array<i64: 1024, 256>}, {pipeline_mode = #tpu.pipeline_mode<synchronous>, transform_indices = @transform_3, window_bounds = array<i64: 256, 1024>}, {pipeline_mode = #tpu.pipeline_mode<synchronous>, transform_indices = @transform_4, window_bounds = array<i64: 1024, 1024>}, {pipeline_mode = #tpu.pipeline_mode<synchronous>, transform_indices = @transform_5, window_bounds = array<i64: 1024, 256>}, {pipeline_mode = #tpu.pipeline_mode<synchronous>, transform_indices = @transform_6, window_bounds = array<i64: 256, 1024>}, {transform_indices = @transform_7, window_bounds = array<i64: 256, 1024>}, {transform_indices = @transform_8, window_bounds = array<i64: 256, 1024>}, {transform_indices = @transform_9, window_bounds = array<i64: 256, 1024>}, {transform_indices = @transform_10, window_bounds = array<i64: 256, 1024>}, {transform_indices = @transform_11, window_bounds = array<i64: 256, 1024>}]} {
    %get3A = arith.constant 0 : index
    %get3A_0 = arith.constant 0 : index
    %get3A_1 = vector.load %arg1[%get3A, %get3A_0] : memref<256x1024xf32, #tpu.memory_space<vmem>>, vector<256x1024xf32>
    %get3A_2 = arith.constant 0 : index
    %get3A_3 = arith.constant 0 : index
    %get3A_4 = vector.load %arg2[%get3A_2, %get3A_3] : memref<1x1024xf32, #tpu.memory_space<vmem>>, vector<1x1024xf32>
    %reduce_sum3A = arith.constant dense<0.000000e+00> : vector<256xf32>
    %reduce_sum3A_5 = vector.multi_reduction <add>, %get3A_1, %reduce_sum3A [1] : vector<256x1024xf32> to vector<256xf32>
    %broadcast_in_dim3A = vector.shape_cast %reduce_sum3A_5 : vector<256xf32> to vector<256x1xf32>
    %div3A = arith.constant 1.024000e+03 : f32
    %div3A_6 = vector.broadcast %div3A : f32 to vector<256x1xf32>
    %div3A_7 = arith.divf %broadcast_in_dim3A, %div3A_6 : vector<256x1xf32>
    %sub3A = vector.broadcast %div3A_7 : vector<256x1xf32> to vector<256x1024xf32>
    %sub3A_8 = arith.subf %get3A_1, %sub3A : vector<256x1024xf32>
    %integer_pow3A = arith.mulf %sub3A_8, %sub3A_8 : vector<256x1024xf32>
    %reduce_sum3A_9 = arith.constant dense<0.000000e+00> : vector<256xf32>
    %reduce_sum3A_10 = vector.multi_reduction <add>, %integer_pow3A, %reduce_sum3A_9 [1] : vector<256x1024xf32> to vector<256xf32>
    %broadcast_in_dim3A_11 = vector.shape_cast %reduce_sum3A_10 : vector<256xf32> to vector<256x1xf32>
    %div3A_12 = arith.constant 1.024000e+03 : f32
    %div3A_13 = vector.broadcast %div3A_12 : f32 to vector<256x1xf32>
    %div3A_14 = arith.divf %broadcast_in_dim3A_11, %div3A_13 : vector<256x1xf32>
    %sub3A_15 = vector.broadcast %div3A_7 : vector<256x1xf32> to vector<256x1024xf32>
    %sub3A_16 = arith.subf %get3A_1, %sub3A_15 : vector<256x1024xf32>
    %add3A = arith.constant 9.99999974E-6 : f32
    %add3A_17 = vector.broadcast %add3A : f32 to vector<256x1xf32>
    %add3A_18 = arith.addf %div3A_14, %add3A_17 : vector<256x1xf32>
    %sqrt3A = math.sqrt %add3A_18 : vector<256x1xf32>
    %div3A_19 = vector.broadcast %sqrt3A : vector<256x1xf32> to vector<256x1024xf32>
    %div3A_20 = arith.divf %sub3A_16, %div3A_19 : vector<256x1024xf32>
    %mul3A = vector.broadcast %get3A_4 : vector<1x1024xf32> to vector<256x1024xf32>
    %mul3A_21 = arith.mulf %div3A_20, %mul3A : vector<256x1024xf32>
    %convert_element_type3A = arith.truncf %mul3A_21 : vector<256x1024xf32> to vector<256x1024xbf16>
    %get3A_22 = arith.constant 0 : index
    %get3A_23 = arith.constant 0 : index
    %get3A_24 = vector.load %arg3[%get3A_22, %get3A_23] : memref<1024x256xbf16, #tpu.memory_space<vmem>>, vector<1024x256xbf16>
    %dot_general3A = arith.constant dense<0.000000e+00> : vector<256x256xf32>
    %dot_general3A_25 = tpu.matmul %convert_element_type3A, %get3A_24, %dot_general3A {dimension_numbers = #tpu.dot_dimension_numbers<[1], [0], [0], [1], [0, 0, 1, 1], [], []>, transpose_lhs_hint = false} : vector<256x1024xbf16>, vector<1024x256xbf16>, vector<256x256xf32> -> vector<256x256xf32>
    %convert_element_type3A_26 = arith.truncf %dot_general3A_25 : vector<256x256xf32> to vector<256x256xbf16>
    %get3A_27 = arith.constant 0 : index
    %get3A_28 = arith.constant 0 : index
    %get3A_29 = vector.load %arg4[%get3A_27, %get3A_28] : memref<256x1024xbf16, #tpu.memory_space<vmem>>, vector<256x1024xbf16>
    %dot_general3A_30 = arith.constant dense<0.000000e+00> : vector<256x1024xf32>
    %dot_general3A_31 = tpu.matmul %convert_element_type3A_26, %get3A_29, %dot_general3A_30 {dimension_numbers = #tpu.dot_dimension_numbers<[1], [0], [0], [1], [0, 0, 1, 1], [], []>, transpose_lhs_hint = false} : vector<256x256xbf16>, vector<256x1024xbf16>, vector<256x1024xf32> -> vector<256x1024xf32>
    %get3A_32 = arith.constant 0 : index
    %get3A_33 = arith.constant 0 : index
    %get3A_34 = vector.load %arg5[%get3A_32, %get3A_33] : memref<1024x1024xbf16, #tpu.memory_space<vmem>>, vector<1024x1024xbf16>
    %dot_general3A_35 = arith.constant dense<0.000000e+00> : vector<256x1024xf32>
    %dot_general3A_36 = tpu.matmul %convert_element_type3A, %get3A_34, %dot_general3A_35 {dimension_numbers = #tpu.dot_dimension_numbers<[1], [0], [0], [1], [0, 0, 1, 1], [], []>, transpose_lhs_hint = false} : vector<256x1024xbf16>, vector<1024x1024xbf16>, vector<256x1024xf32> -> vector<256x1024xf32>
    %get3A_37 = arith.constant 0 : index
    %get3A_38 = arith.constant 0 : index
    %get3A_39 = vector.load %arg6[%get3A_37, %get3A_38] : memref<1024x256xbf16, #tpu.memory_space<vmem>>, vector<1024x256xbf16>
    %dot_general3A_40 = arith.constant dense<0.000000e+00> : vector<256x256xf32>
    %dot_general3A_41 = tpu.matmul %convert_element_type3A, %get3A_39, %dot_general3A_40 {dimension_numbers = #tpu.dot_dimension_numbers<[1], [0], [0], [1], [0, 0, 1, 1], [], []>, transpose_lhs_hint = false} : vector<256x1024xbf16>, vector<1024x256xbf16>, vector<256x256xf32> -> vector<256x256xf32>
    %convert_element_type3A_42 = arith.truncf %dot_general3A_41 : vector<256x256xf32> to vector<256x256xbf16>
    %get3A_43 = arith.constant 0 : index
    %get3A_44 = arith.constant 0 : index
    %get3A_45 = vector.load %arg7[%get3A_43, %get3A_44] : memref<256x1024xbf16, #tpu.memory_space<vmem>>, vector<256x1024xbf16>
    %dot_general3A_46 = arith.constant dense<0.000000e+00> : vector<256x1024xf32>
    %dot_general3A_47 = tpu.matmul %convert_element_type3A_42, %get3A_45, %dot_general3A_46 {dimension_numbers = #tpu.dot_dimension_numbers<[1], [0], [0], [1], [0, 0, 1, 1], [], []>, transpose_lhs_hint = false} : vector<256x256xbf16>, vector<256x1024xbf16>, vector<256x1024xf32> -> vector<256x1024xf32>
    %get3A_48 = arith.constant 0 : index
    %get3A_49 = arith.constant 0 : index
    %get3A_50 = vector.load %arg8[%get3A_48, %get3A_49] : memref<256x1024xf32, #tpu.memory_space<vmem>>, vector<256x1024xf32>
    %get3A_51 = arith.constant 0 : index
    %get3A_52 = arith.constant 0 : index
    %get3A_53 = vector.load %arg9[%get3A_51, %get3A_52] : memref<256x1024xf32, #tpu.memory_space<vmem>>, vector<256x1024xf32>
    %slice3A = vector.extract_strided_slice %dot_general3A_31 {offsets = [0, 0], sizes = [256, 512], strides = [1, 1]} : vector<256x1024xf32> to vector<256x512xf32>
    %slice3A_54 = vector.extract_strided_slice %dot_general3A_31 {offsets = [0, 512], sizes = [256, 512], strides = [1, 1]} : vector<256x1024xf32> to vector<256x512xf32>
    %neg3A = arith.constant 0.000000e+00 : f32
    %neg3A_55 = vector.broadcast %neg3A : f32 to vector<256x512xf32>
    %neg3A_56 = arith.subf %neg3A_55, %slice3A_54 : vector<256x512xf32>
    %concatenate3A = tpu.concatenate %neg3A_56, %slice3A in 1 : vector<256x512xf32>, vector<256x512xf32> -> vector<256x1024xf32>
    %mul3A_57 = arith.mulf %dot_general3A_31, %get3A_50 : vector<256x1024xf32>
    %mul3A_58 = arith.mulf %concatenate3A, %get3A_53 : vector<256x1024xf32>
    %add3A_59 = arith.addf %mul3A_57, %mul3A_58 : vector<256x1024xf32>
    %convert_element_type3A_60 = arith.truncf %add3A_59 : vector<256x1024xf32> to vector<256x1024xbf16>
    %swap3A = arith.constant 0 : index
    %swap3A_61 = arith.constant 0 : index
    %swap3A_62 = vector.load %arg10[%swap3A, %swap3A_61] : memref<256x1024xbf16, #tpu.memory_space<vmem>>, vector<256x1024xbf16>
    tpu.vector_store %arg10[%swap3A, %swap3A_61], %convert_element_type3A_60 {strides = array<i32>} : memref<256x1024xbf16, #tpu.memory_space<vmem>>, vector<256x1024xbf16>,
    %slice3A_63 = vector.extract_strided_slice %dot_general3A_36 {offsets = [0, 0], sizes = [256, 512], strides = [1, 1]} : vector<256x1024xf32> to vector<256x512xf32>
    %slice3A_64 = vector.extract_strided_slice %dot_general3A_36 {offsets = [0, 512], sizes = [256, 512], strides = [1, 1]} : vector<256x1024xf32> to vector<256x512xf32>
    %neg3A_65 = arith.constant 0.000000e+00 : f32
    %neg3A_66 = vector.broadcast %neg3A_65 : f32 to vector<256x512xf32>
    %neg3A_67 = arith.subf %neg3A_66, %slice3A_64 : vector<256x512xf32>
    %concatenate3A_68 = tpu.concatenate %neg3A_67, %slice3A_63 in 1 : vector<256x512xf32>, vector<256x512xf32> -> vector<256x1024xf32>
    %mul3A_69 = arith.mulf %dot_general3A_36, %get3A_50 : vector<256x1024xf32>
    %mul3A_70 = arith.mulf %concatenate3A_68, %get3A_53 : vector<256x1024xf32>
    %add3A_71 = arith.addf %mul3A_69, %mul3A_70 : vector<256x1024xf32>
    %convert_element_type3A_72 = arith.truncf %add3A_71 : vector<256x1024xf32> to vector<256x1024xbf16>
    %swap3A_73 = arith.constant 0 : index
    %swap3A_74 = arith.constant 0 : index
    %swap3A_75 = vector.load %arg11[%swap3A_73, %swap3A_74] : memref<256x1024xbf16, #tpu.memory_space<vmem>>, vector<256x1024xbf16>
    tpu.vector_store %arg11[%swap3A_73, %swap3A_74], %convert_element_type3A_72 {strides = array<i32>} : memref<256x1024xbf16, #tpu.memory_space<vmem>>, vector<256x1024xbf16>,
    %convert_element_type3A_76 = arith.truncf %dot_general3A_47 : vector<256x1024xf32> to vector<256x1024xbf16>
    %swap3A_77 = arith.constant 0 : index
    %swap3A_78 = arith.constant 0 : index
    %swap3A_79 = vector.load %arg12[%swap3A_77, %swap3A_78] : memref<256x1024xbf16, #tpu.memory_space<vmem>>, vector<256x1024xbf16>
    tpu.vector_store %arg12[%swap3A_77, %swap3A_78], %convert_element_type3A_76 {strides = array<i32>} : memref<256x1024xbf16, #tpu.memory_space<vmem>>, vector<256x1024xbf16>,
    return
  }
  func.func @transform_0(%arg0: i32) -> (i32, i32) {
    %c0_i32 = arith.constant 0 : i32
    %c0_i32_0 = arith.constant 0 : i32
    return %arg0, %c0_i32 : i32, i32
  }
  func.func @transform_1(%arg0: i32) -> (i32, i32) {
    %c0_i32 = arith.constant 0 : i32
    %c0_i32_0 = arith.constant 0 : i32
    %c0_i32_1 = arith.constant 0 : i32
    return %c0_i32, %c0_i32_0 : i32, i32
  }
  func.func @transform_2(%arg0: i32) -> (i32, i32) {
    %c0_i32 = arith.constant 0 : i32
    %c0_i32_0 = arith.constant 0 : i32
    %c0_i32_1 = arith.constant 0 : i32
    return %c0_i32, %c0_i32_0 : i32, i32
  }
  func.func @transform_3(%arg0: i32) -> (i32, i32) {
    %c0_i32 = arith.constant 0 : i32
    %c0_i32_0 = arith.constant 0 : i32
    %c0_i32_1 = arith.constant 0 : i32
    return %c0_i32, %c0_i32_0 : i32, i32
  }
  func.func @transform_4(%arg0: i32) -> (i32, i32) {
    %c0_i32 = arith.constant 0 : i32
    %c0_i32_0 = arith.constant 0 : i32
    %c0_i32_1 = arith.constant 0 : i32
    return %c0_i32, %c0_i32_0 : i32, i32
  }
  func.func @transform_5(%arg0: i32) -> (i32, i32) {
    %c0_i32 = arith.constant 0 : i32
    %c0_i32_0 = arith.constant 0 : i32
    %c0_i32_1 = arith.constant 0 : i32
    return %c0_i32, %c0_i32_0 : i32, i32
  }
  func.func @transform_6(%arg0: i32) -> (i32, i32) {
    %c0_i32 = arith.constant 0 : i32
    %c0_i32_0 = arith.constant 0 : i32
    %c0_i32_1 = arith.constant 0 : i32
    return %c0_i32, %c0_i32_0 : i32, i32
  }
  func.func @transform_7(%arg0: i32) -> (i32, i32) {
    %jit3A = arith.constant 8 : i32
    %eq3A = arith.constant 0 : i32
    %eq3A_0 = arith.cmpi eq, %jit3A, %eq3A : i32
    %jit3A_1 = arith.constant 1 : i32
    %select_n3A = arith.select %eq3A_0, %jit3A_1, %jit3A : i32
    %rem3A = arith.remsi %arg0, %select_n3A : i32
    %ne3A = arith.constant 0 : i32
    %ne3A_2 = arith.cmpi ne, %rem3A, %ne3A : i32
    %lt3A = arith.constant 0 : i32
    %lt3A_3 = arith.cmpi slt, %rem3A, %lt3A : i32
    %lt3A_4 = arith.constant 0 : i32
    %lt3A_5 = arith.cmpi slt, %select_n3A, %lt3A_4 : i32
    %ne3A_6 = arith.xori %lt3A_3, %lt3A_5 : i1
    %and3A = arith.andi %ne3A_6, %ne3A_2 : i1
    %add3A = arith.addi %rem3A, %select_n3A : i32
    %select_n3A_7 = arith.select %and3A, %add3A, %rem3A : i32
    %c0_i32 = arith.constant 0 : i32
    %c0_i32_8 = arith.constant 0 : i32
    return %select_n3A_7, %c0_i32 : i32, i32
  }
  func.func @transform_8(%arg0: i32) -> (i32, i32) {
    %jit3A = arith.constant 8 : i32
    %eq3A = arith.constant 0 : i32
    %eq3A_0 = arith.cmpi eq, %jit3A, %eq3A : i32
    %jit3A_1 = arith.constant 1 : i32
    %select_n3A = arith.select %eq3A_0, %jit3A_1, %jit3A : i32
    %rem3A = arith.remsi %arg0, %select_n3A : i32
    %ne3A = arith.constant 0 : i32
    %ne3A_2 = arith.cmpi ne, %rem3A, %ne3A : i32
    %lt3A = arith.constant 0 : i32
    %lt3A_3 = arith.cmpi slt, %rem3A, %lt3A : i32
    %lt3A_4 = arith.constant 0 : i32
    %lt3A_5 = arith.cmpi slt, %select_n3A, %lt3A_4 : i32
    %ne3A_6 = arith.xori %lt3A_3, %lt3A_5 : i1
    %and3A = arith.andi %ne3A_6, %ne3A_2 : i1
    %add3A = arith.addi %rem3A, %select_n3A : i32
    %select_n3A_7 = arith.select %and3A, %add3A, %rem3A : i32
    %c0_i32 = arith.constant 0 : i32
    %c0_i32_8 = arith.constant 0 : i32
    return %select_n3A_7, %c0_i32 : i32, i32
  }
  func.func @transform_9(%arg0: i32) -> (i32, i32) {
    %c0_i32 = arith.constant 0 : i32
    %c0_i32_0 = arith.constant 0 : i32
    return %arg0, %c0_i32 : i32, i32
  }
  func.func @transform_10(%arg0: i32) -> (i32, i32) {
    %c0_i32 = arith.constant 0 : i32
    %c0_i32_0 = arith.constant 0 : i32
    return %arg0, %c0_i32 : i32, i32
  }
  func.func @transform_11(%arg0: i32) -> (i32, i32) {
    %c0_i32 = arith.constant 0 : i32
    %c0_i32_0 = arith.constant 0 : i32
    return %arg0, %c0_i32 : i32, i32
  }
}

module attributes {stable_mosaic.version = 14 : i64} {
  func.func @_attn_kernel(%arg0: i32, %arg1: i32, %arg2: memref<1x256x1024xbf16, #tpu.memory_space<vmem>>, %arg3: memref<1x2048x1024xbf16, #tpu.memory_space<vmem>>, %arg4: memref<1x2048x1024xbf16, #tpu.memory_space<vmem>>, %arg5: memref<1x256x1024xbf16, #tpu.memory_space<vmem>>) attributes {dimension_semantics = [#tpu.dimension_semantics<parallel>, #tpu.dimension_semantics<parallel>], iteration_bounds = array<i64: 2, 8>, scalar_prefetch = 0 : i64, scratch_operands = 0 : i64, tpu.core_type = #tpu.core_type<tc>, window_params = [{transform_indices = @transform_0, window_bounds = array<i64: 1, 256, 1024>}, {transform_indices = @transform_1, window_bounds = array<i64: 1, 2048, 1024>}, {transform_indices = @transform_2, window_bounds = array<i64: 1, 2048, 1024>}, {transform_indices = @transform_3, window_bounds = array<i64: 1, 256, 1024>}]} {
    %get3A = arith.constant 0 : index
    %get3A_0 = arith.constant 0 : index
    %get3A_1 = arith.constant 0 : index
    %get3A_2 = vector.load %arg2[%get3A, %get3A_0, %get3A_1] : memref<1x256x1024xbf16, #tpu.memory_space<vmem>>, vector<1x256x1024xbf16>
    %get3A_3 = vector.shape_cast %get3A_2 : vector<1x256x1024xbf16> to vector<256x1024xbf16>
    %get3A_4 = arith.constant 0 : index
    %get3A_5 = arith.constant 0 : index
    %get3A_6 = arith.constant 0 : index
    %get3A_7 = vector.load %arg3[%get3A_4, %get3A_5, %get3A_6] : memref<1x2048x1024xbf16, #tpu.memory_space<vmem>>, vector<1x2048x1024xbf16>
    %get3A_8 = vector.shape_cast %get3A_7 : vector<1x2048x1024xbf16> to vector<2048x1024xbf16>
    %dot_general3A = arith.constant dense<0.000000e+00> : vector<256x2048xf32>
    %dot_general3A_9 = tpu.matmul %get3A_3, %get3A_8, %dot_general3A {dimension_numbers = #tpu.dot_dimension_numbers<[1], [1], [0], [0], [0, 0, 1, 0], [], []>, transpose_lhs_hint = false} : vector<256x1024xbf16>, vector<2048x1024xbf16>, vector<256x2048xf32> -> vector<256x2048xf32>
    %mul3A = arith.constant 3.125000e-02 : f32
    %mul3A_10 = vector.broadcast %mul3A : f32 to vector<256x2048xf32>
    %mul3A_11 = arith.mulf %dot_general3A_9, %mul3A_10 : vector<256x2048xf32>
    %mul3A_12 = arith.constant 256 : i32
    %mul3A_13 = arith.muli %arg1, %mul3A_12 : i32
    %iota3A = tpu.iota {dimensions = array<i32: 0>} : vector<256x2048xi32>
    %add3A = vector.broadcast %mul3A_13 : i32 to vector<256x2048xi32>
    %add3A_14 = arith.addi %add3A, %iota3A : vector<256x2048xi32>
    %iota3A_15 = tpu.iota {dimensions = array<i32: 1>} : vector<256x2048xi32>
    %ge3A = arith.cmpi sge, %add3A_14, %iota3A_15 : vector<256x2048xi32>
    %jit3A = arith.constant -1.000000e+30 : f32
    %broadcast_in_dim3A = vector.broadcast %jit3A : f32 to vector<256x2048xf32>
    %select_n3A = arith.select %ge3A, %mul3A_11, %broadcast_in_dim3A : vector<256x2048xi1>, vector<256x2048xf32>
    %reduce_max3A = arith.constant dense<0xFF800000> : vector<256xf32>
    %reduce_max3A_16 = vector.multi_reduction <maximumf>, %select_n3A, %reduce_max3A [1] : vector<256x2048xf32> to vector<256xf32>
    %broadcast_in_dim3A_17 = vector.shape_cast %reduce_max3A_16 : vector<256xf32> to vector<256x1xf32>
    %sub3A = vector.broadcast %broadcast_in_dim3A_17 : vector<256x1xf32> to vector<256x2048xf32>
    %sub3A_18 = arith.subf %select_n3A, %sub3A : vector<256x2048xf32>
    %exp3A = math.exp %sub3A_18 : vector<256x2048xf32>
    %reduce_sum3A = arith.constant dense<0.000000e+00> : vector<256xf32>
    %reduce_sum3A_19 = vector.multi_reduction <add>, %exp3A, %reduce_sum3A [1] : vector<256x2048xf32> to vector<256xf32>
    %broadcast_in_dim3A_20 = vector.shape_cast %reduce_sum3A_19 : vector<256xf32> to vector<256x1xf32>
    %div3A = vector.broadcast %broadcast_in_dim3A_20 : vector<256x1xf32> to vector<256x2048xf32>
    %div3A_21 = arith.divf %exp3A, %div3A : vector<256x2048xf32>
    %convert_element_type3A = arith.truncf %div3A_21 : vector<256x2048xf32> to vector<256x2048xbf16>
    %get3A_22 = arith.constant 0 : index
    %get3A_23 = arith.constant 0 : index
    %get3A_24 = arith.constant 0 : index
    %get3A_25 = vector.load %arg4[%get3A_22, %get3A_23, %get3A_24] : memref<1x2048x1024xbf16, #tpu.memory_space<vmem>>, vector<1x2048x1024xbf16>
    %get3A_26 = vector.shape_cast %get3A_25 : vector<1x2048x1024xbf16> to vector<2048x1024xbf16>
    %dot_general3A_27 = arith.constant dense<0.000000e+00> : vector<256x1024xf32>
    %dot_general3A_28 = tpu.matmul %convert_element_type3A, %get3A_26, %dot_general3A_27 {dimension_numbers = #tpu.dot_dimension_numbers<[1], [0], [0], [1], [0, 0, 1, 1], [], []>, transpose_lhs_hint = false} : vector<256x2048xbf16>, vector<2048x1024xbf16>, vector<256x1024xf32> -> vector<256x1024xf32>
    %convert_element_type3A_29 = arith.truncf %dot_general3A_28 : vector<256x1024xf32> to vector<256x1024xbf16>
    %swap3A = arith.constant 0 : index
    %swap3A_30 = arith.constant 0 : index
    %swap3A_31 = arith.constant 0 : index
    %swap3A_32 = vector.load %arg5[%swap3A, %swap3A_30, %swap3A_31] : memref<1x256x1024xbf16, #tpu.memory_space<vmem>>, vector<1x256x1024xbf16>
    %swap3A_33 = vector.shape_cast %swap3A_32 : vector<1x256x1024xbf16> to vector<256x1024xbf16>
    %swap3A_34 = vector.shape_cast %convert_element_type3A_29 : vector<256x1024xbf16> to vector<1x256x1024xbf16>
    tpu.vector_store %arg5[%swap3A, %swap3A_30, %swap3A_31], %swap3A_34 {strides = array<i32>} : memref<1x256x1024xbf16, #tpu.memory_space<vmem>>, vector<1x256x1024xbf16>,
    return
  }
  func.func @transform_0(%arg0: i32, %arg1: i32) -> (i32, i32, i32) {
    %c0_i32 = arith.constant 0 : i32
    %c0_i32_0 = arith.constant 0 : i32
    return %arg0, %arg1, %c0_i32 : i32, i32, i32
  }
  func.func @transform_1(%arg0: i32, %arg1: i32) -> (i32, i32, i32) {
    %c0_i32 = arith.constant 0 : i32
    %c0_i32_0 = arith.constant 0 : i32
    %c0_i32_1 = arith.constant 0 : i32
    return %arg0, %c0_i32, %c0_i32_0 : i32, i32, i32
  }
  func.func @transform_2(%arg0: i32, %arg1: i32) -> (i32, i32, i32) {
    %c0_i32 = arith.constant 0 : i32
    %c0_i32_0 = arith.constant 0 : i32
    %c0_i32_1 = arith.constant 0 : i32
    return %arg0, %c0_i32, %c0_i32_0 : i32, i32, i32
  }
  func.func @transform_3(%arg0: i32, %arg1: i32) -> (i32, i32, i32) {
    %c0_i32 = arith.constant 0 : i32
    %c0_i32_0 = arith.constant 0 : i32
    return %arg0, %arg1, %c0_i32 : i32, i32, i32
  }
}

module attributes {stable_mosaic.version = 14 : i64} {
  func.func @_post_kernel(%arg0: i32, %arg1: memref<256x1024xbf16, #tpu.memory_space<vmem>>, %arg2: memref<256x1024xf32, #tpu.memory_space<vmem>>, %arg3: memref<1024x1024xbf16, #tpu.memory_space<vmem>>, %arg4: memref<1x1024xf32, #tpu.memory_space<vmem>>, %arg5: memref<1024x128xf32, #tpu.memory_space<vmem>>, %arg6: memref<1x128xf32, #tpu.memory_space<vmem>>, %arg7: memref<256x1024xf32, #tpu.memory_space<vmem>>, %arg8: memref<256x1024xf32, #tpu.memory_space<vmem>>, %arg9: memref<256x128xf32, #tpu.memory_space<vmem>>, %arg10: memref<8x256xf32, #tpu.memory_space<vmem>>) attributes {dimension_semantics = [#tpu.dimension_semantics<parallel>], iteration_bounds = array<i64: 16>, scalar_prefetch = 0 : i64, scratch_operands = 0 : i64, tpu.core_type = #tpu.core_type<tc>, window_params = [{transform_indices = @transform_0, window_bounds = array<i64: 256, 1024>}, {transform_indices = @transform_1, window_bounds = array<i64: 256, 1024>}, {pipeline_mode = #tpu.pipeline_mode<synchronous>, transform_indices = @transform_2, window_bounds = array<i64: 1024, 1024>}, {pipeline_mode = #tpu.pipeline_mode<synchronous>, transform_indices = @transform_3, window_bounds = array<i64: 1, 1024>}, {pipeline_mode = #tpu.pipeline_mode<synchronous>, transform_indices = @transform_4, window_bounds = array<i64: 1024, 128>}, {pipeline_mode = #tpu.pipeline_mode<synchronous>, transform_indices = @transform_5, window_bounds = array<i64: 1, 128>}, {transform_indices = @transform_6, window_bounds = array<i64: 256, 1024>}, {transform_indices = @transform_7, window_bounds = array<i64: 256, 1024>}, {transform_indices = @transform_8, window_bounds = array<i64: 256, 128>}, {transform_indices = @transform_9, window_bounds = array<i64: 8, 256>}]} {
    %get3A = arith.constant 0 : index
    %get3A_0 = arith.constant 0 : index
    %get3A_1 = vector.load %arg2[%get3A, %get3A_0] : memref<256x1024xf32, #tpu.memory_space<vmem>>, vector<256x1024xf32>
    %get3A_2 = arith.constant 0 : index
    %get3A_3 = arith.constant 0 : index
    %get3A_4 = vector.load %arg1[%get3A_2, %get3A_3] : memref<256x1024xbf16, #tpu.memory_space<vmem>>, vector<256x1024xbf16>
    %get3A_5 = arith.constant 0 : index
    %get3A_6 = arith.constant 0 : index
    %get3A_7 = vector.load %arg3[%get3A_5, %get3A_6] : memref<1024x1024xbf16, #tpu.memory_space<vmem>>, vector<1024x1024xbf16>
    %dot_general3A = arith.constant dense<0.000000e+00> : vector<256x1024xf32>
    %dot_general3A_8 = tpu.matmul %get3A_4, %get3A_7, %dot_general3A {dimension_numbers = #tpu.dot_dimension_numbers<[1], [0], [0], [1], [0, 0, 1, 1], [], []>, transpose_lhs_hint = false} : vector<256x1024xbf16>, vector<1024x1024xbf16>, vector<256x1024xf32> -> vector<256x1024xf32>
    %add3A = arith.addf %get3A_1, %dot_general3A_8 : vector<256x1024xf32>
    %swap3A = arith.constant 0 : index
    %swap3A_9 = arith.constant 0 : index
    %swap3A_10 = vector.load %arg7[%swap3A, %swap3A_9] : memref<256x1024xf32, #tpu.memory_space<vmem>>, vector<256x1024xf32>
    tpu.vector_store %arg7[%swap3A, %swap3A_9], %add3A {strides = array<i32>} : memref<256x1024xf32, #tpu.memory_space<vmem>>, vector<256x1024xf32>,
    %get3A_11 = arith.constant 0 : index
    %get3A_12 = arith.constant 0 : index
    %get3A_13 = vector.load %arg4[%get3A_11, %get3A_12] : memref<1x1024xf32, #tpu.memory_space<vmem>>, vector<1x1024xf32>
    %reduce_sum3A = arith.constant dense<0.000000e+00> : vector<256xf32>
    %reduce_sum3A_14 = vector.multi_reduction <add>, %add3A, %reduce_sum3A [1] : vector<256x1024xf32> to vector<256xf32>
    %broadcast_in_dim3A = vector.shape_cast %reduce_sum3A_14 : vector<256xf32> to vector<256x1xf32>
    %div3A = arith.constant 1.024000e+03 : f32
    %div3A_15 = vector.broadcast %div3A : f32 to vector<256x1xf32>
    %div3A_16 = arith.divf %broadcast_in_dim3A, %div3A_15 : vector<256x1xf32>
    %sub3A = vector.broadcast %div3A_16 : vector<256x1xf32> to vector<256x1024xf32>
    %sub3A_17 = arith.subf %add3A, %sub3A : vector<256x1024xf32>
    %integer_pow3A = arith.mulf %sub3A_17, %sub3A_17 : vector<256x1024xf32>
    %reduce_sum3A_18 = arith.constant dense<0.000000e+00> : vector<256xf32>
    %reduce_sum3A_19 = vector.multi_reduction <add>, %integer_pow3A, %reduce_sum3A_18 [1] : vector<256x1024xf32> to vector<256xf32>
    %broadcast_in_dim3A_20 = vector.shape_cast %reduce_sum3A_19 : vector<256xf32> to vector<256x1xf32>
    %div3A_21 = arith.constant 1.024000e+03 : f32
    %div3A_22 = vector.broadcast %div3A_21 : f32 to vector<256x1xf32>
    %div3A_23 = arith.divf %broadcast_in_dim3A_20, %div3A_22 : vector<256x1xf32>
    %sub3A_24 = vector.broadcast %div3A_16 : vector<256x1xf32> to vector<256x1024xf32>
    %sub3A_25 = arith.subf %add3A, %sub3A_24 : vector<256x1024xf32>
    %add3A_26 = arith.constant 9.99999974E-6 : f32
    %add3A_27 = vector.broadcast %add3A_26 : f32 to vector<256x1xf32>
    %add3A_28 = arith.addf %div3A_23, %add3A_27 : vector<256x1xf32>
    %sqrt3A = math.sqrt %add3A_28 : vector<256x1xf32>
    %div3A_29 = vector.broadcast %sqrt3A : vector<256x1xf32> to vector<256x1024xf32>
    %div3A_30 = arith.divf %sub3A_25, %div3A_29 : vector<256x1024xf32>
    %mul3A = vector.broadcast %get3A_13 : vector<1x1024xf32> to vector<256x1024xf32>
    %mul3A_31 = arith.mulf %div3A_30, %mul3A : vector<256x1024xf32>
    %swap3A_32 = arith.constant 0 : index
    %swap3A_33 = arith.constant 0 : index
    %swap3A_34 = vector.load %arg8[%swap3A_32, %swap3A_33] : memref<256x1024xf32, #tpu.memory_space<vmem>>, vector<256x1024xf32>
    tpu.vector_store %arg8[%swap3A_32, %swap3A_33], %mul3A_31 {strides = array<i32>} : memref<256x1024xf32, #tpu.memory_space<vmem>>, vector<256x1024xf32>,
    %get3A_35 = arith.constant 0 : index
    %get3A_36 = arith.constant 0 : index
    %get3A_37 = vector.load %arg5[%get3A_35, %get3A_36] : memref<1024x128xf32, #tpu.memory_space<vmem>>, vector<1024x128xf32>
    %dot_general3A_38 = arith.constant dense<0.000000e+00> : vector<256x128xf32>
    %dot_general3A_39 = tpu.matmul %mul3A_31, %get3A_37, %dot_general3A_38 {dimension_numbers = #tpu.dot_dimension_numbers<[1], [0], [0], [1], [0, 0, 1, 1], [], []>, transpose_lhs_hint = false} : vector<256x1024xf32>, vector<1024x128xf32>, vector<256x128xf32> -> vector<256x128xf32>
    %get3A_40 = arith.constant 0 : index
    %get3A_41 = arith.constant 0 : index
    %get3A_42 = vector.load %arg6[%get3A_40, %get3A_41] : memref<1x128xf32, #tpu.memory_space<vmem>>, vector<1x128xf32>
    %add3A_43 = vector.broadcast %get3A_42 : vector<1x128xf32> to vector<256x128xf32>
    %add3A_44 = arith.addf %dot_general3A_39, %add3A_43 : vector<256x128xf32>
    %swap3A_45 = arith.constant 0 : index
    %swap3A_46 = arith.constant 0 : index
    %swap3A_47 = vector.load %arg9[%swap3A_45, %swap3A_46] : memref<256x128xf32, #tpu.memory_space<vmem>>, vector<256x128xf32>
    tpu.vector_store %arg9[%swap3A_45, %swap3A_46], %add3A_44 {strides = array<i32>} : memref<256x128xf32, #tpu.memory_space<vmem>>, vector<256x128xf32>,
    %slice3A = vector.extract_strided_slice %add3A_44 {offsets = [0, 0], sizes = [256, 8], strides = [1, 1]} : vector<256x128xf32> to vector<256x8xf32>
    %transpose3A = tpu.transpose %slice3A, [1, 0] : vector<256x8xf32> -> vector<8x256xf32>
    %swap3A_48 = arith.constant 0 : index
    %swap3A_49 = arith.constant 0 : index
    %swap3A_50 = vector.load %arg10[%swap3A_48, %swap3A_49] : memref<8x256xf32, #tpu.memory_space<vmem>>, vector<8x256xf32>
    tpu.vector_store %arg10[%swap3A_48, %swap3A_49], %transpose3A {strides = array<i32>} : memref<8x256xf32, #tpu.memory_space<vmem>>, vector<8x256xf32>,
    return
  }
  func.func @transform_0(%arg0: i32) -> (i32, i32) {
    %c0_i32 = arith.constant 0 : i32
    %c0_i32_0 = arith.constant 0 : i32
    return %arg0, %c0_i32 : i32, i32
  }
  func.func @transform_1(%arg0: i32) -> (i32, i32) {
    %c0_i32 = arith.constant 0 : i32
    %c0_i32_0 = arith.constant 0 : i32
    return %arg0, %c0_i32 : i32, i32
  }
  func.func @transform_2(%arg0: i32) -> (i32, i32) {
    %c0_i32 = arith.constant 0 : i32
    %c0_i32_0 = arith.constant 0 : i32
    %c0_i32_1 = arith.constant 0 : i32
    return %c0_i32, %c0_i32_0 : i32, i32
  }
  func.func @transform_3(%arg0: i32) -> (i32, i32) {
    %c0_i32 = arith.constant 0 : i32
    %c0_i32_0 = arith.constant 0 : i32
    %c0_i32_1 = arith.constant 0 : i32
    return %c0_i32, %c0_i32_0 : i32, i32
  }
  func.func @transform_4(%arg0: i32) -> (i32, i32) {
    %c0_i32 = arith.constant 0 : i32
    %c0_i32_0 = arith.constant 0 : i32
    %c0_i32_1 = arith.constant 0 : i32
    return %c0_i32, %c0_i32_0 : i32, i32
  }
  func.func @transform_5(%arg0: i32) -> (i32, i32) {
    %c0_i32 = arith.constant 0 : i32
    %c0_i32_0 = arith.constant 0 : i32
    %c0_i32_1 = arith.constant 0 : i32
    return %c0_i32, %c0_i32_0 : i32, i32
  }
  func.func @transform_6(%arg0: i32) -> (i32, i32) {
    %c0_i32 = arith.constant 0 : i32
    %c0_i32_0 = arith.constant 0 : i32
    return %arg0, %c0_i32 : i32, i32
  }
  func.func @transform_7(%arg0: i32) -> (i32, i32) {
    %c0_i32 = arith.constant 0 : i32
    %c0_i32_0 = arith.constant 0 : i32
    return %arg0, %c0_i32 : i32, i32
  }
  func.func @transform_8(%arg0: i32) -> (i32, i32) {
    %c0_i32 = arith.constant 0 : i32
    %c0_i32_0 = arith.constant 0 : i32
    return %arg0, %c0_i32 : i32, i32
  }
  func.func @transform_9(%arg0: i32) -> (i32, i32) {
    %c0_i32 = arith.constant 0 : i32
    %c0_i32_0 = arith.constant 0 : i32
    return %c0_i32, %arg0 : i32, i32
  }
}

module attributes {stable_mosaic.version = 14 : i64} {
  func.func @_routing_kernel(%arg0: i32, %arg1: memref<8x4096xf32, #tpu.memory_space<vmem>>, %arg2: memref<1x4096xi32, #tpu.memory_space<vmem>>, %arg3: memref<1x4096xi32, #tpu.memory_space<vmem>>, %arg4: memref<1x4096xf32, #tpu.memory_space<vmem>>, %arg5: memref<1x4096xf32, #tpu.memory_space<vmem>>, %arg6: memref<1x70xi32, #tpu.memory_space<vmem>>) attributes {dimension_semantics = [#tpu.dimension_semantics<arbitrary>], iteration_bounds = array<i64: 1>, scalar_prefetch = 0 : i64, scratch_operands = 0 : i64, tpu.core_type = #tpu.core_type<tc>, window_params = [{pipeline_mode = #tpu.pipeline_mode<synchronous>, transform_indices = @transform_0, window_bounds = array<i64: 8, 4096>}, {pipeline_mode = #tpu.pipeline_mode<synchronous>, transform_indices = @transform_1, window_bounds = array<i64: 1, 4096>}, {pipeline_mode = #tpu.pipeline_mode<synchronous>, transform_indices = @transform_2, window_bounds = array<i64: 1, 4096>}, {pipeline_mode = #tpu.pipeline_mode<synchronous>, transform_indices = @transform_3, window_bounds = array<i64: 1, 4096>}, {pipeline_mode = #tpu.pipeline_mode<synchronous>, transform_indices = @transform_4, window_bounds = array<i64: 1, 4096>}, {pipeline_mode = #tpu.pipeline_mode<synchronous>, transform_indices = @transform_5, window_bounds = array<i64: 1, 70>}]} {
    %get3A = arith.constant 0 : index
    %get3A_0 = arith.constant 0 : index
    %get3A_1 = vector.load %arg1[%get3A, %get3A_0] : memref<8x4096xf32, #tpu.memory_space<vmem>>, vector<8x4096xf32>
    %logistic3A = arith.negf %get3A_1 : vector<8x4096xf32>
    %logistic3A_2 = math.exp %logistic3A : vector<8x4096xf32>
    %logistic3A_3 = arith.constant 1.000000e+00 : f32
    %logistic3A_4 = vector.broadcast %logistic3A_3 : f32 to vector<8x4096xf32>
    %logistic3A_5 = arith.addf %logistic3A_4, %logistic3A_2 : vector<8x4096xf32>
    %logistic3A_6 = arith.divf %logistic3A_4, %logistic3A_5 : vector<8x4096xf32>
    %iota3A = tpu.iota {dimensions = array<i32: 0>} : vector<8x4096xi32>
    %lt3A = arith.constant 6 : i32
    %lt3A_7 = vector.broadcast %lt3A : i32 to vector<8x4096xi32>
    %lt3A_8 = arith.cmpi slt, %iota3A, %lt3A_7 : vector<8x4096xi32>
    %jit3A = arith.constant -1.000000e+00 : f32
    %broadcast_in_dim3A = vector.broadcast %jit3A : f32 to vector<8x4096xf32>
    %select_n3A = arith.select %lt3A_8, %logistic3A_6, %broadcast_in_dim3A : vector<8x4096xi1>, vector<8x4096xf32>
    %reduce_max3A = arith.constant dense<0xFF800000> : vector<4096xf32>
    %reduce_max3A_9 = vector.multi_reduction <maximumf>, %select_n3A, %reduce_max3A [0] : vector<8x4096xf32> to vector<4096xf32>
    %broadcast_in_dim3A_10 = vector.shape_cast %reduce_max3A_9 : vector<4096xf32> to vector<1x4096xf32>
    %eq3A = vector.broadcast %broadcast_in_dim3A_10 : vector<1x4096xf32> to vector<8x4096xf32>
    %eq3A_11 = arith.cmpf oeq, %select_n3A, %eq3A : vector<8x4096xf32>
    %jit3A_12 = arith.constant 6 : i32
    %broadcast_in_dim3A_13 = vector.broadcast %jit3A_12 : i32 to vector<8x4096xi32>
    %select_n3A_14 = arith.select %eq3A_11, %iota3A, %broadcast_in_dim3A_13 : vector<8x4096xi1>, vector<8x4096xi32>
    %reduce_min3A = arith.constant dense<2147483647> : vector<4096xi32>
    %reduce_min3A_15 = vector.multi_reduction <minsi>, %select_n3A_14, %reduce_min3A [0] : vector<8x4096xi32> to vector<4096xi32>
    %broadcast_in_dim3A_16 = vector.shape_cast %reduce_min3A_15 : vector<4096xi32> to vector<1x4096xi32>
    %eq3A_17 = vector.broadcast %broadcast_in_dim3A_16 : vector<1x4096xi32> to vector<8x4096xi32>
    %eq3A_18 = arith.cmpi eq, %iota3A, %eq3A_17 : vector<8x4096xi32>
    %jit3A_19 = arith.constant -1.000000e+00 : f32
    %broadcast_in_dim3A_20 = vector.broadcast %jit3A_19 : f32 to vector<8x4096xf32>
    %select_n3A_21 = arith.select %eq3A_18, %broadcast_in_dim3A_20, %select_n3A : vector<8x4096xi1>, vector<8x4096xf32>
    %reduce_max3A_22 = arith.constant dense<0xFF800000> : vector<4096xf32>
    %reduce_max3A_23 = vector.multi_reduction <maximumf>, %select_n3A_21, %reduce_max3A_22 [0] : vector<8x4096xf32> to vector<4096xf32>
    %broadcast_in_dim3A_24 = vector.shape_cast %reduce_max3A_23 : vector<4096xf32> to vector<1x4096xf32>
    %eq3A_25 = vector.broadcast %broadcast_in_dim3A_24 : vector<1x4096xf32> to vector<8x4096xf32>
    %eq3A_26 = arith.cmpf oeq, %select_n3A_21, %eq3A_25 : vector<8x4096xf32>
    %jit3A_27 = arith.constant 6 : i32
    %broadcast_in_dim3A_28 = vector.broadcast %jit3A_27 : i32 to vector<8x4096xi32>
    %select_n3A_29 = arith.select %eq3A_26, %iota3A, %broadcast_in_dim3A_28 : vector<8x4096xi1>, vector<8x4096xi32>
    %reduce_min3A_30 = arith.constant dense<2147483647> : vector<4096xi32>
    %reduce_min3A_31 = vector.multi_reduction <minsi>, %select_n3A_29, %reduce_min3A_30 [0] : vector<8x4096xi32> to vector<4096xi32>
    %broadcast_in_dim3A_32 = vector.shape_cast %reduce_min3A_31 : vector<4096xi32> to vector<1x4096xi32>
    %eq3A_33 = vector.broadcast %broadcast_in_dim3A_32 : vector<1x4096xi32> to vector<8x4096xi32>
    %eq3A_34 = arith.cmpi eq, %iota3A, %eq3A_33 : vector<8x4096xi32>
    %convert_element_type3A = arith.extui %eq3A_18 : vector<8x4096xi1> to vector<8x4096xi32>
    %convert_element_type3A_35 = arith.extui %eq3A_34 : vector<8x4096xi1> to vector<8x4096xi32>
    %broadcast_in_dim3A_36 = arith.constant 0 : i32
    %broadcast_in_dim3A_37 = vector.broadcast %broadcast_in_dim3A_36 : i32 to vector<8x1xi32>
    %slice3A = vector.extract_strided_slice %convert_element_type3A {offsets = [0, 0], sizes = [8, 4095], strides = [1, 1]} : vector<8x4096xi32> to vector<8x4095xi32>
    %concatenate3A = tpu.concatenate %broadcast_in_dim3A_37, %slice3A in 1 : vector<8x1xi32>, vector<8x4095xi32> -> vector<8x4096xi32>
    %add3A = arith.addi %convert_element_type3A, %concatenate3A : vector<8x4096xi32>
    %broadcast_in_dim3A_38 = arith.constant 0 : i32
    %broadcast_in_dim3A_39 = vector.broadcast %broadcast_in_dim3A_38 : i32 to vector<8x2xi32>
    %slice3A_40 = vector.extract_strided_slice %add3A {offsets = [0, 0], sizes = [8, 4094], strides = [1, 1]} : vector<8x4096xi32> to vector<8x4094xi32>
    %concatenate3A_41 = tpu.concatenate %broadcast_in_dim3A_39, %slice3A_40 in 1 : vector<8x2xi32>, vector<8x4094xi32> -> vector<8x4096xi32>
    %add3A_42 = arith.addi %add3A, %concatenate3A_41 : vector<8x4096xi32>
    %broadcast_in_dim3A_43 = arith.constant 0 : i32
    %broadcast_in_dim3A_44 = vector.broadcast %broadcast_in_dim3A_43 : i32 to vector<8x4xi32>
    %slice3A_45 = vector.extract_strided_slice %add3A_42 {offsets = [0, 0], sizes = [8, 4092], strides = [1, 1]} : vector<8x4096xi32> to vector<8x4092xi32>
    %concatenate3A_46 = tpu.concatenate %broadcast_in_dim3A_44, %slice3A_45 in 1 : vector<8x4xi32>, vector<8x4092xi32> -> vector<8x4096xi32>
    %add3A_47 = arith.addi %add3A_42, %concatenate3A_46 : vector<8x4096xi32>
    %broadcast_in_dim3A_48 = arith.constant 0 : i32
    %broadcast_in_dim3A_49 = vector.broadcast %broadcast_in_dim3A_48 : i32 to vector<8x8xi32>
    %slice3A_50 = vector.extract_strided_slice %add3A_47 {offsets = [0, 0], sizes = [8, 4088], strides = [1, 1]} : vector<8x4096xi32> to vector<8x4088xi32>
    %concatenate3A_51 = tpu.concatenate %broadcast_in_dim3A_49, %slice3A_50 in 1 : vector<8x8xi32>, vector<8x4088xi32> -> vector<8x4096xi32>
    %add3A_52 = arith.addi %add3A_47, %concatenate3A_51 : vector<8x4096xi32>
    %broadcast_in_dim3A_53 = arith.constant 0 : i32
    %broadcast_in_dim3A_54 = vector.broadcast %broadcast_in_dim3A_53 : i32 to vector<8x16xi32>
    %slice3A_55 = vector.extract_strided_slice %add3A_52 {offsets = [0, 0], sizes = [8, 4080], strides = [1, 1]} : vector<8x4096xi32> to vector<8x4080xi32>
    %concatenate3A_56 = tpu.concatenate %broadcast_in_dim3A_54, %slice3A_55 in 1 : vector<8x16xi32>, vector<8x4080xi32> -> vector<8x4096xi32>
    %add3A_57 = arith.addi %add3A_52, %concatenate3A_56 : vector<8x4096xi32>
    %broadcast_in_dim3A_58 = arith.constant 0 : i32
    %broadcast_in_dim3A_59 = vector.broadcast %broadcast_in_dim3A_58 : i32 to vector<8x32xi32>
    %slice3A_60 = vector.extract_strided_slice %add3A_57 {offsets = [0, 0], sizes = [8, 4064], strides = [1, 1]} : vector<8x4096xi32> to vector<8x4064xi32>
    %concatenate3A_61 = tpu.concatenate %broadcast_in_dim3A_59, %slice3A_60 in 1 : vector<8x32xi32>, vector<8x4064xi32> -> vector<8x4096xi32>
    %add3A_62 = arith.addi %add3A_57, %concatenate3A_61 : vector<8x4096xi32>
    %broadcast_in_dim3A_63 = arith.constant 0 : i32
    %broadcast_in_dim3A_64 = vector.broadcast %broadcast_in_dim3A_63 : i32 to vector<8x64xi32>
    %slice3A_65 = vector.extract_strided_slice %add3A_62 {offsets = [0, 0], sizes = [8, 4032], strides = [1, 1]} : vector<8x4096xi32> to vector<8x4032xi32>
    %concatenate3A_66 = tpu.concatenate %broadcast_in_dim3A_64, %slice3A_65 in 1 : vector<8x64xi32>, vector<8x4032xi32> -> vector<8x4096xi32>
    %add3A_67 = arith.addi %add3A_62, %concatenate3A_66 : vector<8x4096xi32>
    %broadcast_in_dim3A_68 = arith.constant 0 : i32
    %broadcast_in_dim3A_69 = vector.broadcast %broadcast_in_dim3A_68 : i32 to vector<8x128xi32>
    %slice3A_70 = vector.extract_strided_slice %add3A_67 {offsets = [0, 0], sizes = [8, 3968], strides = [1, 1]} : vector<8x4096xi32> to vector<8x3968xi32>
    %concatenate3A_71 = tpu.concatenate %broadcast_in_dim3A_69, %slice3A_70 in 1 : vector<8x128xi32>, vector<8x3968xi32> -> vector<8x4096xi32>
    %add3A_72 = arith.addi %add3A_67, %concatenate3A_71 : vector<8x4096xi32>
    %broadcast_in_dim3A_73 = arith.constant 0 : i32
    %broadcast_in_dim3A_74 = vector.broadcast %broadcast_in_dim3A_73 : i32 to vector<8x256xi32>
    %slice3A_75 = vector.extract_strided_slice %add3A_72 {offsets = [0, 0], sizes = [8, 3840], strides = [1, 1]} : vector<8x4096xi32> to vector<8x3840xi32>
    %concatenate3A_76 = tpu.concatenate %broadcast_in_dim3A_74, %slice3A_75 in 1 : vector<8x256xi32>, vector<8x3840xi32> -> vector<8x4096xi32>
    %add3A_77 = arith.addi %add3A_72, %concatenate3A_76 : vector<8x4096xi32>
    %broadcast_in_dim3A_78 = arith.constant 0 : i32
    %broadcast_in_dim3A_79 = vector.broadcast %broadcast_in_dim3A_78 : i32 to vector<8x512xi32>
    %slice3A_80 = vector.extract_strided_slice %add3A_77 {offsets = [0, 0], sizes = [8, 3584], strides = [1, 1]} : vector<8x4096xi32> to vector<8x3584xi32>
    %concatenate3A_81 = tpu.concatenate %broadcast_in_dim3A_79, %slice3A_80 in 1 : vector<8x512xi32>, vector<8x3584xi32> -> vector<8x4096xi32>
    %add3A_82 = arith.addi %add3A_77, %concatenate3A_81 : vector<8x4096xi32>
    %broadcast_in_dim3A_83 = arith.constant 0 : i32
    %broadcast_in_dim3A_84 = vector.broadcast %broadcast_in_dim3A_83 : i32 to vector<8x1024xi32>
    %slice3A_85 = vector.extract_strided_slice %add3A_82 {offsets = [0, 0], sizes = [8, 3072], strides = [1, 1]} : vector<8x4096xi32> to vector<8x3072xi32>
    %concatenate3A_86 = tpu.concatenate %broadcast_in_dim3A_84, %slice3A_85 in 1 : vector<8x1024xi32>, vector<8x3072xi32> -> vector<8x4096xi32>
    %add3A_87 = arith.addi %add3A_82, %concatenate3A_86 : vector<8x4096xi32>
    %broadcast_in_dim3A_88 = arith.constant 0 : i32
    %broadcast_in_dim3A_89 = vector.broadcast %broadcast_in_dim3A_88 : i32 to vector<8x2048xi32>
    %slice3A_90 = vector.extract_strided_slice %add3A_87 {offsets = [0, 0], sizes = [8, 2048], strides = [1, 1]} : vector<8x4096xi32> to vector<8x2048xi32>
    %concatenate3A_91 = tpu.concatenate %broadcast_in_dim3A_89, %slice3A_90 in 1 : vector<8x2048xi32>, vector<8x2048xi32> -> vector<8x4096xi32>
    %add3A_92 = arith.addi %add3A_87, %concatenate3A_91 : vector<8x4096xi32>
    %sub3A = arith.subi %add3A_92, %convert_element_type3A : vector<8x4096xi32>
    %broadcast_in_dim3A_93 = arith.constant 0 : i32
    %broadcast_in_dim3A_94 = vector.broadcast %broadcast_in_dim3A_93 : i32 to vector<8x1xi32>
    %slice3A_95 = vector.extract_strided_slice %convert_element_type3A_35 {offsets = [0, 0], sizes = [8, 4095], strides = [1, 1]} : vector<8x4096xi32> to vector<8x4095xi32>
    %concatenate3A_96 = tpu.concatenate %broadcast_in_dim3A_94, %slice3A_95 in 1 : vector<8x1xi32>, vector<8x4095xi32> -> vector<8x4096xi32>
    %add3A_97 = arith.addi %convert_element_type3A_35, %concatenate3A_96 : vector<8x4096xi32>
    %broadcast_in_dim3A_98 = arith.constant 0 : i32
    %broadcast_in_dim3A_99 = vector.broadcast %broadcast_in_dim3A_98 : i32 to vector<8x2xi32>
    %slice3A_100 = vector.extract_strided_slice %add3A_97 {offsets = [0, 0], sizes = [8, 4094], strides = [1, 1]} : vector<8x4096xi32> to vector<8x4094xi32>
    %concatenate3A_101 = tpu.concatenate %broadcast_in_dim3A_99, %slice3A_100 in 1 : vector<8x2xi32>, vector<8x4094xi32> -> vector<8x4096xi32>
    %add3A_102 = arith.addi %add3A_97, %concatenate3A_101 : vector<8x4096xi32>
    %broadcast_in_dim3A_103 = arith.constant 0 : i32
    %broadcast_in_dim3A_104 = vector.broadcast %broadcast_in_dim3A_103 : i32 to vector<8x4xi32>
    %slice3A_105 = vector.extract_strided_slice %add3A_102 {offsets = [0, 0], sizes = [8, 4092], strides = [1, 1]} : vector<8x4096xi32> to vector<8x4092xi32>
    %concatenate3A_106 = tpu.concatenate %broadcast_in_dim3A_104, %slice3A_105 in 1 : vector<8x4xi32>, vector<8x4092xi32> -> vector<8x4096xi32>
    %add3A_107 = arith.addi %add3A_102, %concatenate3A_106 : vector<8x4096xi32>
    %broadcast_in_dim3A_108 = arith.constant 0 : i32
    %broadcast_in_dim3A_109 = vector.broadcast %broadcast_in_dim3A_108 : i32 to vector<8x8xi32>
    %slice3A_110 = vector.extract_strided_slice %add3A_107 {offsets = [0, 0], sizes = [8, 4088], strides = [1, 1]} : vector<8x4096xi32> to vector<8x4088xi32>
    %concatenate3A_111 = tpu.concatenate %broadcast_in_dim3A_109, %slice3A_110 in 1 : vector<8x8xi32>, vector<8x4088xi32> -> vector<8x4096xi32>
    %add3A_112 = arith.addi %add3A_107, %concatenate3A_111 : vector<8x4096xi32>
    %broadcast_in_dim3A_113 = arith.constant 0 : i32
    %broadcast_in_dim3A_114 = vector.broadcast %broadcast_in_dim3A_113 : i32 to vector<8x16xi32>
    %slice3A_115 = vector.extract_strided_slice %add3A_112 {offsets = [0, 0], sizes = [8, 4080], strides = [1, 1]} : vector<8x4096xi32> to vector<8x4080xi32>
    %concatenate3A_116 = tpu.concatenate %broadcast_in_dim3A_114, %slice3A_115 in 1 : vector<8x16xi32>, vector<8x4080xi32> -> vector<8x4096xi32>
    %add3A_117 = arith.addi %add3A_112, %concatenate3A_116 : vector<8x4096xi32>
    %broadcast_in_dim3A_118 = arith.constant 0 : i32
    %broadcast_in_dim3A_119 = vector.broadcast %broadcast_in_dim3A_118 : i32 to vector<8x32xi32>
    %slice3A_120 = vector.extract_strided_slice %add3A_117 {offsets = [0, 0], sizes = [8, 4064], strides = [1, 1]} : vector<8x4096xi32> to vector<8x4064xi32>
    %concatenate3A_121 = tpu.concatenate %broadcast_in_dim3A_119, %slice3A_120 in 1 : vector<8x32xi32>, vector<8x4064xi32> -> vector<8x4096xi32>
    %add3A_122 = arith.addi %add3A_117, %concatenate3A_121 : vector<8x4096xi32>
    %broadcast_in_dim3A_123 = arith.constant 0 : i32
    %broadcast_in_dim3A_124 = vector.broadcast %broadcast_in_dim3A_123 : i32 to vector<8x64xi32>
    %slice3A_125 = vector.extract_strided_slice %add3A_122 {offsets = [0, 0], sizes = [8, 4032], strides = [1, 1]} : vector<8x4096xi32> to vector<8x4032xi32>
    %concatenate3A_126 = tpu.concatenate %broadcast_in_dim3A_124, %slice3A_125 in 1 : vector<8x64xi32>, vector<8x4032xi32> -> vector<8x4096xi32>
    %add3A_127 = arith.addi %add3A_122, %concatenate3A_126 : vector<8x4096xi32>
    %broadcast_in_dim3A_128 = arith.constant 0 : i32
    %broadcast_in_dim3A_129 = vector.broadcast %broadcast_in_dim3A_128 : i32 to vector<8x128xi32>
    %slice3A_130 = vector.extract_strided_slice %add3A_127 {offsets = [0, 0], sizes = [8, 3968], strides = [1, 1]} : vector<8x4096xi32> to vector<8x3968xi32>
    %concatenate3A_131 = tpu.concatenate %broadcast_in_dim3A_129, %slice3A_130 in 1 : vector<8x128xi32>, vector<8x3968xi32> -> vector<8x4096xi32>
    %add3A_132 = arith.addi %add3A_127, %concatenate3A_131 : vector<8x4096xi32>
    %broadcast_in_dim3A_133 = arith.constant 0 : i32
    %broadcast_in_dim3A_134 = vector.broadcast %broadcast_in_dim3A_133 : i32 to vector<8x256xi32>
    %slice3A_135 = vector.extract_strided_slice %add3A_132 {offsets = [0, 0], sizes = [8, 3840], strides = [1, 1]} : vector<8x4096xi32> to vector<8x3840xi32>
    %concatenate3A_136 = tpu.concatenate %broadcast_in_dim3A_134, %slice3A_135 in 1 : vector<8x256xi32>, vector<8x3840xi32> -> vector<8x4096xi32>
    %add3A_137 = arith.addi %add3A_132, %concatenate3A_136 : vector<8x4096xi32>
    %broadcast_in_dim3A_138 = arith.constant 0 : i32
    %broadcast_in_dim3A_139 = vector.broadcast %broadcast_in_dim3A_138 : i32 to vector<8x512xi32>
    %slice3A_140 = vector.extract_strided_slice %add3A_137 {offsets = [0, 0], sizes = [8, 3584], strides = [1, 1]} : vector<8x4096xi32> to vector<8x3584xi32>
    %concatenate3A_141 = tpu.concatenate %broadcast_in_dim3A_139, %slice3A_140 in 1 : vector<8x512xi32>, vector<8x3584xi32> -> vector<8x4096xi32>
    %add3A_142 = arith.addi %add3A_137, %concatenate3A_141 : vector<8x4096xi32>
    %broadcast_in_dim3A_143 = arith.constant 0 : i32
    %broadcast_in_dim3A_144 = vector.broadcast %broadcast_in_dim3A_143 : i32 to vector<8x1024xi32>
    %slice3A_145 = vector.extract_strided_slice %add3A_142 {offsets = [0, 0], sizes = [8, 3072], strides = [1, 1]} : vector<8x4096xi32> to vector<8x3072xi32>
    %concatenate3A_146 = tpu.concatenate %broadcast_in_dim3A_144, %slice3A_145 in 1 : vector<8x1024xi32>, vector<8x3072xi32> -> vector<8x4096xi32>
    %add3A_147 = arith.addi %add3A_142, %concatenate3A_146 : vector<8x4096xi32>
    %broadcast_in_dim3A_148 = arith.constant 0 : i32
    %broadcast_in_dim3A_149 = vector.broadcast %broadcast_in_dim3A_148 : i32 to vector<8x2048xi32>
    %slice3A_150 = vector.extract_strided_slice %add3A_147 {offsets = [0, 0], sizes = [8, 2048], strides = [1, 1]} : vector<8x4096xi32> to vector<8x2048xi32>
    %concatenate3A_151 = tpu.concatenate %broadcast_in_dim3A_149, %slice3A_150 in 1 : vector<8x2048xi32>, vector<8x2048xi32> -> vector<8x4096xi32>
    %add3A_152 = arith.addi %add3A_147, %concatenate3A_151 : vector<8x4096xi32>
    %sub3A_153 = arith.subi %add3A_152, %convert_element_type3A_35 : vector<8x4096xi32>
    %reduce_sum3A = arith.constant dense<0> : vector<8xi32>
    %reduce_sum3A_154 = vector.multi_reduction <add>, %convert_element_type3A, %reduce_sum3A [1] : vector<8x4096xi32> to vector<8xi32>
    %broadcast_in_dim3A_155 = vector.shape_cast %reduce_sum3A_154 : vector<8xi32> to vector<8x1xi32>
    %reduce_sum3A_156 = arith.constant dense<0> : vector<8xi32>
    %reduce_sum3A_157 = vector.multi_reduction <add>, %convert_element_type3A_35, %reduce_sum3A_156 [1] : vector<8x4096xi32> to vector<8xi32>
    %broadcast_in_dim3A_158 = vector.shape_cast %reduce_sum3A_157 : vector<8xi32> to vector<8x1xi32>
    %add3A_159 = arith.addi %broadcast_in_dim3A_155, %broadcast_in_dim3A_158 : vector<8x1xi32>
    %add3A_160 = arith.constant 128 : i32
    %add3A_161 = vector.broadcast %add3A_160 : i32 to vector<8x1xi32>
    %add3A_162 = arith.addi %add3A_159, %add3A_161 : vector<8x1xi32>
    %sub3A_163 = arith.constant 1 : i32
    %sub3A_164 = vector.broadcast %sub3A_163 : i32 to vector<8x1xi32>
    %sub3A_165 = arith.subi %add3A_162, %sub3A_164 : vector<8x1xi32>
    %jit3A_166 = arith.constant 128 : i32
    %div3A = vector.broadcast %jit3A_166 : i32 to vector<8x1xi32>
    %div3A_167 = arith.divsi %sub3A_165, %div3A : vector<8x1xi32>
    %sign3A = arith.constant 0 : i32
    %sign3A_168 = vector.broadcast %sign3A : i32 to vector<8x1xi32>
    %sign3A_169 = arith.cmpi sgt, %sub3A_165, %sign3A_168 : vector<8x1xi32>
    %sign3A_170 = arith.extui %sign3A_169 : vector<8x1xi1> to vector<8x1xi32>
    %sign3A_171 = arith.constant 0 : i32
    %sign3A_172 = vector.broadcast %sign3A_171 : i32 to vector<8x1xi32>
    %sign3A_173 = arith.cmpi slt, %sub3A_165, %sign3A_172 : vector<8x1xi32>
    %sign3A_174 = arith.extui %sign3A_173 : vector<8x1xi1> to vector<8x1xi32>
    %sign3A_175 = arith.subi %sign3A_170, %sign3A_174 : vector<8x1xi32>
    %sign3A_176 = arith.constant 0 : i32
    %sign3A_177 = arith.cmpi sgt, %jit3A_166, %sign3A_176 : i32
    %sign3A_178 = arith.extui %sign3A_177 : i1 to i32
    %sign3A_179 = arith.constant 0 : i32
    %sign3A_180 = arith.cmpi slt, %jit3A_166, %sign3A_179 : i32
    %sign3A_181 = arith.extui %sign3A_180 : i1 to i32
    %sign3A_182 = arith.subi %sign3A_178, %sign3A_181 : i32
    %ne3A = vector.broadcast %sign3A_182 : i32 to vector<8x1xi32>
    %ne3A_183 = arith.cmpi ne, %sign3A_175, %ne3A : vector<8x1xi32>
    %rem3A = vector.broadcast %jit3A_166 : i32 to vector<8x1xi32>
    %rem3A_184 = arith.remsi %sub3A_165, %rem3A : vector<8x1xi32>
    %ne3A_185 = arith.constant 0 : i32
    %ne3A_186 = vector.broadcast %ne3A_185 : i32 to vector<8x1xi32>
    %ne3A_187 = arith.cmpi ne, %rem3A_184, %ne3A_186 : vector<8x1xi32>
    %and3A = arith.andi %ne3A_183, %ne3A_187 : vector<8x1xi1>
    %sub3A_188 = arith.constant 1 : i32
    %sub3A_189 = vector.broadcast %sub3A_188 : i32 to vector<8x1xi32>
    %sub3A_190 = arith.subi %div3A_167, %sub3A_189 : vector<8x1xi32>
    %select_n3A_191 = arith.select %and3A, %sub3A_190, %div3A_167 : vector<8x1xi1>, vector<8x1xi32>
    %mul3A = arith.constant 128 : i32
    %mul3A_192 = vector.broadcast %mul3A : i32 to vector<8x1xi32>
    %mul3A_193 = arith.muli %select_n3A_191, %mul3A_192 : vector<8x1xi32>
    %broadcast_in_dim3A_194 = arith.constant 0 : i32
    %broadcast_in_dim3A_195 = vector.broadcast %broadcast_in_dim3A_194 : i32 to vector<1x1xi32>
    %slice3A_196 = vector.extract_strided_slice %mul3A_193 {offsets = [0, 0], sizes = [1, 1], strides = [1, 1]} : vector<8x1xi32> to vector<1x1xi32>
    %add3A_197 = arith.addi %broadcast_in_dim3A_195, %slice3A_196 : vector<1x1xi32>
    %slice3A_198 = vector.extract_strided_slice %mul3A_193 {offsets = [1, 0], sizes = [1, 1], strides = [1, 1]} : vector<8x1xi32> to vector<1x1xi32>
    %add3A_199 = arith.addi %add3A_197, %slice3A_198 : vector<1x1xi32>
    %slice3A_200 = vector.extract_strided_slice %mul3A_193 {offsets = [2, 0], sizes = [1, 1], strides = [1, 1]} : vector<8x1xi32> to vector<1x1xi32>
    %add3A_201 = arith.addi %add3A_199, %slice3A_200 : vector<1x1xi32>
    %slice3A_202 = vector.extract_strided_slice %mul3A_193 {offsets = [3, 0], sizes = [1, 1], strides = [1, 1]} : vector<8x1xi32> to vector<1x1xi32>
    %add3A_203 = arith.addi %add3A_201, %slice3A_202 : vector<1x1xi32>
    %slice3A_204 = vector.extract_strided_slice %mul3A_193 {offsets = [4, 0], sizes = [1, 1], strides = [1, 1]} : vector<8x1xi32> to vector<1x1xi32>
    %add3A_205 = arith.addi %add3A_203, %slice3A_204 : vector<1x1xi32>
    %slice3A_206 = vector.extract_strided_slice %mul3A_193 {offsets = [5, 0], sizes = [1, 1], strides = [1, 1]} : vector<8x1xi32> to vector<1x1xi32>
    %add3A_207 = arith.addi %add3A_205, %slice3A_206 : vector<1x1xi32>
    %concatenate3A_208 = tpu.concatenate %broadcast_in_dim3A_195, %add3A_197, %add3A_199, %add3A_201, %add3A_203, %add3A_205, %add3A_207, %add3A_207 in 0 : vector<1x1xi32>, vector<1x1xi32>, vector<1x1xi32>, vector<1x1xi32>, vector<1x1xi32>, vector<1x1xi32>, vector<1x1xi32>, vector<1x1xi32> -> vector<8x1xi32>
    %jit3A_209 = arith.constant 0 : i32
    %broadcast_in_dim3A_210 = vector.broadcast %jit3A_209 : i32 to vector<8x4096xi32>
    %select_n3A_211 = arith.select %eq3A_18, %sub3A, %broadcast_in_dim3A_210 : vector<8x4096xi1>, vector<8x4096xi32>
    %reduce_sum3A_212 = arith.constant dense<0> : vector<4096xi32>
    %reduce_sum3A_213 = vector.multi_reduction <add>, %select_n3A_211, %reduce_sum3A_212 [0] : vector<8x4096xi32> to vector<4096xi32>
    %broadcast_in_dim3A_214 = vector.shape_cast %reduce_sum3A_213 : vector<4096xi32> to vector<1x4096xi32>
    %add3A_215 = vector.broadcast %broadcast_in_dim3A_155 : vector<8x1xi32> to vector<8x4096xi32>
    %add3A_216 = arith.addi %add3A_215, %sub3A_153 : vector<8x4096xi32>
    %jit3A_217 = arith.constant 0 : i32
    %broadcast_in_dim3A_218 = vector.broadcast %jit3A_217 : i32 to vector<8x4096xi32>
    %select_n3A_219 = arith.select %eq3A_34, %add3A_216, %broadcast_in_dim3A_218 : vector<8x4096xi1>, vector<8x4096xi32>
    %reduce_sum3A_220 = arith.constant dense<0> : vector<4096xi32>
    %reduce_sum3A_221 = vector.multi_reduction <add>, %select_n3A_219, %reduce_sum3A_220 [0] : vector<8x4096xi32> to vector<4096xi32>
    %broadcast_in_dim3A_222 = vector.shape_cast %reduce_sum3A_221 : vector<4096xi32> to vector<1x4096xi32>
    %jit3A_223 = arith.constant 0 : i32
    %broadcast_in_dim3A_224 = vector.shape_cast %concatenate3A_208 : vector<8x1xi32> to vector<8x1xi32>
    %broadcast_in_dim3A_225 = vector.broadcast %broadcast_in_dim3A_224 : vector<8x1xi32> to vector<8x4096xi32>
    %broadcast_in_dim3A_226 = vector.broadcast %jit3A_223 : i32 to vector<8x4096xi32>
    %select_n3A_227 = arith.select %eq3A_18, %broadcast_in_dim3A_225, %broadcast_in_dim3A_226 : vector<8x4096xi1>, vector<8x4096xi32>
    %reduce_sum3A_228 = arith.constant dense<0> : vector<4096xi32>
    %reduce_sum3A_229 = vector.multi_reduction <add>, %select_n3A_227, %reduce_sum3A_228 [0] : vector<8x4096xi32> to vector<4096xi32>
    %broadcast_in_dim3A_230 = vector.shape_cast %reduce_sum3A_229 : vector<4096xi32> to vector<1x4096xi32>
    %jit3A_231 = arith.constant 0 : i32
    %broadcast_in_dim3A_232 = vector.shape_cast %concatenate3A_208 : vector<8x1xi32> to vector<8x1xi32>
    %broadcast_in_dim3A_233 = vector.broadcast %broadcast_in_dim3A_232 : vector<8x1xi32> to vector<8x4096xi32>
    %broadcast_in_dim3A_234 = vector.broadcast %jit3A_231 : i32 to vector<8x4096xi32>
    %select_n3A_235 = arith.select %eq3A_34, %broadcast_in_dim3A_233, %broadcast_in_dim3A_234 : vector<8x4096xi1>, vector<8x4096xi32>
    %reduce_sum3A_236 = arith.constant dense<0> : vector<4096xi32>
    %reduce_sum3A_237 = vector.multi_reduction <add>, %select_n3A_235, %reduce_sum3A_236 [0] : vector<8x4096xi32> to vector<4096xi32>
    %broadcast_in_dim3A_238 = vector.shape_cast %reduce_sum3A_237 : vector<4096xi32> to vector<1x4096xi32>
    %add3A_239 = arith.addi %broadcast_in_dim3A_230, %broadcast_in_dim3A_214 : vector<1x4096xi32>
    %swap3A = arith.constant 0 : index
    %swap3A_240 = arith.constant 0 : index
    %swap3A_241 = vector.load %arg2[%swap3A, %swap3A_240] : memref<1x4096xi32, #tpu.memory_space<vmem>>, vector<1x4096xi32>
    tpu.vector_store %arg2[%swap3A, %swap3A_240], %add3A_239 {strides = array<i32>} : memref<1x4096xi32, #tpu.memory_space<vmem>>, vector<1x4096xi32>,
    %add3A_242 = arith.addi %broadcast_in_dim3A_238, %broadcast_in_dim3A_222 : vector<1x4096xi32>
    %swap3A_243 = arith.constant 0 : index
    %swap3A_244 = arith.constant 0 : index
    %swap3A_245 = vector.load %arg3[%swap3A_243, %swap3A_244] : memref<1x4096xi32, #tpu.memory_space<vmem>>, vector<1x4096xi32>
    tpu.vector_store %arg3[%swap3A_243, %swap3A_244], %add3A_242 {strides = array<i32>} : memref<1x4096xi32, #tpu.memory_space<vmem>>, vector<1x4096xi32>,
    %swap3A_246 = arith.constant 0 : index
    %swap3A_247 = arith.constant 0 : index
    %swap3A_248 = vector.load %arg4[%swap3A_246, %swap3A_247] : memref<1x4096xf32, #tpu.memory_space<vmem>>, vector<1x4096xf32>
    tpu.vector_store %arg4[%swap3A_246, %swap3A_247], %broadcast_in_dim3A_10 {strides = array<i32>} : memref<1x4096xf32, #tpu.memory_space<vmem>>, vector<1x4096xf32>,
    %swap3A_249 = arith.constant 0 : index
    %swap3A_250 = arith.constant 0 : index
    %swap3A_251 = vector.load %arg5[%swap3A_249, %swap3A_250] : memref<1x4096xf32, #tpu.memory_space<vmem>>, vector<1x4096xf32>
    tpu.vector_store %arg5[%swap3A_249, %swap3A_250], %broadcast_in_dim3A_24 {strides = array<i32>} : memref<1x4096xf32, #tpu.memory_space<vmem>>, vector<1x4096xf32>,
    %iota3A_252 = tpu.iota {dimensions = array<i32: 1>} : vector<1x70xi32>
    %mul3A_253 = arith.constant 128 : i32
    %mul3A_254 = vector.broadcast %mul3A_253 : i32 to vector<1x70xi32>
    %mul3A_255 = arith.muli %iota3A_252, %mul3A_254 : vector<1x70xi32>
    %broadcast_in_dim3A_256 = arith.constant -1 : i32
    %broadcast_in_dim3A_257 = vector.broadcast %broadcast_in_dim3A_256 : i32 to vector<1x70xi32>
    %slice3A_258 = vector.extract_strided_slice %concatenate3A_208 {offsets = [0, 0], sizes = [1, 1], strides = [1, 1]} : vector<8x1xi32> to vector<1x1xi32>
    %ge3A = vector.broadcast %slice3A_258 : vector<1x1xi32> to vector<1x70xi32>
    %ge3A_259 = arith.cmpi sge, %mul3A_255, %ge3A : vector<1x70xi32>
    %slice3A_260 = vector.extract_strided_slice %mul3A_193 {offsets = [0, 0], sizes = [1, 1], strides = [1, 1]} : vector<8x1xi32> to vector<1x1xi32>
    %add3A_261 = arith.addi %slice3A_258, %slice3A_260 : vector<1x1xi32>
    %lt3A_262 = vector.broadcast %add3A_261 : vector<1x1xi32> to vector<1x70xi32>
    %lt3A_263 = arith.cmpi slt, %mul3A_255, %lt3A_262 : vector<1x70xi32>
    %and3A_264 = arith.andi %ge3A_259, %lt3A_263 : vector<1x70xi1>
    %jit3A_265 = arith.constant 0 : i32
    %broadcast_in_dim3A_266 = vector.broadcast %jit3A_265 : i32 to vector<1x70xi32>
    %select_n3A_267 = arith.select %and3A_264, %broadcast_in_dim3A_266, %broadcast_in_dim3A_257 : vector<1x70xi1>, vector<1x70xi32>
    %slice3A_268 = vector.extract_strided_slice %concatenate3A_208 {offsets = [1, 0], sizes = [1, 1], strides = [1, 1]} : vector<8x1xi32> to vector<1x1xi32>
    %ge3A_269 = vector.broadcast %slice3A_268 : vector<1x1xi32> to vector<1x70xi32>
    %ge3A_270 = arith.cmpi sge, %mul3A_255, %ge3A_269 : vector<1x70xi32>
    %slice3A_271 = vector.extract_strided_slice %mul3A_193 {offsets = [1, 0], sizes = [1, 1], strides = [1, 1]} : vector<8x1xi32> to vector<1x1xi32>
    %add3A_272 = arith.addi %slice3A_268, %slice3A_271 : vector<1x1xi32>
    %lt3A_273 = vector.broadcast %add3A_272 : vector<1x1xi32> to vector<1x70xi32>
    %lt3A_274 = arith.cmpi slt, %mul3A_255, %lt3A_273 : vector<1x70xi32>
    %and3A_275 = arith.andi %ge3A_270, %lt3A_274 : vector<1x70xi1>
    %jit3A_276 = arith.constant 1 : i32
    %broadcast_in_dim3A_277 = vector.broadcast %jit3A_276 : i32 to vector<1x70xi32>
    %select_n3A_278 = arith.select %and3A_275, %broadcast_in_dim3A_277, %select_n3A_267 : vector<1x70xi1>, vector<1x70xi32>
    %slice3A_279 = vector.extract_strided_slice %concatenate3A_208 {offsets = [2, 0], sizes = [1, 1], strides = [1, 1]} : vector<8x1xi32> to vector<1x1xi32>
    %ge3A_280 = vector.broadcast %slice3A_279 : vector<1x1xi32> to vector<1x70xi32>
    %ge3A_281 = arith.cmpi sge, %mul3A_255, %ge3A_280 : vector<1x70xi32>
    %slice3A_282 = vector.extract_strided_slice %mul3A_193 {offsets = [2, 0], sizes = [1, 1], strides = [1, 1]} : vector<8x1xi32> to vector<1x1xi32>
    %add3A_283 = arith.addi %slice3A_279, %slice3A_282 : vector<1x1xi32>
    %lt3A_284 = vector.broadcast %add3A_283 : vector<1x1xi32> to vector<1x70xi32>
    %lt3A_285 = arith.cmpi slt, %mul3A_255, %lt3A_284 : vector<1x70xi32>
    %and3A_286 = arith.andi %ge3A_281, %lt3A_285 : vector<1x70xi1>
    %jit3A_287 = arith.constant 2 : i32
    %broadcast_in_dim3A_288 = vector.broadcast %jit3A_287 : i32 to vector<1x70xi32>
    %select_n3A_289 = arith.select %and3A_286, %broadcast_in_dim3A_288, %select_n3A_278 : vector<1x70xi1>, vector<1x70xi32>
    %slice3A_290 = vector.extract_strided_slice %concatenate3A_208 {offsets = [3, 0], sizes = [1, 1], strides = [1, 1]} : vector<8x1xi32> to vector<1x1xi32>
    %ge3A_291 = vector.broadcast %slice3A_290 : vector<1x1xi32> to vector<1x70xi32>
    %ge3A_292 = arith.cmpi sge, %mul3A_255, %ge3A_291 : vector<1x70xi32>
    %slice3A_293 = vector.extract_strided_slice %mul3A_193 {offsets = [3, 0], sizes = [1, 1], strides = [1, 1]} : vector<8x1xi32> to vector<1x1xi32>
    %add3A_294 = arith.addi %slice3A_290, %slice3A_293 : vector<1x1xi32>
    %lt3A_295 = vector.broadcast %add3A_294 : vector<1x1xi32> to vector<1x70xi32>
    %lt3A_296 = arith.cmpi slt, %mul3A_255, %lt3A_295 : vector<1x70xi32>
    %and3A_297 = arith.andi %ge3A_292, %lt3A_296 : vector<1x70xi1>
    %jit3A_298 = arith.constant 3 : i32
    %broadcast_in_dim3A_299 = vector.broadcast %jit3A_298 : i32 to vector<1x70xi32>
    %select_n3A_300 = arith.select %and3A_297, %broadcast_in_dim3A_299, %select_n3A_289 : vector<1x70xi1>, vector<1x70xi32>
    %slice3A_301 = vector.extract_strided_slice %concatenate3A_208 {offsets = [4, 0], sizes = [1, 1], strides = [1, 1]} : vector<8x1xi32> to vector<1x1xi32>
    %ge3A_302 = vector.broadcast %slice3A_301 : vector<1x1xi32> to vector<1x70xi32>
    %ge3A_303 = arith.cmpi sge, %mul3A_255, %ge3A_302 : vector<1x70xi32>
    %slice3A_304 = vector.extract_strided_slice %mul3A_193 {offsets = [4, 0], sizes = [1, 1], strides = [1, 1]} : vector<8x1xi32> to vector<1x1xi32>
    %add3A_305 = arith.addi %slice3A_301, %slice3A_304 : vector<1x1xi32>
    %lt3A_306 = vector.broadcast %add3A_305 : vector<1x1xi32> to vector<1x70xi32>
    %lt3A_307 = arith.cmpi slt, %mul3A_255, %lt3A_306 : vector<1x70xi32>
    %and3A_308 = arith.andi %ge3A_303, %lt3A_307 : vector<1x70xi1>
    %jit3A_309 = arith.constant 4 : i32
    %broadcast_in_dim3A_310 = vector.broadcast %jit3A_309 : i32 to vector<1x70xi32>
    %select_n3A_311 = arith.select %and3A_308, %broadcast_in_dim3A_310, %select_n3A_300 : vector<1x70xi1>, vector<1x70xi32>
    %slice3A_312 = vector.extract_strided_slice %concatenate3A_208 {offsets = [5, 0], sizes = [1, 1], strides = [1, 1]} : vector<8x1xi32> to vector<1x1xi32>
    %ge3A_313 = vector.broadcast %slice3A_312 : vector<1x1xi32> to vector<1x70xi32>
    %ge3A_314 = arith.cmpi sge, %mul3A_255, %ge3A_313 : vector<1x70xi32>
    %slice3A_315 = vector.extract_strided_slice %mul3A_193 {offsets = [5, 0], sizes = [1, 1], strides = [1, 1]} : vector<8x1xi32> to vector<1x1xi32>
    %add3A_316 = arith.addi %slice3A_312, %slice3A_315 : vector<1x1xi32>
    %lt3A_317 = vector.broadcast %add3A_316 : vector<1x1xi32> to vector<1x70xi32>
    %lt3A_318 = arith.cmpi slt, %mul3A_255, %lt3A_317 : vector<1x70xi32>
    %and3A_319 = arith.andi %ge3A_314, %lt3A_318 : vector<1x70xi1>
    %jit3A_320 = arith.constant 5 : i32
    %broadcast_in_dim3A_321 = vector.broadcast %jit3A_320 : i32 to vector<1x70xi32>
    %select_n3A_322 = arith.select %and3A_319, %broadcast_in_dim3A_321, %select_n3A_311 : vector<1x70xi1>, vector<1x70xi32>
    %swap3A_323 = arith.constant 0 : index
    %swap3A_324 = arith.constant 0 : index
    %swap3A_325 = vector.load %arg6[%swap3A_323, %swap3A_324] : memref<1x70xi32, #tpu.memory_space<vmem>>, vector<1x70xi32>
    tpu.vector_store %arg6[%swap3A_323, %swap3A_324], %select_n3A_322 {strides = array<i32>} : memref<1x70xi32, #tpu.memory_space<vmem>>, vector<1x70xi32>,
    return
  }
  func.func @transform_0(%arg0: i32) -> (i32, i32) {
    %c0_i32 = arith.constant 0 : i32
    %c0_i32_0 = arith.constant 0 : i32
    %c0_i32_1 = arith.constant 0 : i32
    return %c0_i32, %c0_i32_0 : i32, i32
  }
  func.func @transform_1(%arg0: i32) -> (i32, i32) {
    %c0_i32 = arith.constant 0 : i32
    %c0_i32_0 = arith.constant 0 : i32
    %c0_i32_1 = arith.constant 0 : i32
    return %c0_i32, %c0_i32_0 : i32, i32
  }
  func.func @transform_2(%arg0: i32) -> (i32, i32) {
    %c0_i32 = arith.constant 0 : i32
    %c0_i32_0 = arith.constant 0 : i32
    %c0_i32_1 = arith.constant 0 : i32
    return %c0_i32, %c0_i32_0 : i32, i32
  }
  func.func @transform_3(%arg0: i32) -> (i32, i32) {
    %c0_i32 = arith.constant 0 : i32
    %c0_i32_0 = arith.constant 0 : i32
    %c0_i32_1 = arith.constant 0 : i32
    return %c0_i32, %c0_i32_0 : i32, i32
  }
  func.func @transform_4(%arg0: i32) -> (i32, i32) {
    %c0_i32 = arith.constant 0 : i32
    %c0_i32_0 = arith.constant 0 : i32
    %c0_i32_1 = arith.constant 0 : i32
    return %c0_i32, %c0_i32_0 : i32, i32
  }
  func.func @transform_5(%arg0: i32) -> (i32, i32) {
    %c0_i32 = arith.constant 0 : i32
    %c0_i32_0 = arith.constant 0 : i32
    %c0_i32_1 = arith.constant 0 : i32
    return %c0_i32, %c0_i32_0 : i32, i32
  }
}

module attributes {stable_mosaic.version = 14 : i64} {
  func.func @_grouped_ffn_kernel(%arg0: i32, %arg1: memref<70xi32, #tpu.memory_space<smem>>, %arg2: memref<128x1024xf32, #tpu.memory_space<vmem>>, %arg3: memref<1x1024x2048xbf16, #tpu.memory_space<vmem>>, %arg4: memref<1x1024x2048xbf16, #tpu.memory_space<vmem>>, %arg5: memref<1x2048x1024xbf16, #tpu.memory_space<vmem>>, %arg6: memref<128x1024xf32, #tpu.memory_space<vmem>>) attributes {dimension_semantics = [#tpu.dimension_semantics<arbitrary>], iteration_bounds = array<i64: 70>, scalar_prefetch = 1 : i64, scratch_operands = 0 : i64, tpu.core_type = #tpu.core_type<tc>, window_params = [{transform_indices = @transform_0, window_bounds = array<i64: 128, 1024>}, {transform_indices = @transform_1, window_bounds = array<i64: 1, 1024, 2048>}, {transform_indices = @transform_2, window_bounds = array<i64: 1, 1024, 2048>}, {transform_indices = @transform_3, window_bounds = array<i64: 1, 2048, 1024>}, {transform_indices = @transform_4, window_bounds = array<i64: 128, 1024>}]} {
    %get3A = arith.index_cast %arg0 : i32 to index
    %get3A_0 = memref.load %arg1[%get3A] : memref<70xi32, #tpu.memory_space<smem>>
    %ge3A = arith.constant 0 : i32
    %ge3A_1 = arith.cmpi sge, %get3A_0, %ge3A : i32
    %convert_element_type3A = arith.extui %ge3A_1 : i1 to i32
    %cond3A = arith.constant 0 : i32
    %cond3A_2 = arith.cmpi ne, %convert_element_type3A, %cond3A : i32
    scf.if %cond3A_2 {
      %get3A_7 = arith.constant 0 : index
      %get3A_8 = arith.constant 0 : index
      %get3A_9 = vector.load %arg2[%get3A_7, %get3A_8] : memref<128x1024xf32, #tpu.memory_space<vmem>>, vector<128x1024xf32>
      %convert_element_type3A_10 = arith.truncf %get3A_9 : vector<128x1024xf32> to vector<128x1024xbf16>
      %get3A_11 = arith.constant 0 : index
      %get3A_12 = arith.constant 0 : index
      %get3A_13 = arith.constant 0 : index
      %get3A_14 = vector.load %arg3[%get3A_11, %get3A_12, %get3A_13] : memref<1x1024x2048xbf16, #tpu.memory_space<vmem>>, vector<1x1024x2048xbf16>
      %get3A_15 = vector.shape_cast %get3A_14 : vector<1x1024x2048xbf16> to vector<1024x2048xbf16>
      %dot_general3A = arith.constant dense<0.000000e+00> : vector<128x2048xf32>
      %dot_general3A_16 = tpu.matmul %convert_element_type3A_10, %get3A_15, %dot_general3A {dimension_numbers = #tpu.dot_dimension_numbers<[1], [0], [0], [1], [0, 0, 1, 1], [], []>, transpose_lhs_hint = false} : vector<128x1024xbf16>, vector<1024x2048xbf16>, vector<128x2048xf32> -> vector<128x2048xf32>
      %get3A_17 = arith.constant 0 : index
      %get3A_18 = arith.constant 0 : index
      %get3A_19 = arith.constant 0 : index
      %get3A_20 = vector.load %arg4[%get3A_17, %get3A_18, %get3A_19] : memref<1x1024x2048xbf16, #tpu.memory_space<vmem>>, vector<1x1024x2048xbf16>
      %get3A_21 = vector.shape_cast %get3A_20 : vector<1x1024x2048xbf16> to vector<1024x2048xbf16>
      %dot_general3A_22 = arith.constant dense<0.000000e+00> : vector<128x2048xf32>
      %dot_general3A_23 = tpu.matmul %convert_element_type3A_10, %get3A_21, %dot_general3A_22 {dimension_numbers = #tpu.dot_dimension_numbers<[1], [0], [0], [1], [0, 0, 1, 1], [], []>, transpose_lhs_hint = false} : vector<128x1024xbf16>, vector<1024x2048xbf16>, vector<128x2048xf32> -> vector<128x2048xf32>
      %logistic3A = arith.negf %dot_general3A_16 : vector<128x2048xf32>
      %logistic3A_24 = math.exp %logistic3A : vector<128x2048xf32>
      %logistic3A_25 = arith.constant 1.000000e+00 : f32
      %logistic3A_26 = vector.broadcast %logistic3A_25 : f32 to vector<128x2048xf32>
      %logistic3A_27 = arith.addf %logistic3A_26, %logistic3A_24 : vector<128x2048xf32>
      %logistic3A_28 = arith.divf %logistic3A_26, %logistic3A_27 : vector<128x2048xf32>
      %mul3A = arith.mulf %dot_general3A_16, %logistic3A_28 : vector<128x2048xf32>
      %mul3A_29 = arith.mulf %mul3A, %dot_general3A_23 : vector<128x2048xf32>
      %convert_element_type3A_30 = arith.truncf %mul3A_29 : vector<128x2048xf32> to vector<128x2048xbf16>
      %get3A_31 = arith.constant 0 : index
      %get3A_32 = arith.constant 0 : index
      %get3A_33 = arith.constant 0 : index
      %get3A_34 = vector.load %arg5[%get3A_31, %get3A_32, %get3A_33] : memref<1x2048x1024xbf16, #tpu.memory_space<vmem>>, vector<1x2048x1024xbf16>
      %get3A_35 = vector.shape_cast %get3A_34 : vector<1x2048x1024xbf16> to vector<2048x1024xbf16>
      %dot_general3A_36 = arith.constant dense<0.000000e+00> : vector<128x1024xf32>
      %dot_general3A_37 = tpu.matmul %convert_element_type3A_30, %get3A_35, %dot_general3A_36 {dimension_numbers = #tpu.dot_dimension_numbers<[1], [0], [0], [1], [0, 0, 1, 1], [], []>, transpose_lhs_hint = false} : vector<128x2048xbf16>, vector<2048x1024xbf16>, vector<128x1024xf32> -> vector<128x1024xf32>
      %swap3A = arith.constant 0 : index
      %swap3A_38 = arith.constant 0 : index
      %swap3A_39 = vector.load %arg6[%swap3A, %swap3A_38] : memref<128x1024xf32, #tpu.memory_space<vmem>>, vector<128x1024xf32>
      tpu.vector_store %arg6[%swap3A, %swap3A_38], %dot_general3A_37 {strides = array<i32>} : memref<128x1024xf32, #tpu.memory_space<vmem>>, vector<128x1024xf32>,
    } else {
    }
    %lt3A = arith.constant 0 : i32
    %lt3A_3 = arith.cmpi slt, %get3A_0, %lt3A : i32
    %convert_element_type3A_4 = arith.extui %lt3A_3 : i1 to i32
    %cond3A_5 = arith.constant 0 : i32
    %cond3A_6 = arith.cmpi ne, %convert_element_type3A_4, %cond3A_5 : i32
    scf.if %cond3A_6 {
      %broadcast_in_dim3A = arith.constant 0.000000e+00 : f32
      %broadcast_in_dim3A_7 = vector.broadcast %broadcast_in_dim3A : f32 to vector<128x1024xf32>
      %swap3A = arith.constant 0 : index
      %swap3A_8 = arith.constant 0 : index
      %swap3A_9 = vector.load %arg6[%swap3A, %swap3A_8] : memref<128x1024xf32, #tpu.memory_space<vmem>>, vector<128x1024xf32>
      tpu.vector_store %arg6[%swap3A, %swap3A_8], %broadcast_in_dim3A_7 {strides = array<i32>} : memref<128x1024xf32, #tpu.memory_space<vmem>>, vector<128x1024xf32>,
    } else {
    }
    return
  }
  func.func @transform_0(%arg0: i32, %arg1: memref<70xi32, #tpu.memory_space<smem>>) -> (i32, i32) {
    %c0_i32 = arith.constant 0 : i32
    %c0_i32_0 = arith.constant 0 : i32
    return %arg0, %c0_i32 : i32, i32
  }
  func.func @transform_1(%arg0: i32, %arg1: memref<70xi32, #tpu.memory_space<smem>>) -> (i32, i32, i32) {
    %get3A = arith.index_cast %arg0 : i32 to index
    %get3A_0 = memref.load %arg1[%get3A] : memref<70xi32, #tpu.memory_space<smem>>
    %max3A = arith.constant 0 : i32
    %max3A_1 = arith.maxsi %get3A_0, %max3A : i32
    %c0_i32 = arith.constant 0 : i32
    %c0_i32_2 = arith.constant 0 : i32
    %c0_i32_3 = arith.constant 0 : i32
    return %max3A_1, %c0_i32, %c0_i32_2 : i32, i32, i32
  }
  func.func @transform_2(%arg0: i32, %arg1: memref<70xi32, #tpu.memory_space<smem>>) -> (i32, i32, i32) {
    %get3A = arith.index_cast %arg0 : i32 to index
    %get3A_0 = memref.load %arg1[%get3A] : memref<70xi32, #tpu.memory_space<smem>>
    %max3A = arith.constant 0 : i32
    %max3A_1 = arith.maxsi %get3A_0, %max3A : i32
    %c0_i32 = arith.constant 0 : i32
    %c0_i32_2 = arith.constant 0 : i32
    %c0_i32_3 = arith.constant 0 : i32
    return %max3A_1, %c0_i32, %c0_i32_2 : i32, i32, i32
  }
  func.func @transform_3(%arg0: i32, %arg1: memref<70xi32, #tpu.memory_space<smem>>) -> (i32, i32, i32) {
    %get3A = arith.index_cast %arg0 : i32 to index
    %get3A_0 = memref.load %arg1[%get3A] : memref<70xi32, #tpu.memory_space<smem>>
    %max3A = arith.constant 0 : i32
    %max3A_1 = arith.maxsi %get3A_0, %max3A : i32
    %c0_i32 = arith.constant 0 : i32
    %c0_i32_2 = arith.constant 0 : i32
    %c0_i32_3 = arith.constant 0 : i32
    return %max3A_1, %c0_i32, %c0_i32_2 : i32, i32, i32
  }
  func.func @transform_4(%arg0: i32, %arg1: memref<70xi32, #tpu.memory_space<smem>>) -> (i32, i32) {
    %c0_i32 = arith.constant 0 : i32
    %c0_i32_0 = arith.constant 0 : i32
    return %arg0, %c0_i32 : i32, i32
  }
}

module attributes {stable_mosaic.version = 14 : i64} {
  func.func @_shared_single_kernel(%arg0: i32, %arg1: memref<256x1024xf32, #tpu.memory_space<vmem>>, %arg2: memref<256x1024xf32, #tpu.memory_space<vmem>>, %arg3: memref<1024x2048xbf16, #tpu.memory_space<vmem>>, %arg4: memref<1024x2048xbf16, #tpu.memory_space<vmem>>, %arg5: memref<2048x1024xbf16, #tpu.memory_space<vmem>>, %arg6: memref<256x1024xf32, #tpu.memory_space<vmem>>) attributes {dimension_semantics = [#tpu.dimension_semantics<parallel>], iteration_bounds = array<i64: 16>, scalar_prefetch = 0 : i64, scratch_operands = 0 : i64, tpu.core_type = #tpu.core_type<tc>, window_params = [{transform_indices = @transform_0, window_bounds = array<i64: 256, 1024>}, {transform_indices = @transform_1, window_bounds = array<i64: 256, 1024>}, {pipeline_mode = #tpu.pipeline_mode<synchronous>, transform_indices = @transform_2, window_bounds = array<i64: 1024, 2048>}, {pipeline_mode = #tpu.pipeline_mode<synchronous>, transform_indices = @transform_3, window_bounds = array<i64: 1024, 2048>}, {pipeline_mode = #tpu.pipeline_mode<synchronous>, transform_indices = @transform_4, window_bounds = array<i64: 2048, 1024>}, {transform_indices = @transform_5, window_bounds = array<i64: 256, 1024>}]} {
    %get3A = arith.constant 0 : index
    %get3A_0 = arith.constant 0 : index
    %get3A_1 = vector.load %arg1[%get3A, %get3A_0] : memref<256x1024xf32, #tpu.memory_space<vmem>>, vector<256x1024xf32>
    %convert_element_type3A = arith.truncf %get3A_1 : vector<256x1024xf32> to vector<256x1024xbf16>
    %get3A_2 = arith.constant 0 : index
    %get3A_3 = arith.constant 0 : index
    %get3A_4 = vector.load %arg3[%get3A_2, %get3A_3] : memref<1024x2048xbf16, #tpu.memory_space<vmem>>, vector<1024x2048xbf16>
    %dot_general3A = arith.constant dense<0.000000e+00> : vector<256x2048xf32>
    %dot_general3A_5 = tpu.matmul %convert_element_type3A, %get3A_4, %dot_general3A {dimension_numbers = #tpu.dot_dimension_numbers<[1], [0], [0], [1], [0, 0, 1, 1], [], []>, transpose_lhs_hint = false} : vector<256x1024xbf16>, vector<1024x2048xbf16>, vector<256x2048xf32> -> vector<256x2048xf32>
    %get3A_6 = arith.constant 0 : index
    %get3A_7 = arith.constant 0 : index
    %get3A_8 = vector.load %arg4[%get3A_6, %get3A_7] : memref<1024x2048xbf16, #tpu.memory_space<vmem>>, vector<1024x2048xbf16>
    %dot_general3A_9 = arith.constant dense<0.000000e+00> : vector<256x2048xf32>
    %dot_general3A_10 = tpu.matmul %convert_element_type3A, %get3A_8, %dot_general3A_9 {dimension_numbers = #tpu.dot_dimension_numbers<[1], [0], [0], [1], [0, 0, 1, 1], [], []>, transpose_lhs_hint = false} : vector<256x1024xbf16>, vector<1024x2048xbf16>, vector<256x2048xf32> -> vector<256x2048xf32>
    %logistic3A = arith.negf %dot_general3A_5 : vector<256x2048xf32>
    %logistic3A_11 = math.exp %logistic3A : vector<256x2048xf32>
    %logistic3A_12 = arith.constant 1.000000e+00 : f32
    %logistic3A_13 = vector.broadcast %logistic3A_12 : f32 to vector<256x2048xf32>
    %logistic3A_14 = arith.addf %logistic3A_13, %logistic3A_11 : vector<256x2048xf32>
    %logistic3A_15 = arith.divf %logistic3A_13, %logistic3A_14 : vector<256x2048xf32>
    %mul3A = arith.mulf %dot_general3A_5, %logistic3A_15 : vector<256x2048xf32>
    %mul3A_16 = arith.mulf %mul3A, %dot_general3A_10 : vector<256x2048xf32>
    %convert_element_type3A_17 = arith.truncf %mul3A_16 : vector<256x2048xf32> to vector<256x2048xbf16>
    %get3A_18 = arith.constant 0 : index
    %get3A_19 = arith.constant 0 : index
    %get3A_20 = vector.load %arg2[%get3A_18, %get3A_19] : memref<256x1024xf32, #tpu.memory_space<vmem>>, vector<256x1024xf32>
    %get3A_21 = arith.constant 0 : index
    %get3A_22 = arith.constant 0 : index
    %get3A_23 = vector.load %arg5[%get3A_21, %get3A_22] : memref<2048x1024xbf16, #tpu.memory_space<vmem>>, vector<2048x1024xbf16>
    %dot_general3A_24 = arith.constant dense<0.000000e+00> : vector<256x1024xf32>
    %dot_general3A_25 = tpu.matmul %convert_element_type3A_17, %get3A_23, %dot_general3A_24 {dimension_numbers = #tpu.dot_dimension_numbers<[1], [0], [0], [1], [0, 0, 1, 1], [], []>, transpose_lhs_hint = false} : vector<256x2048xbf16>, vector<2048x1024xbf16>, vector<256x1024xf32> -> vector<256x1024xf32>
    %mul3A_26 = arith.constant 5.000000e-01 : f32
    %mul3A_27 = vector.broadcast %mul3A_26 : f32 to vector<256x1024xf32>
    %mul3A_28 = arith.mulf %dot_general3A_25, %mul3A_27 : vector<256x1024xf32>
    %add3A = arith.addf %get3A_20, %mul3A_28 : vector<256x1024xf32>
    %swap3A = arith.constant 0 : index
    %swap3A_29 = arith.constant 0 : index
    %swap3A_30 = vector.load %arg6[%swap3A, %swap3A_29] : memref<256x1024xf32, #tpu.memory_space<vmem>>, vector<256x1024xf32>
    tpu.vector_store %arg6[%swap3A, %swap3A_29], %add3A {strides = array<i32>} : memref<256x1024xf32, #tpu.memory_space<vmem>>, vector<256x1024xf32>,
    return
  }
  func.func @transform_0(%arg0: i32) -> (i32, i32) {
    %c0_i32 = arith.constant 0 : i32
    %c0_i32_0 = arith.constant 0 : i32
    return %arg0, %c0_i32 : i32, i32
  }
  func.func @transform_1(%arg0: i32) -> (i32, i32) {
    %c0_i32 = arith.constant 0 : i32
    %c0_i32_0 = arith.constant 0 : i32
    return %arg0, %c0_i32 : i32, i32
  }
  func.func @transform_2(%arg0: i32) -> (i32, i32) {
    %c0_i32 = arith.constant 0 : i32
    %c0_i32_0 = arith.constant 0 : i32
    %c0_i32_1 = arith.constant 0 : i32
    return %c0_i32, %c0_i32_0 : i32, i32
  }
  func.func @transform_3(%arg0: i32) -> (i32, i32) {
    %c0_i32 = arith.constant 0 : i32
    %c0_i32_0 = arith.constant 0 : i32
    %c0_i32_1 = arith.constant 0 : i32
    return %c0_i32, %c0_i32_0 : i32, i32
  }
  func.func @transform_4(%arg0: i32) -> (i32, i32) {
    %c0_i32 = arith.constant 0 : i32
    %c0_i32_0 = arith.constant 0 : i32
    %c0_i32_1 = arith.constant 0 : i32
    return %c0_i32, %c0_i32_0 : i32, i32
  }
  func.func @transform_5(%arg0: i32) -> (i32, i32) {
    %c0_i32 = arith.constant 0 : i32
    %c0_i32_0 = arith.constant 0 : i32
    return %arg0, %c0_i32 : i32, i32
  }
}

module attributes {stable_mosaic.version = 14 : i64} {
  func.func @_combine_kernel(%arg0: i32, %arg1: memref<256x1024xf32, #tpu.memory_space<vmem>>, %arg2: memref<256x1024xf32, #tpu.memory_space<vmem>>, %arg3: memref<256x1024xf32, #tpu.memory_space<vmem>>, %arg4: memref<1x256xf32, #tpu.memory_space<vmem>>, %arg5: memref<1x256xf32, #tpu.memory_space<vmem>>, %arg6: memref<256x1024xf32, #tpu.memory_space<vmem>>) attributes {dimension_semantics = [#tpu.dimension_semantics<parallel>], iteration_bounds = array<i64: 16>, scalar_prefetch = 0 : i64, scratch_operands = 0 : i64, tpu.core_type = #tpu.core_type<tc>, window_params = [{transform_indices = @transform_0, window_bounds = array<i64: 256, 1024>}, {transform_indices = @transform_1, window_bounds = array<i64: 256, 1024>}, {transform_indices = @transform_2, window_bounds = array<i64: 256, 1024>}, {transform_indices = @transform_3, window_bounds = array<i64: 1, 256>}, {transform_indices = @transform_4, window_bounds = array<i64: 1, 256>}, {transform_indices = @transform_5, window_bounds = array<i64: 256, 1024>}]} {
    %get3A = arith.constant 0 : index
    %get3A_0 = arith.constant 0 : index
    %get3A_1 = vector.load %arg4[%get3A, %get3A_0] : memref<1x256xf32, #tpu.memory_space<vmem>>, vector<1x256xf32>
    %transpose3A = tpu.transpose %get3A_1, [1, 0] : vector<1x256xf32> -> vector<256x1xf32>
    %get3A_2 = arith.constant 0 : index
    %get3A_3 = arith.constant 0 : index
    %get3A_4 = vector.load %arg5[%get3A_2, %get3A_3] : memref<1x256xf32, #tpu.memory_space<vmem>>, vector<1x256xf32>
    %transpose3A_5 = tpu.transpose %get3A_4, [1, 0] : vector<1x256xf32> -> vector<256x1xf32>
    %get3A_6 = arith.constant 0 : index
    %get3A_7 = arith.constant 0 : index
    %get3A_8 = vector.load %arg1[%get3A_6, %get3A_7] : memref<256x1024xf32, #tpu.memory_space<vmem>>, vector<256x1024xf32>
    %get3A_9 = arith.constant 0 : index
    %get3A_10 = arith.constant 0 : index
    %get3A_11 = vector.load %arg2[%get3A_9, %get3A_10] : memref<256x1024xf32, #tpu.memory_space<vmem>>, vector<256x1024xf32>
    %mul3A = vector.broadcast %transpose3A : vector<256x1xf32> to vector<256x1024xf32>
    %mul3A_12 = arith.mulf %mul3A, %get3A_11 : vector<256x1024xf32>
    %add3A = arith.addf %get3A_8, %mul3A_12 : vector<256x1024xf32>
    %get3A_13 = arith.constant 0 : index
    %get3A_14 = arith.constant 0 : index
    %get3A_15 = vector.load %arg3[%get3A_13, %get3A_14] : memref<256x1024xf32, #tpu.memory_space<vmem>>, vector<256x1024xf32>
    %mul3A_16 = vector.broadcast %transpose3A_5 : vector<256x1xf32> to vector<256x1024xf32>
    %mul3A_17 = arith.mulf %mul3A_16, %get3A_15 : vector<256x1024xf32>
    %add3A_18 = arith.addf %add3A, %mul3A_17 : vector<256x1024xf32>
    %swap3A = arith.constant 0 : index
    %swap3A_19 = arith.constant 0 : index
    %swap3A_20 = vector.load %arg6[%swap3A, %swap3A_19] : memref<256x1024xf32, #tpu.memory_space<vmem>>, vector<256x1024xf32>
    tpu.vector_store %arg6[%swap3A, %swap3A_19], %add3A_18 {strides = array<i32>} : memref<256x1024xf32, #tpu.memory_space<vmem>>, vector<256x1024xf32>,
    return
  }
  func.func @transform_0(%arg0: i32) -> (i32, i32) {
    %c0_i32 = arith.constant 0 : i32
    %c0_i32_0 = arith.constant 0 : i32
    return %arg0, %c0_i32 : i32, i32
  }
  func.func @transform_1(%arg0: i32) -> (i32, i32) {
    %c0_i32 = arith.constant 0 : i32
    %c0_i32_0 = arith.constant 0 : i32
    return %arg0, %c0_i32 : i32, i32
  }
  func.func @transform_2(%arg0: i32) -> (i32, i32) {
    %c0_i32 = arith.constant 0 : i32
    %c0_i32_0 = arith.constant 0 : i32
    return %arg0, %c0_i32 : i32, i32
  }
  func.func @transform_3(%arg0: i32) -> (i32, i32) {
    %c0_i32 = arith.constant 0 : i32
    %c0_i32_0 = arith.constant 0 : i32
    return %c0_i32, %arg0 : i32, i32
  }
  func.func @transform_4(%arg0: i32) -> (i32, i32) {
    %c0_i32 = arith.constant 0 : i32
    %c0_i32_0 = arith.constant 0 : i32
    return %c0_i32, %arg0 : i32, i32
  }
  func.func @transform_5(%arg0: i32) -> (i32, i32) {
    %c0_i32 = arith.constant 0 : i32
    %c0_i32_0 = arith.constant 0 : i32
    return %arg0, %c0_i32 : i32, i32
  }
}

</mosaic_0001>

<sc_bundles>
// kernel: kernel.13.cloned.1.call-start
scs
__scs_entry_jumppad:
0x0: {  	(pc) =	sbr.rel $0x88, $3  }
0x1: {  	(tag) =	ssettag $0x0;
	lr =	simm.s32 $0x1  }
0x2: {  	[smem:$0x3F90] =	sst lr;
	_ =	strace $0xD0000000  }
0x3: {  	_ = 	snop  }
0x4: {  	_ = 	snop  }
0x5: {  	_ = 	snop  }
0x6: {  	_ = 	snop  }
0x7: {  	_ = 	snop  }
__scs_overlays_trampoline_lowered:
0x8: {  	[smem:$0x3F9F] =	sst s0  }
0x9: {  	[smem:$0x3FA0] =	sst s1  }
0xa: {  	[smem:$0x3FA1] =	sst s2  }
0xb: {  	[smem:$0x3FA2] =	sst s3  }
0xc: {  	[smem:$0x3FA3] =	sst s4  }
0xd: {  	[smem:$0x3FA4] =	sst s5  }
0xe: {  	[smem:$0x3FA5] =	sst s6  }
0xf: {  	[smem:$0x3FA6] =	sst s7  }
0x10: {  	[smem:$0x3FA7] =	sst s8  }
0x11: {  	[smem:$0x3FA8] =	sst s9;
	s0 =	simm.s32 @!p0 $0x0  }
0x12: {  	s1 =	sld [smem:$0x3F8E];
	s0 =	simm.s32 @p0 $0x1  }
0x13: {  	[smem:$0x3FA9] =	sst s0;
	s0 =	simm.s32 @!p1 $0x0  }
0x14: {  	s2 =	sld [smem:$0x3F8D];
	s0 =	simm.s32 @p1 $0x1  }
0x15: {  	[smem:$0x3FAA] =	sst s0;
	s0 =	simm.s32 @!p2 $0x0  }
0x16: {  	s3 =	sld [smem:$0x3FDB];
	s0 =	simm.s32 @p2 $0x1  }
0x17: {  	s4 =	simm.s32 $0x1BF5;
	[smem:$0x3FAC] =	sst s0  }
0x18: {  	s0 =	sld [smem:$0x3F8F];
	_ =	swait.ge [sflag:s4], $0x0  }
0x19: {  	s7 =	sld [smem:$0x3F90]  }
0x1a: {  	s8 =	sadd.s32 $0xFFFFE003, lr  }
0x1b: {  	s9 =	sadd.s32 $0xFFFFFEF7, lr;
	s5 =	simm.s32 $0xFFFFFFFF;
	p2 =	slt.u32 s8, $0xFFFFF086  }
0x1c: {  	p1 =	slt.u32 s9, $0xF7A;
	s5 =	simm.s32 @!p2 $0x0  }
0x1d: {  	s5 =	simm.s32 @p1 $0x1;
	p0 =	seq.s32 s7, s2  }
0x1e: {  	s7 =	smul.u32 @!p0 $0xF7A, s2;
	p2 =	seq.s32 @!p0 s5, $0x0  }
0x1f: {  	s9 =	smul.u32 $0xF7A, s1;
	s8 =	simm.s32 @!p0 $0x1BF5;
	p2 =	por !p2, p0  }
0x20: {  	[sflag:s8] =	ssyncset.s32 @!p0 $0xFFFFF086;
	s6 =	sadd.s32 @!p0 s3, s7;
	s7 =	simm.s32 @!p0 $0x108  }
0x21: {  	s3 =	sadd.s32 s3, s9;
	s6 =	sadd.s32 @!p0 $0x88, s6;
	s7 =	simm.s32 @p2 $0x1082  }
0x22: {  	[simem:s7], [sflag:s8] =	dma.local @!p0 [hbm:s6], $0xF7A  }
0x23: {  	s9 =	sor.u32 $0xD0000000, s2;
	s6 =	simm.s32 $0x108;
	_ =	swait.ge @!p0 [sflag:s8], $0x0  }
0x24: {  	s3 =	sadd.s32 $0x88, s3;
	s6 =	simm.s32 @!p1 $0x1082;
	[sflag:s4] =	ssyncset.s32 $0xFFFFF086  }
0x25: {  	[simem:s6], [sflag:s4] =	dma.local [hbm:s3], $0xF7A  }
0x26: {  	[smem:$0x3F90] =	sst s1;
	(tag) =	ssettag s2;
	_ =	strace s9  }
0x27: {  	s1 =	sld [smem:$0x3FA0]  }
0x28: {  	s2 =	sld [smem:$0x3FA1]  }
0x29: {  	s4 =	sld [smem:$0x3FA3]  }
0x2a: {  	p0 =	seq.s32 s5, $0x0;
	s5 =	sld [smem:$0x3FA4]  }
0x2b: {  	s6 =	sld [smem:$0x3FA5]  }
0x2c: {  	s7 =	sld [smem:$0x3FA6]  }
0x2d: {  	s3 =	simm.s32 $0x108;
	s8 =	sld [smem:$0x3FA7]  }
0x2e: {  	s3 =	simm.s32 @!p0 $0x1082;
	s9 =	sld [smem:$0x3FA8]  }
0x2f: {  	lr =	sadd.s32 s0, s3;
	s0 =	sld [smem:$0x3F9F]  }
0x30: {  	s3 =	sld [smem:$0x3FA2]  }
0x31: {  	[smem:$0x3FAB] =	sst s10  }
0x32: {  	s10 =	sld [smem:$0x3FA9];
	_ =	sdelay $0x3  }
0x33: {  	p0 =	seq.s32 s10, $0x1;
	s10 =	sld [smem:$0x3FAB];
	_ =	sdelay $0x3  }
0x34: {  	[smem:$0x3FAB] =	sst s10  }
0x35: {  	s10 =	sld [smem:$0x3FAA];
	_ =	sdelay $0x3  }
0x36: {  	p1 =	seq.s32 s10, $0x1;
	s10 =	sld [smem:$0x3FAB];
	_ =	sdelay $0x3  }
0x37: {  	[smem:$0x3FAB] =	sst s10  }
0x38: {  	s10 =	sld [smem:$0x3FAC]  }
0x39: {  	_ = 	snop;
	(pc) =	sbr.ind lr, $3  }
0x3a: {  	_ = 	snop  }
0x3b: {  	_ = 	snop  }
0x3c: {  	p2 =	seq.s32 s10, $0x1;
	s10 =	sld [smem:$0x3FAB]  }
0x3d: {  	_ =	shalt  }
0x3e: {  	_ =	shalt  }
0x3f: {  	_ =	shalt  }
0x40: {  	_ =	shalt  }
0x41: {  	_ =	shalt  }
0x42: {  	_ =	shalt  }
0x43: {  	_ =	shalt  }
0x44: {  	_ =	shalt  }
0x45: {  	_ =	shalt  }
0x46: {  	_ =	shalt  }
0x47: {  	_ =	shalt  }
0x48: {  	_ =	shalt  }
0x49: {  	_ =	shalt  }
0x4a: {  	_ =	shalt  }
0x4b: {  	_ =	shalt  }
0x4c: {  	_ =	shalt  }
0x4d: {  	_ =	shalt  }
0x4e: {  	_ =	shalt  }
0x4f: {  	_ =	shalt  }
0x50: {  	_ =	shalt  }
0x51: {  	_ =	shalt  }
0x52: {  	_ =	shalt  }
0x53: {  	_ =	shalt  }
0x54: {  	_ =	shalt  }
0x55: {  	_ =	shalt  }
0x56: {  	_ =	shalt  }
0x57: {  	_ =	shalt  }
0x58: {  	_ =	shalt  }
0x59: {  	_ =	shalt  }
0x5a: {  	_ =	shalt  }
0x5b: {  	_ =	shalt  }
0x5c: {  	_ =	shalt  }
0x5d: {  	_ =	shalt  }
0x5e: {  	_ =	shalt  }
0x5f: {  	_ =	shalt  }
0x60: {  	_ =	shalt  }
0x61: {  	_ =	shalt  }
0x62: {  	_ =	shalt  }
0x63: {  	_ =	shalt  }
0x64: {  	_ =	shalt  }
0x65: {  	_ =	shalt  }
0x66: {  	_ =	shalt  }
0x67: {  	_ =	shalt  }
0x68: {  	_ =	shalt  }
0x69: {  	_ =	shalt  }
0x6a: {  	_ =	shalt  }
0x6b: {  	_ =	shalt  }
0x6c: {  	_ =	shalt  }
0x6d: {  	_ =	shalt  }
0x6e: {  	_ =	shalt  }
0x6f: {  	_ =	shalt  }
0x70: {  	_ =	shalt  }
0x71: {  	_ =	shalt  }
0x72: {  	_ =	shalt  }
0x73: {  	_ =	shalt  }
0x74: {  	_ =	shalt  }
0x75: {  	_ =	shalt  }
0x76: {  	_ =	shalt  }
0x77: {  	_ =	shalt  }
0x78: {  	_ =	shalt  }
0x79: {  	_ =	shalt  }
0x7a: {  	_ =	shalt  }
0x7b: {  	_ =	shalt  }
0x7c: {  	_ =	shalt  }
0x7d: {  	_ =	shalt  }
0x7e: {  	_ =	shalt  }
0x7f: {  	_ =	shalt  }
0x80: {  	_ =	shalt  }
0x81: {  	_ =	shalt  }
0x82: {  	_ =	shalt  }
0x83: {  	_ =	shalt  }
0x84: {  	_ =	shalt  }
0x85: {  	_ =	shalt  }
0x86: {  	_ =	shalt  }
0x87: {  	_ =	shalt  }
.Lfunc_end0:
.L_simem_size_0:
called_computation_lowered:
.L_overlay_start_0:
0x88: {  	s2 =	sld [smem:$0x3FD9]  }
0x89: {  	s3 =	sld [smem:$0x3FFE];
	_ =	sdelay $0x1  }
0x8a: {  	s1 =	srdreg.scid  }
0x8b: {  	s0 =	sand.u32 $0x1, s1  }
0x8c: {  	s16 =	sshll.u32 s0, $0xA;
	s2 =	sadd.s32 s3, s2  }
0x8d: {  	s2 =	sadd.s32 s2, s16  }
0x8e: {  	[smem:$0x3FB7] =	sst s2  }
0x8f: {  	_ = 	snop  }
0x90: {  	(tm) =	ssettm $0x1  }
0x91: {  	s17 =	sld [smem:$0x3FFB];
	_ =	sdelay $0x3  }
0x92: {  	_ =	strace s17  }
0x93: {  	s2 =	sld [smem:$0x3FFC];
	_ =	sdelay $0x3  }
0x94: {  	_ =	strace s2  }
0x95: {  	s2 =	sld [smem:$0x3FFD];
	_ =	sdelay $0x3  }
0x96: {  	_ =	strace s2  }
0x97: {  	_ =	strace $0x8FFFFFFF  }
0x98: {  	s18 =	sld [smem:$0x3FDB];
	_ =	sdelay $0x1  }
0x99: {  	s19 =	simm.s32 $_scs_section_size  }
0x9a: {  	s4 =	simm.s32 $_size__tile_overlayer_lowered;
	s5 =	simm.s32 $_tile_overlayer_lowered  }
0x9b: {  	s22 =	simm.s32 $0x1BFF;
	s21 =	sshll.u32 s5, $0x1;
	s2 =	sadd.s32 s19, s18  }
0x9c: {  	s6 =	simm.s32 $0x0;
	s20 =	sshll.u32 s4, $0x1;
	s4 =	sadd.s32 s21, s2  }
0x9d: {  	[timem:s6], [sflag:s22] =	dma.local [hbm:s4], s20  }
0x9e: {  	_ =	swait.ge [sflag:s22], s20  }
0x9f: {  	s3 =	ssub.s32 $0x0, s20;
	[sflag:s22] =	ssyncset.done $0x0  }
0xa0: {  	[sflag:s22] =	ssyncadd.s32 s3;
	_ =	sdelay $0x1  }
0xa1: {  	s23 =	simm.s32 $0x1B8B  }
0xa2: {  	_ =	swait.ge [sflag:s23], $0x1  }
0xa3: {  	[sflag:s23] =	ssyncset.done $0x0  }
0xa4: {  	s25 =	simm.s32 $0x1B8E;
	s24 =	sld [smem:$0x3FFE];
	[sflag:s23] =	ssyncadd.s32 $0xFFFFFFFF  }
0xa5: {  	s26 =	simm.s32 $execute0_lowered;
	[smem:$0x3FD2] =	sst s25  }
0xa6: {  	s4 =	sshll.u32 s26, $0x1;
	_ =	strace $0x80000046;
	[dreg:$0x1] =	wrdreg $0xFFFFFFFF  }
0xa7: {  	s28 =	simm.s32 $_size_execute0_lowered;
	s2 =	sadd.s32 s2, s4;
	[dreg:$0x0] =	wrdreg $0x0  }
0xa8: {  	s4 =	sshll.u32 s28, $0x1;
	[dreg:$0x2] =	wrdreg s2  }
0xa9: {  	[dreg:$0x3] =	wrdreg s4  }
0xaa: {  	[dreg:$0x4] =	wrdreg $0xC0  }
0xab: {  	_ =	task [dreg:s6], $0x5FFFF  }
0xac: {  	[dreg:$0x1] =	wrdreg $0xFFFFFFFF  }
0xad: {  	[dreg:$0x0] =	wrdreg $0x60  }
0xae: {  	[dreg:$0x2] =	wrdreg s24  }
0xaf: {  	[dreg:$0x3] =	wrdreg $0x9  }
0xb0: {  	_ =	task.clear_ibuf [dreg:s6], $0x4FFFF;
	_ =	strace $0x90000046  }
0xb1: {  	s29 =	simm.s32 $0x9;
	_ =	strace $0x80000050  }
0xb2: {  	_ =	swait.ge [sflag:s29], $0x1  }
0xb3: {  	[sflag:s29] =	ssyncadd.s32 $0xFFFFFFFF  }
0xb4: {  	_ =	strace $0x90000050  }
0xb5: {  	_ =	sfence  }
0xb6: {  	s30 =	sld [smem:$0x0];
	_ =	sdelay $0x2  }
0xb7: {  	s31 =	sshll.u32 s1, $0xD;
	s1 =	sshrl.u32 s1, $0x2  }
0xb8: {  	s3 =	sand.u32 $0x4000, s31;
	s1 =	sadd.s32 s1, s30  }
0xb9: {  	s0 =	sor.u32 s3, s0;
	s1 =	sshll.u32 s1, $0x11  }
0xba: {  	s0 =	sor.u32 s1, s0  }
0xbb: {  	s0 =	sadd.s32 $0x8F2B, s0  }
0xbc: {  	[sflag:s0] =	ssyncadd.remote.s32 $0x1  }
0xbd: {  	_ =	sfence.sel $0xFFFF  }
0xbe: {  	[dreg:$0x0] =	wrdreg $0xFFFFFFFF;
	(pc) =	sbr.abs _section_cstart, $3  }
0xbf: {  	[dreg:$0x1] =	wrdreg $0xFFFFFFFF  }
0xc0: {  	_ =	task.clear_ibuf [dreg:s6], $0x2FFFF;
	_ =	strace $0x9FFFFFFF  }
0xc1: {  	(tm) =	ssettm $0x7FFFFFFF  }
tec
execute0_lowered:
.L_overlay_start_1:
0x0: {  	(tag) =	ssettag $0x1  }
0x1: {  	s0 =	rddreg [dreg:$0x0];
	s1 =	simm.s32 $0x0;
	s2 =	srdreg.scid  }
0x2: {  	s7 =	stileid.u32;
	[smem:$0x7FF] =	sst s1  }
0x3: {  	s5 =	sadd.s32 $0x96200, s0;
	s2 =	sand.u32 $0x1, s2;
	s8 =	sadd.s32 $0x6800, s0  }
0x4: {  	s13 =	sadd.s32 $0x7000, s0;
	s3 =	ssub.s32 $0x2, s2;
	s2 =	sshll.u32 s2, $0x4  }
0x5: {  	_ =	strace $0x80000047;
	[dreg:$0x3] =	wrdreg s5;
	s2 =	sor.u32 s7, s2  }
0x6: {  	[dreg:$0x8] =	wrdreg s8;
	s28 =	sshll.u32 s2, $0x2;
	s29 =	sshll.u32 s2, $0xE  }
0x7: {  	s2 =	sshll.u32 s2, $0x6;
	[dreg:$0x2] =	wrdreg s28;
	s30 =	sadd.s32 s5, s29  }
0x8: {  	s4 =	sshrl.u32 s3, $0x1;
	s31 =	sadd.s32 s8, s2;
	[dreg:$0x4] =	wrdreg s30  }
0x9: {  	v2 =	vlaneseq.u32;
	s26 =	ssub.s32 s3, s4;
	s2 =	sadd.s32 s13, s2;
	[dreg:$0x5] =	wrdreg s31  }
0xa: {  	vm0 =	vmmov $0xffff;
	s6 =	sadd.s32 $0x116200, s0;
	v1 =	vshrl.u32 v2, $0x3;
	s0 =	smax.u32 s26, $0x1;
	[dreg:$0x6] =	wrdreg s2  }
0xb: {  	s25 =	simm.s32 $0x7;
	v0 =	vand.u32 $0x7, v2;
	v2 =	vor.u32 $0x8, v2;
	v1 =	vmul.u32 $0x8, v1;
	[dreg:$0x7] =	wrdreg s0;
	s2 =	simm.s32 $0x0  }
.LBB2_1:
0xc: {  	[dreg:$0x9] =	wrdreg s2;
	s29 =	simm.s32 $0x10000;
	s31 =	simm.s32 $0x10100  }
0xd: {  	s15 =	simm.s32 $0x4;
	s16 =	simm.s32 $0x0;
	_ =	strace $0x80000048  }
0xe: {  	s17 =	simm.s32 $0x0;
	s24 =	simm.s32 $0x1;
	s0 =	rddreg [dreg:$0x4]  }
0xf: {  	[tilespmem:s1], [sflag:$0x1] =	stream.linear.gather [hbm4b:s0+s1], $0x8000, $0x200038;
	[tilespmem:$0x10200] =	vst v63  }
0x10: {  	s23 =	simm.s32 $0x1;
	s18 =	simm.s32 $0x1;
	s28 =	rddreg [dreg:$0x5]  }
0x11: {  	[tilespmem:s29], [sflag:$0x3] =	stream.linear.gather [hbm4b:s28+s1], $0x80, $0x200038;
	[tilespmem:$0x10200] =	vst v63  }
0x12: {  	s19 =	simm.s32 $0x0;
	s20 =	simm.s32 $0x0;
	s30 =	rddreg [dreg:$0x6]  }
0x13: {  	[tilespmem:s31], [sflag:$0x5] =	stream.linear.gather [hbm4b:s30+s1], $0x80, $0x200038;
	[tilespmem:$0x10200] =	vst v63  }
0x14: {  	s21 =	smov.u32 s24;
	s22 =	smov.u32 s23;
	_ =	strace $0x90000048  }
.LBB2_2:
0x15: {  	s2 =	smov.u32 s16;
	s16 =	sadd.s32 $0x1, s16  }
0x16: {  	p0 =	seq.s32 s16, $0x4  }
0x17: {  	s16 =	simm.s32 @p0 $0x0;
	p0 =	seq.s32 s15, $0x1  }
0x18: {  	p1 =	seq.s32 @!p0 s2, s16  }
0x19: {  	s0 =	rddreg [dreg:$0x2];
	p2 =	por p1, p0  }
0x1a: {  	[dreg:$0xa] =	wrdreg s2;
	s0 =	sadd.s32 @!p2 s0, s16  }
0x1b: {  	s2 =	sand.u32 @!p2 $0x1, s23;
	_ =	strace @!p2 $0x80000049;
	s3 =	sshll.u32 @!p2 s0, $0xC  }
0x1c: {  	s4 =	sshll.u32 @!p2 s2, $0xF;
	s2 =	sadd.s32 @!p2 $0x1, s2;
	s3 =	sand.u32 @!p2 $0x1FFFF000, s3  }
0x1d: {  	s0 =	sshll.u32 @!p2 s0, $0x4;
	s3 =	sadd.s32 @!p2 s5, s3;
	s5 =	simm.s32 @!p2 $0x0  }
0x1e: {  	[tilespmem:s4], [sflag:s2] =	stream.linear.gather @!p2 [hbm4b:s3+s5], $0x8000, $0x200038;
	[tilespmem:$0x10200] =	vst v63  }
0x1f: {  	s0 =	sand.u32 @!p2 $0x1FFFFFF0, s0;
	s2 =	sand.u32 @!p2 $0x1, s24  }
0x20: {  	s4 =	sadd.s32 @!p2 s8, s0;
	_ =	strace @!p2 $0x90000049;
	s3 =	sshll.u32 @!p2 s2, $0x7  }
0x21: {  	s2 =	sadd.s32 @!p2 $0x3, s2;
	_ =	strace @!p2 $0x8000004A;
	s3 =	sor.u32 @!p2 $0x10000, s3  }
0x22: {  	[tilespmem:s3], [sflag:s2] =	stream.linear.gather @!p2 [hbm4b:s4+s5], $0x80, $0x200038;
	[tilespmem:$0x10200] =	vst v63  }
0x23: {  	s2 =	sand.u32 @!p2 $0x1, s18  }
0x24: {  	s0 =	sadd.s32 @!p2 s13, s0;
	_ =	strace @!p2 $0x9000004A;
	s3 =	sshll.u32 @!p2 s2, $0x7  }
0x25: {  	s2 =	sadd.s32 @!p2 $0x5, s2;
	_ =	strace @!p2 $0x8000004B;
	s3 =	sor.u32 @!p2 $0x10100, s3  }
0x26: {  	[tilespmem:s3], [sflag:s2] =	stream.linear.gather @!p2 [hbm4b:s0+s5], $0x80, $0x200038;
	[tilespmem:$0x10200] =	vst v63  }
0x27: {  	s31 =	sand.u32 $0x1, s20;
	_ =	strace @!p2 $0x9000004B  }
0x28: {  	s0 =	sadd.s32 $0x1, s31;
	_ =	strace $0x8000004C  }
0x29: {  	_ =	swait.ge [sflag:s0], $0x8000  }
0x2a: {  	[sflag:s0] =	ssyncset.done $0x0  }
0x2b: {  	[sflag:s0] =	ssyncadd.s32 $0xFFFF8000  }
0x2c: {  	s2 =	sand.u32 $0x1, s19;
	_ =	strace $0x9000004C  }
0x2d: {  	s0 =	sadd.s32 $0x3, s2;
	_ =	strace $0x8000004D  }
0x2e: {  	_ =	swait.ge [sflag:s0], $0x80  }
0x2f: {  	[sflag:s0] =	ssyncset.done $0x0  }
0x30: {  	[sflag:s0] =	ssyncadd.s32 $0xFFFFFF80  }
0x31: {  	s3 =	sand.u32 $0x1, s17;
	_ =	strace $0x9000004D  }
0x32: {  	s0 =	sadd.s32 $0x5, s3;
	_ =	strace $0x8000004E  }
0x33: {  	_ =	swait.ge [sflag:s0], $0x80  }
0x34: {  	[sflag:s0] =	ssyncset.done $0x0  }
0x35: {  	[sflag:s0] =	ssyncadd.s32 $0xFFFFFF80  }
0x36: {  	s4 =	sshll.u32 s19, $0x7;
	_ =	strace $0x9000004E  }
0x37: {  	s5 =	sand.u32 $0x80, s4;
	_ =	strace $0x8000004F  }
0x38: {  	v3 =	vld [tilespmem:s5+$0x10000];
	_ =	sdelay $0x4  }
0x39: {  	v4 =	vshll.u32 v3, $0x1  }
0x3a: {  	v3 =	vand.u32 $0x7, v3;
	v4 =	vand.u32 $0xFFFFFFF0, v4  }
0x3b: {  	v3 =	vor.u32 v3, v4  }
0x3c: {  	v4 =	vperm.xlane v3, v0;
	_ =	sdelay $0x1  }
0x3d: {  	v3 =	vperm.xlane v3, v2;
	v4 =	vadd.s32 v1, v4;
	_ =	sdelay $0x1  }
0x3e: {  	v3 =	vadd.s32 v1, v3  }
0x3f: {  	s29 =	sshll.u32 s20, $0xF  }
0x40: {  	s26 =	sand.u32 $0x8000, s29  }
0x41: {  	[hbm4b:s6+s1] =	stream.indirect_vreg.scatter [tilespmem:s26], [sflag:$0x7], $0x80, v4, vm0, $0x2000b8;
	[tilespmem:$0x10200] =	vst v63  }
0x42: {  	s28 =	sor.u32 $0x800, s26  }
0x43: {  	[hbm4b:s6+s1] =	stream.indirect_vreg.scatter [tilespmem:s28], [sflag:$0x7], $0x80, v3, vm0, $0x2000b8;
	[tilespmem:$0x10200] =	vst v63  }
0x44: {  	v3 =	vld [tilespmem:s5+$0x10010];
	_ =	sdelay $0x4  }
0x45: {  	v49 =	vshll.u32 v3, $0x1  }
0x46: {  	v3 =	vand.u32 $0x7, v3;
	v4 =	vand.u32 $0xFFFFFFF0, v49  }
0x47: {  	v3 =	vor.u32 v3, v4  }
0x48: {  	v4 =	vperm.xlane v3, v0;
	_ =	sdelay $0x1  }
0x49: {  	v3 =	vperm.xlane v3, v2;
	v4 =	vadd.s32 v1, v4;
	_ =	sdelay $0x1  }
0x4a: {  	v3 =	vadd.s32 v1, v3;
	_ =	sdelay $0x1  }
0x4b: {  	s29 =	sor.u32 $0x1000, s26  }
0x4c: {  	[hbm4b:s6+s1] =	stream.indirect_vreg.scatter [tilespmem:s29], [sflag:$0x7], $0x80, v4, vm0, $0x2000b8;
	[tilespmem:$0x10200] =	vst v63  }
0x4d: {  	s30 =	sor.u32 $0x1800, s26  }
0x4e: {  	[hbm4b:s6+s1] =	stream.indirect_vreg.scatter [tilespmem:s30], [sflag:$0x7], $0x80, v3, vm0, $0x2000b8;
	[tilespmem:$0x10200] =	vst v63  }
0x4f: {  	v3 =	vld [tilespmem:s5+$0x10020];
	_ =	sdelay $0x4  }
0x50: {  	v50 =	vshll.u32 v3, $0x1  }
0x51: {  	v3 =	vand.u32 $0x7, v3;
	v4 =	vand.u32 $0xFFFFFFF0, v50  }
0x52: {  	v3 =	vor.u32 v3, v4  }
0x53: {  	v4 =	vperm.xlane v3, v0;
	_ =	sdelay $0x1  }
0x54: {  	v3 =	vperm.xlane v3, v2;
	v4 =	vadd.s32 v1, v4;
	_ =	sdelay $0x1  }
0x55: {  	v3 =	vadd.s32 v1, v3;
	_ =	sdelay $0x1  }
0x56: {  	s31 =	sor.u32 $0x2000, s26  }
0x57: {  	[hbm4b:s6+s1] =	stream.indirect_vreg.scatter [tilespmem:s31], [sflag:$0x7], $0x80, v4, vm0, $0x2000b8;
	[tilespmem:$0x10200] =	vst v63  }
0x58: {  	s0 =	sor.u32 $0x2800, s26  }
0x59: {  	[hbm4b:s6+s1] =	stream.indirect_vreg.scatter [tilespmem:s0], [sflag:$0x7], $0x80, v3, vm0, $0x2000b8;
	[tilespmem:$0x10200] =	vst v63  }
0x5a: {  	v3 =	vld [tilespmem:s5+$0x10030];
	_ =	sdelay $0x4  }
0x5b: {  	v51 =	vshll.u32 v3, $0x1  }
0x5c: {  	v3 =	vand.u32 $0x7, v3;
	v4 =	vand.u32 $0xFFFFFFF0, v51  }
0x5d: {  	v3 =	vor.u32 v3, v4  }
0x5e: {  	v4 =	vperm.xlane v3, v0;
	_ =	sdelay $0x1  }
0x5f: {  	v3 =	vperm.xlane v3, v2;
	v4 =	vadd.s32 v1, v4;
	_ =	sdelay $0x1  }
0x60: {  	v3 =	vadd.s32 v1, v3;
	_ =	sdelay $0x1  }
0x61: {  	s3 =	sor.u32 $0x3000, s26  }
0x62: {  	[hbm4b:s6+s1] =	stream.indirect_vreg.scatter [tilespmem:s3], [sflag:$0x7], $0x80, v4, vm0, $0x2000b8;
	[tilespmem:$0x10200] =	vst v63  }
0x63: {  	s11 =	sor.u32 $0x3800, s26  }
0x64: {  	[hbm4b:s6+s1] =	stream.indirect_vreg.scatter [tilespmem:s11], [sflag:$0x7], $0x80, v3, vm0, $0x2000b8;
	[tilespmem:$0x10200] =	vst v63  }
0x65: {  	v3 =	vld [tilespmem:s5+$0x10040];
	_ =	sdelay $0x4  }
0x66: {  	v52 =	vshll.u32 v3, $0x1  }
0x67: {  	v3 =	vand.u32 $0x7, v3;
	v4 =	vand.u32 $0xFFFFFFF0, v52  }
0x68: {  	v3 =	vor.u32 v3, v4  }
0x69: {  	v4 =	vperm.xlane v3, v0;
	_ =	sdelay $0x1  }
0x6a: {  	v3 =	vperm.xlane v3, v2;
	v4 =	vadd.s32 v1, v4;
	_ =	sdelay $0x1  }
0x6b: {  	v3 =	vadd.s32 v1, v3;
	_ =	sdelay $0x1  }
0x6c: {  	s12 =	sor.u32 $0x4000, s26  }
0x6d: {  	[hbm4b:s6+s1] =	stream.indirect_vreg.scatter [tilespmem:s12], [sflag:$0x7], $0x80, v4, vm0, $0x2000b8;
	[tilespmem:$0x10200] =	vst v63  }
0x6e: {  	s7 =	sor.u32 $0x4800, s26  }
0x6f: {  	[hbm4b:s6+s1] =	stream.indirect_vreg.scatter [tilespmem:s7], [sflag:$0x7], $0x80, v3, vm0, $0x2000b8;
	[tilespmem:$0x10200] =	vst v63  }
0x70: {  	v3 =	vld [tilespmem:s5+$0x10050];
	_ =	sdelay $0x4  }
0x71: {  	v53 =	vshll.u32 v3, $0x1  }
0x72: {  	v3 =	vand.u32 $0x7, v3;
	v4 =	vand.u32 $0xFFFFFFF0, v53  }
0x73: {  	v3 =	vor.u32 v3, v4  }
0x74: {  	v4 =	vperm.xlane v3, v0;
	_ =	sdelay $0x1  }
0x75: {  	v3 =	vperm.xlane v3, v2;
	v4 =	vadd.s32 v1, v4;
	_ =	sdelay $0x1  }
0x76: {  	v3 =	vadd.s32 v1, v3;
	_ =	sdelay $0x1  }
0x77: {  	s8 =	sor.u32 $0x5000, s26  }
0x78: {  	[hbm4b:s6+s1] =	stream.indirect_vreg.scatter [tilespmem:s8], [sflag:$0x7], $0x80, v4, vm0, $0x2000b8;
	[tilespmem:$0x10200] =	vst v63  }
0x79: {  	s9 =	sor.u32 $0x5800, s26  }
0x7a: {  	[hbm4b:s6+s1] =	stream.indirect_vreg.scatter [tilespmem:s9], [sflag:$0x7], $0x80, v3, vm0, $0x2000b8;
	[tilespmem:$0x10200] =	vst v63  }
0x7b: {  	v3 =	vld [tilespmem:s5+$0x10060];
	_ =	sdelay $0x4  }
0x7c: {  	v54 =	vshll.u32 v3, $0x1  }
0x7d: {  	v3 =	vand.u32 $0x7, v3;
	v4 =	vand.u32 $0xFFFFFFF0, v54  }
0x7e: {  	v3 =	vor.u32 v3, v4  }
0x7f: {  	v4 =	vperm.xlane v3, v0;
	_ =	sdelay $0x1  }
0x80: {  	v3 =	vperm.xlane v3, v2;
	v4 =	vadd.s32 v1, v4;
	_ =	sdelay $0x1  }
0x81: {  	v3 =	vadd.s32 v1, v3;
	_ =	sdelay $0x1  }
0x82: {  	s10 =	sor.u32 $0x6000, s26  }
0x83: {  	[hbm4b:s6+s1] =	stream.indirect_vreg.scatter [tilespmem:s10], [sflag:$0x7], $0x80, v4, vm0, $0x2000b8;
	[tilespmem:$0x10200] =	vst v63  }
0x84: {  	s14 =	sor.u32 $0x6800, s26  }
0x85: {  	[hbm4b:s6+s1] =	stream.indirect_vreg.scatter [tilespmem:s14], [sflag:$0x7], $0x80, v3, vm0, $0x2000b8;
	[tilespmem:$0x10200] =	vst v63  }
0x86: {  	v3 =	vld [tilespmem:s5+$0x10070];
	_ =	sdelay $0x4  }
0x87: {  	v55 =	vshll.u32 v3, $0x1  }
0x88: {  	v3 =	vand.u32 $0x7, v3;
	v4 =	vand.u32 $0xFFFFFFF0, v55  }
0x89: {  	v3 =	vor.u32 v3, v4  }
0x8a: {  	v4 =	vperm.xlane v3, v0;
	_ =	sdelay $0x1  }
0x8b: {  	v3 =	vperm.xlane v3, v2;
	v4 =	vadd.s32 v1, v4;
	_ =	sdelay $0x1  }
0x8c: {  	v3 =	vadd.s32 v1, v3;
	_ =	sdelay $0x1  }
0x8d: {  	s2 =	sor.u32 $0x7000, s26  }
0x8e: {  	[hbm4b:s6+s1] =	stream.indirect_vreg.scatter [tilespmem:s2], [sflag:$0x7], $0x80, v4, vm0, $0x2000b8;
	[tilespmem:$0x10200] =	vst v63  }
0x8f: {  	s4 =	sor.u32 $0x7800, s26;
	s5 =	simm.s32 $0x7  }
0x90: {  	[hbm4b:s6+s1] =	stream.indirect_vreg.scatter [tilespmem:s4], [sflag:$0x7], $0x80, v3, vm0, $0x2000b8;
	[tilespmem:$0x10200] =	vst v63  }
0x91: {  	_ =	swait.ge [sflag:s5], $0x8000;
	s5 =	simm.s32 $0x7  }
0x92: {  	[sflag:s5] =	ssyncset.done $0x0;
	s5 =	sshll.u32 s17, $0x7  }
0x93: {  	[sflag:s25] =	ssyncadd.s32 $0xFFFF8000;
	s5 =	sand.u32 $0x80, s5  }
0x94: {  	v3 =	vld [tilespmem:s5+$0x10100];
	_ =	sdelay $0x4  }
0x95: {  	v56 =	vshll.u32 v3, $0x1  }
0x96: {  	v3 =	vand.u32 $0x7, v3;
	v4 =	vand.u32 $0xFFFFFFF0, v56  }
0x97: {  	v3 =	vor.u32 v3, v4  }
0x98: {  	v4 =	vperm.xlane v3, v0;
	_ =	sdelay $0x1  }
0x99: {  	v3 =	vperm.xlane v3, v2;
	v4 =	vadd.s32 v1, v4;
	_ =	sdelay $0x1  }
0x9a: {  	v3 =	vadd.s32 v1, v3;
	_ =	sdelay $0x2  }
0x9b: {  	[hbm4b:s6+s1] =	stream.indirect_vreg.scatter [tilespmem:s26], [sflag:$0x7], $0x80, v4, vm0, $0x2000b8;
	[tilespmem:$0x10200] =	vst v63  }
0x9c: {  	_ = 	snop  }
0x9d: {  	[hbm4b:s6+s1] =	stream.indirect_vreg.scatter [tilespmem:s28], [sflag:$0x7], $0x80, v3, vm0, $0x2000b8;
	[tilespmem:$0x10200] =	vst v63  }
0x9e: {  	v3 =	vld [tilespmem:s5+$0x10110];
	_ =	sdelay $0x4  }
0x9f: {  	v57 =	vshll.u32 v3, $0x1  }
0xa0: {  	v3 =	vand.u32 $0x7, v3;
	v4 =	vand.u32 $0xFFFFFFF0, v57  }
0xa1: {  	v3 =	vor.u32 v3, v4  }
0xa2: {  	v4 =	vperm.xlane v3, v0;
	_ =	sdelay $0x1  }
0xa3: {  	v3 =	vperm.xlane v3, v2;
	v4 =	vadd.s32 v1, v4;
	_ =	sdelay $0x1  }
0xa4: {  	v3 =	vadd.s32 v1, v3;
	_ =	sdelay $0x2  }
0xa5: {  	[hbm4b:s6+s1] =	stream.indirect_vreg.scatter [tilespmem:s29], [sflag:$0x7], $0x80, v4, vm0, $0x2000b8;
	[tilespmem:$0x10200] =	vst v63  }
0xa6: {  	_ = 	snop  }
0xa7: {  	[hbm4b:s6+s1] =	stream.indirect_vreg.scatter [tilespmem:s30], [sflag:$0x7], $0x80, v3, vm0, $0x2000b8;
	[tilespmem:$0x10200] =	vst v63  }
0xa8: {  	v3 =	vld [tilespmem:s5+$0x10120];
	_ =	sdelay $0x4  }
0xa9: {  	v58 =	vshll.u32 v3, $0x1  }
0xaa: {  	v3 =	vand.u32 $0x7, v3;
	v4 =	vand.u32 $0xFFFFFFF0, v58  }
0xab: {  	v3 =	vor.u32 v3, v4  }
0xac: {  	v4 =	vperm.xlane v3, v0;
	_ =	sdelay $0x1  }
0xad: {  	v3 =	vperm.xlane v3, v2;
	v4 =	vadd.s32 v1, v4;
	_ =	sdelay $0x1  }
0xae: {  	v3 =	vadd.s32 v1, v3;
	_ =	sdelay $0x2  }
0xaf: {  	[hbm4b:s6+s1] =	stream.indirect_vreg.scatter [tilespmem:s31], [sflag:$0x7], $0x80, v4, vm0, $0x2000b8;
	[tilespmem:$0x10200] =	vst v63  }
0xb0: {  	_ = 	snop  }
0xb1: {  	[hbm4b:s6+s1] =	stream.indirect_vreg.scatter [tilespmem:s0], [sflag:$0x7], $0x80, v3, vm0, $0x2000b8;
	[tilespmem:$0x10200] =	vst v63  }
0xb2: {  	v3 =	vld [tilespmem:s5+$0x10130];
	_ =	sdelay $0x4  }
0xb3: {  	v59 =	vshll.u32 v3, $0x1  }
0xb4: {  	v3 =	vand.u32 $0x7, v3;
	v4 =	vand.u32 $0xFFFFFFF0, v59  }
0xb5: {  	v3 =	vor.u32 v3, v4  }
0xb6: {  	v4 =	vperm.xlane v3, v0;
	_ =	sdelay $0x1  }
0xb7: {  	v3 =	vperm.xlane v3, v2;
	v4 =	vadd.s32 v1, v4;
	_ =	sdelay $0x1  }
0xb8: {  	v3 =	vadd.s32 v1, v3;
	_ =	sdelay $0x2  }
0xb9: {  	[hbm4b:s6+s1] =	stream.indirect_vreg.scatter [tilespmem:s3], [sflag:$0x7], $0x80, v4, vm0, $0x2000b8;
	[tilespmem:$0x10200] =	vst v63  }
0xba: {  	_ = 	snop  }
0xbb: {  	[hbm4b:s6+s1] =	stream.indirect_vreg.scatter [tilespmem:s11], [sflag:$0x7], $0x80, v3, vm0, $0x2000b8;
	[tilespmem:$0x10200] =	vst v63  }
0xbc: {  	v3 =	vld [tilespmem:s5+$0x10140];
	_ =	sdelay $0x4  }
0xbd: {  	v60 =	vshll.u32 v3, $0x1  }
0xbe: {  	v3 =	vand.u32 $0x7, v3;
	v4 =	vand.u32 $0xFFFFFFF0, v60  }
0xbf: {  	v3 =	vor.u32 v3, v4  }
0xc0: {  	v4 =	vperm.xlane v3, v0;
	_ =	sdelay $0x1  }
0xc1: {  	v3 =	vperm.xlane v3, v2;
	v4 =	vadd.s32 v1, v4;
	_ =	sdelay $0x1  }
0xc2: {  	v3 =	vadd.s32 v1, v3;
	_ =	sdelay $0x2  }
0xc3: {  	[hbm4b:s6+s1] =	stream.indirect_vreg.scatter [tilespmem:s12], [sflag:$0x7], $0x80, v4, vm0, $0x2000b8;
	[tilespmem:$0x10200] =	vst v63  }
0xc4: {  	_ = 	snop  }
0xc5: {  	[hbm4b:s6+s1] =	stream.indirect_vreg.scatter [tilespmem:s7], [sflag:$0x7], $0x80, v3, vm0, $0x2000b8;
	[tilespmem:$0x10200] =	vst v63  }
0xc6: {  	v3 =	vld [tilespmem:s5+$0x10150];
	_ =	sdelay $0x4  }
0xc7: {  	v61 =	vshll.u32 v3, $0x1  }
0xc8: {  	v3 =	vand.u32 $0x7, v3;
	v4 =	vand.u32 $0xFFFFFFF0, v61  }
0xc9: {  	v3 =	vor.u32 v3, v4  }
0xca: {  	v4 =	vperm.xlane v3, v0;
	_ =	sdelay $0x1  }
0xcb: {  	v3 =	vperm.xlane v3, v2;
	v4 =	vadd.s32 v1, v4;
	_ =	sdelay $0x1  }
0xcc: {  	v3 =	vadd.s32 v1, v3;
	_ =	sdelay $0x2  }
0xcd: {  	[hbm4b:s6+s1] =	stream.indirect_vreg.scatter [tilespmem:s8], [sflag:$0x7], $0x80, v4, vm0, $0x2000b8;
	[tilespmem:$0x10200] =	vst v63  }
0xce: {  	_ = 	snop  }
0xcf: {  	[hbm4b:s6+s1] =	stream.indirect_vreg.scatter [tilespmem:s9], [sflag:$0x7], $0x80, v3, vm0, $0x2000b8;
	[tilespmem:$0x10200] =	vst v63  }
0xd0: {  	v3 =	vld [tilespmem:s5+$0x10160];
	_ =	sdelay $0x4  }
0xd1: {  	v62 =	vshll.u32 v3, $0x1  }
0xd2: {  	v3 =	vand.u32 $0x7, v3;
	v4 =	vand.u32 $0xFFFFFFF0, v62  }
0xd3: {  	v3 =	vor.u32 v3, v4  }
0xd4: {  	v4 =	vperm.xlane v3, v0;
	_ =	sdelay $0x1  }
0xd5: {  	v3 =	vperm.xlane v3, v2;
	v4 =	vadd.s32 v1, v4;
	_ =	sdelay $0x1  }
0xd6: {  	v3 =	vadd.s32 v1, v3;
	_ =	sdelay $0x2  }
0xd7: {  	[hbm4b:s6+s1] =	stream.indirect_vreg.scatter [tilespmem:s10], [sflag:$0x7], $0x80, v4, vm0, $0x2000b8;
	[tilespmem:$0x10200] =	vst v63  }
0xd8: {  	_ = 	snop  }
0xd9: {  	[hbm4b:s6+s1] =	stream.indirect_vreg.scatter [tilespmem:s14], [sflag:$0x7], $0x80, v3, vm0, $0x2000b8;
	[tilespmem:$0x10200] =	vst v63  }
0xda: {  	v3 =	vld [tilespmem:s5+$0x10170];
	_ =	sdelay $0x4  }
0xdb: {  	v63 =	vshll.u32 v3, $0x1  }
0xdc: {  	v3 =	vand.u32 $0x7, v3;
	v4 =	vand.u32 $0xFFFFFFF0, v63  }
0xdd: {  	v3 =	vor.u32 v3, v4  }
0xde: {  	v4 =	vperm.xlane v3, v0;
	_ =	sdelay $0x1  }
0xdf: {  	v3 =	vperm.xlane v3, v2;
	v4 =	vadd.s32 v1, v4;
	_ =	sdelay $0x1  }
0xe0: {  	v3 =	vadd.s32 v1, v3  }
0xe1: {  	p1 =	por !p1, p0;
	s0 =	sadd.s32 @!p2 $0x1, s23  }
0xe2: {  	s15 =	sadd.s32 $0xFFFFFFFF, s15;
	s22 =	smov.u32 @p1 s0;
	s0 =	simm.s32 $0x0  }
0xe3: {  	[hbm4b:s6+s1] =	stream.indirect_vreg.scatter [tilespmem:s2], [sflag:$0x7], $0x80, v4, vm0, $0x2000b8;
	[tilespmem:$0x10200] =	vst v63  }
0xe4: {  	s30 =	simm.s32 $0x7;
	s0 =	simm.s32 @p1 $0x1;
	s8 =	rddreg [dreg:$0x8]  }
0xe5: {  	[hbm4b:s6+s1] =	stream.indirect_vreg.scatter [tilespmem:s4], [sflag:$0x7], $0x80, v3, vm0, $0x2000b8;
	[tilespmem:$0x10200] =	vst v63  }
0xe6: {  	s22 =	smov.u32 @p0 s23;
	s5 =	rddreg [dreg:$0x3];
	_ =	swait.ge [sflag:s30], $0x8000  }
0xe7: {  	s0 =	simm.s32 @p0 $0x0;
	s2 =	sadd.s32 @!p2 $0x1, s24;
	s31 =	rddreg [dreg:$0xa]  }
0xe8: {  	s18 =	sadd.s32 s18, s0;
	s21 =	smov.u32 @p1 s2;
	p6 =	sne.s32 s31, s16  }
0xe9: {  	s0 =	simm.s32 $0x1;
	s21 =	smov.u32 @p0 s24;
	p0 =	por p0, p6  }
0xea: {  	s0 =	simm.s32 @!p0 $0x0;
	p0 =	sne.s32 s15, $0x0  }
.Ltmp0:
0xeb: {  	_ = 	snop;
	(pc) =	sbr.rel @p0 .LBB2_2-.Ltmp0, $4  }
0xec: {  	[sflag:s30] =	ssyncset.done $0x0  }
0xed: {  	[sflag:s30] =	ssyncadd.s32 $0xFFFF8000  }
0xee: {  	s23 =	smov.u32 s22;
	s24 =	smov.u32 s21;
	_ =	strace $0x9000004F  }
0xef: {  	s20 =	sadd.s32 s0, s20;
	s19 =	sadd.s32 s0, s19;
	s17 =	sadd.s32 s0, s17  }
0xf0: {  	s2 =	rddreg [dreg:$0x9]  }
0xf1: {  	s0 =	rddreg [dreg:$0x7];
	s2 =	sadd.s32 $0x1, s2  }
0xf2: {  	p0 =	sne.s32 s2, s0  }
.Ltmp1:
0xf3: {  	_ = 	snop;
	(pc) =	sbr.rel @p0 .LBB2_1-.Ltmp1, $1  }
0xf4: {  	_ =	sdelay $0x3  }
0xf5: {  	_ =	sfence.sel $0x180000  }
0xf6: {  	[bflag:$0x0] =	sbarrier.arrive $0xFFFF  }
0xf7: {  	_ =	strace $0x90000047  }
0xf8: {  	s0 =	stileid.u32;
	[bflag:$0x2] =	sbarrier.arrive $0xFFFF  }
0xf9: {  	p0 =	sne.s32 s0, $0x0;
	s0 =	rddreg [dreg:$0x1]  }
0xfa: {  	s0 =	sadd.s32 @!p0 $0x100000, s0  }
0xfb: {  	[sflag:s0] =	ssyncadd.tile.s32 @!p0 $0x1;
	_ =	shalt  }
.Lfunc_end2:
_tile_overlayer_lowered:
.L_overlay_start_2:
0xfc: {  	(tag) =	ssettag $0x2  }
0xfd: {  	s0 =	rddreg [dreg:$0x0];
	s2 =	stileid.u32  }
0xfe: {  	s1 =	rddreg [dreg:$0x1];
	p0 =	sne.s32 s2, $0x0  }
0xff: {  	s3 =	rddreg [dreg:$0x2];
	[bflag:$0x3] =	sbarrier.arrive $0xFFFF;
	s2 =	simm.s32 @!p0 $0x1C01  }
0x100: {  	[timem:s3], [sflag:s2] =	dma.local @!p0 [hbm:s0], s1  }
0x101: {  	s0 =	simm.s32 @!p0 $0x1  }
0x102: {  	_ =	swait.ge @!p0 [sflag:s0], s1  }
0x103: {  	s1 =	ssub.s32 @!p0 $0x0, s1;
	[sflag:s0] =	ssyncset.done @!p0 $0x0  }
0x104: {  	[sflag:s0] =	ssyncadd.s32 @!p0 s1  }
0x105: {  	[bflag:$0x3] =	sbarrier.arrive $0xFFFF  }
0x106: {  	_ =	shalt  }

// kernel: kernel.16.cloned.1.call-start
scs
__scs_entry_jumppad:
0x0: {  	(pc) =	sbr.rel $0x88, $3  }
0x1: {  	(tag) =	ssettag $0x0;
	lr =	simm.s32 $0x1  }
0x2: {  	[smem:$0x3F90] =	sst lr;
	_ =	strace $0xD0000000  }
0x3: {  	_ = 	snop  }
0x4: {  	_ = 	snop  }
0x5: {  	_ = 	snop  }
0x6: {  	_ = 	snop  }
0x7: {  	_ = 	snop  }
__scs_overlays_trampoline_lowered:
0x8: {  	[smem:$0x3F9F] =	sst s0  }
0x9: {  	[smem:$0x3FA0] =	sst s1  }
0xa: {  	[smem:$0x3FA1] =	sst s2  }
0xb: {  	[smem:$0x3FA2] =	sst s3  }
0xc: {  	[smem:$0x3FA3] =	sst s4  }
0xd: {  	[smem:$0x3FA4] =	sst s5  }
0xe: {  	[smem:$0x3FA5] =	sst s6  }
0xf: {  	[smem:$0x3FA6] =	sst s7  }
0x10: {  	[smem:$0x3FA7] =	sst s8  }
0x11: {  	[smem:$0x3FA8] =	sst s9;
	s0 =	simm.s32 @!p0 $0x0  }
0x12: {  	s1 =	sld [smem:$0x3F8E];
	s0 =	simm.s32 @p0 $0x1  }
0x13: {  	[smem:$0x3FA9] =	sst s0;
	s0 =	simm.s32 @!p1 $0x0  }
0x14: {  	s2 =	sld [smem:$0x3F8D];
	s0 =	simm.s32 @p1 $0x1  }
0x15: {  	[smem:$0x3FAA] =	sst s0;
	s0 =	simm.s32 @!p2 $0x0  }
0x16: {  	s3 =	sld [smem:$0x3FDB];
	s0 =	simm.s32 @p2 $0x1  }
0x17: {  	s4 =	simm.s32 $0x1BF5;
	[smem:$0x3FAC] =	sst s0  }
0x18: {  	s0 =	sld [smem:$0x3F8F];
	_ =	swait.ge [sflag:s4], $0x0  }
0x19: {  	s7 =	sld [smem:$0x3F90]  }
0x1a: {  	s8 =	sadd.s32 $0xFFFFE003, lr  }
0x1b: {  	s9 =	sadd.s32 $0xFFFFFEF7, lr;
	s5 =	simm.s32 $0xFFFFFFFF;
	p2 =	slt.u32 s8, $0xFFFFF086  }
0x1c: {  	p1 =	slt.u32 s9, $0xF7A;
	s5 =	simm.s32 @!p2 $0x0  }
0x1d: {  	s5 =	simm.s32 @p1 $0x1;
	p0 =	seq.s32 s7, s2  }
0x1e: {  	s7 =	smul.u32 @!p0 $0xF7A, s2;
	p2 =	seq.s32 @!p0 s5, $0x0  }
0x1f: {  	s9 =	smul.u32 $0xF7A, s1;
	s8 =	simm.s32 @!p0 $0x1BF5;
	p2 =	por !p2, p0  }
0x20: {  	[sflag:s8] =	ssyncset.s32 @!p0 $0xFFFFF086;
	s6 =	sadd.s32 @!p0 s3, s7;
	s7 =	simm.s32 @!p0 $0x108  }
0x21: {  	s3 =	sadd.s32 s3, s9;
	s6 =	sadd.s32 @!p0 $0x88, s6;
	s7 =	simm.s32 @p2 $0x1082  }
0x22: {  	[simem:s7], [sflag:s8] =	dma.local @!p0 [hbm:s6], $0xF7A  }
0x23: {  	s9 =	sor.u32 $0xD0000000, s2;
	s6 =	simm.s32 $0x108;
	_ =	swait.ge @!p0 [sflag:s8], $0x0  }
0x24: {  	s3 =	sadd.s32 $0x88, s3;
	s6 =	simm.s32 @!p1 $0x1082;
	[sflag:s4] =	ssyncset.s32 $0xFFFFF086  }
0x25: {  	[simem:s6], [sflag:s4] =	dma.local [hbm:s3], $0xF7A  }
0x26: {  	[smem:$0x3F90] =	sst s1;
	(tag) =	ssettag s2;
	_ =	strace s9  }
0x27: {  	s1 =	sld [smem:$0x3FA0]  }
0x28: {  	s2 =	sld [smem:$0x3FA1]  }
0x29: {  	s4 =	sld [smem:$0x3FA3]  }
0x2a: {  	p0 =	seq.s32 s5, $0x0;
	s5 =	sld [smem:$0x3FA4]  }
0x2b: {  	s6 =	sld [smem:$0x3FA5]  }
0x2c: {  	s7 =	sld [smem:$0x3FA6]  }
0x2d: {  	s3 =	simm.s32 $0x108;
	s8 =	sld [smem:$0x3FA7]  }
0x2e: {  	s3 =	simm.s32 @!p0 $0x1082;
	s9 =	sld [smem:$0x3FA8]  }
0x2f: {  	lr =	sadd.s32 s0, s3;
	s0 =	sld [smem:$0x3F9F]  }
0x30: {  	s3 =	sld [smem:$0x3FA2]  }
0x31: {  	[smem:$0x3FAB] =	sst s10  }
0x32: {  	s10 =	sld [smem:$0x3FA9];
	_ =	sdelay $0x3  }
0x33: {  	p0 =	seq.s32 s10, $0x1;
	s10 =	sld [smem:$0x3FAB];
	_ =	sdelay $0x3  }
0x34: {  	[smem:$0x3FAB] =	sst s10  }
0x35: {  	s10 =	sld [smem:$0x3FAA];
	_ =	sdelay $0x3  }
0x36: {  	p1 =	seq.s32 s10, $0x1;
	s10 =	sld [smem:$0x3FAB];
	_ =	sdelay $0x3  }
0x37: {  	[smem:$0x3FAB] =	sst s10  }
0x38: {  	s10 =	sld [smem:$0x3FAC]  }
0x39: {  	_ = 	snop;
	(pc) =	sbr.ind lr, $3  }
0x3a: {  	_ = 	snop  }
0x3b: {  	_ = 	snop  }
0x3c: {  	p2 =	seq.s32 s10, $0x1;
	s10 =	sld [smem:$0x3FAB]  }
0x3d: {  	_ =	shalt  }
0x3e: {  	_ =	shalt  }
0x3f: {  	_ =	shalt  }
0x40: {  	_ =	shalt  }
0x41: {  	_ =	shalt  }
0x42: {  	_ =	shalt  }
0x43: {  	_ =	shalt  }
0x44: {  	_ =	shalt  }
0x45: {  	_ =	shalt  }
0x46: {  	_ =	shalt  }
0x47: {  	_ =	shalt  }
0x48: {  	_ =	shalt  }
0x49: {  	_ =	shalt  }
0x4a: {  	_ =	shalt  }
0x4b: {  	_ =	shalt  }
0x4c: {  	_ =	shalt  }
0x4d: {  	_ =	shalt  }
0x4e: {  	_ =	shalt  }
0x4f: {  	_ =	shalt  }
0x50: {  	_ =	shalt  }
0x51: {  	_ =	shalt  }
0x52: {  	_ =	shalt  }
0x53: {  	_ =	shalt  }
0x54: {  	_ =	shalt  }
0x55: {  	_ =	shalt  }
0x56: {  	_ =	shalt  }
0x57: {  	_ =	shalt  }
0x58: {  	_ =	shalt  }
0x59: {  	_ =	shalt  }
0x5a: {  	_ =	shalt  }
0x5b: {  	_ =	shalt  }
0x5c: {  	_ =	shalt  }
0x5d: {  	_ =	shalt  }
0x5e: {  	_ =	shalt  }
0x5f: {  	_ =	shalt  }
0x60: {  	_ =	shalt  }
0x61: {  	_ =	shalt  }
0x62: {  	_ =	shalt  }
0x63: {  	_ =	shalt  }
0x64: {  	_ =	shalt  }
0x65: {  	_ =	shalt  }
0x66: {  	_ =	shalt  }
0x67: {  	_ =	shalt  }
0x68: {  	_ =	shalt  }
0x69: {  	_ =	shalt  }
0x6a: {  	_ =	shalt  }
0x6b: {  	_ =	shalt  }
0x6c: {  	_ =	shalt  }
0x6d: {  	_ =	shalt  }
0x6e: {  	_ =	shalt  }
0x6f: {  	_ =	shalt  }
0x70: {  	_ =	shalt  }
0x71: {  	_ =	shalt  }
0x72: {  	_ =	shalt  }
0x73: {  	_ =	shalt  }
0x74: {  	_ =	shalt  }
0x75: {  	_ =	shalt  }
0x76: {  	_ =	shalt  }
0x77: {  	_ =	shalt  }
0x78: {  	_ =	shalt  }
0x79: {  	_ =	shalt  }
0x7a: {  	_ =	shalt  }
0x7b: {  	_ =	shalt  }
0x7c: {  	_ =	shalt  }
0x7d: {  	_ =	shalt  }
0x7e: {  	_ =	shalt  }
0x7f: {  	_ =	shalt  }
0x80: {  	_ =	shalt  }
0x81: {  	_ =	shalt  }
0x82: {  	_ =	shalt  }
0x83: {  	_ =	shalt  }
0x84: {  	_ =	shalt  }
0x85: {  	_ =	shalt  }
0x86: {  	_ =	shalt  }
0x87: {  	_ =	shalt  }
.Lfunc_end0:
.L_simem_size_0:
called_computation.1_lowered:
.L_overlay_start_0:
0x88: {  	s2 =	sld [smem:$0x3FD9]  }
0x89: {  	s3 =	sld [smem:$0x3FFE];
	_ =	sdelay $0x1  }
0x8a: {  	s1 =	srdreg.scid  }
0x8b: {  	s0 =	sand.u32 $0x1, s1  }
0x8c: {  	s17 =	sshll.u32 s0, $0xA;
	s2 =	sadd.s32 s3, s2  }
0x8d: {  	s2 =	sadd.s32 s2, s17  }
0x8e: {  	[smem:$0x3FB7] =	sst s2  }
0x8f: {  	_ = 	snop  }
0x90: {  	(tm) =	ssettm $0x1  }
0x91: {  	s18 =	sld [smem:$0x3FFB];
	_ =	sdelay $0x3  }
0x92: {  	_ =	strace s18  }
0x93: {  	s2 =	sld [smem:$0x3FFC];
	_ =	sdelay $0x3  }
0x94: {  	_ =	strace s2  }
0x95: {  	s2 =	sld [smem:$0x3FFD];
	_ =	sdelay $0x3  }
0x96: {  	_ =	strace s2  }
0x97: {  	_ =	strace $0x8FFFFFFF  }
0x98: {  	s19 =	sld [smem:$0x3FDB];
	_ =	sdelay $0x1  }
0x99: {  	s20 =	simm.s32 $_scs_section_size  }
0x9a: {  	s4 =	simm.s32 $_size__tile_overlayer_lowered;
	s5 =	simm.s32 $_tile_overlayer_lowered  }
0x9b: {  	s6 =	simm.s32 $0x1BFF;
	s21 =	sshll.u32 s5, $0x1;
	s3 =	sadd.s32 s20, s19  }
0x9c: {  	s22 =	simm.s32 $0x0;
	s4 =	sshll.u32 s4, $0x1;
	s5 =	sadd.s32 s21, s3  }
0x9d: {  	[timem:s22], [sflag:s6] =	dma.local [hbm:s5], s4  }
0x9e: {  	_ =	swait.ge [sflag:s6], s4  }
0x9f: {  	s4 =	ssub.s32 $0x0, s4;
	[sflag:s6] =	ssyncset.done $0x0  }
0xa0: {  	[sflag:s6] =	ssyncadd.s32 s4;
	_ =	sdelay $0x1  }
0xa1: {  	s23 =	simm.s32 $0x1B8B  }
0xa2: {  	_ =	swait.ge [sflag:s23], $0x1  }
0xa3: {  	[sflag:s23] =	ssyncset.done $0x0  }
0xa4: {  	[sflag:s23] =	ssyncadd.s32 $0xFFFFFFFF  }
0xa5: {  	s4 =	sld [smem:$0x0]  }
0xa6: {  	s5 =	sand.u32 $0xFFFFFFFE, s1  }
0xa7: {  	p0 =	sne.s32 s1, s5  }
0xa8: {  	s5 =	sshll.u32 @p0 s5, $0xE  }
0xa9: {  	s5 =	sadd.s32 @p0 $0x11B8D, s5;
	s6 =	sshll.u32 @p0 s4, $0x11  }
0xaa: {  	s5 =	sor.u32 @p0 s6, s5  }
0xab: {  	[sflag:s5] =	ssyncadd.remote.s32 @p0 $0x1;
	_ =	sdelay $0x1  }
0xac: {  	s5 =	simm.s32 @p0 $0x1B8D  }
0xad: {  	_ =	swait.eq @p0 [sflag:s5], $0x1  }
0xae: {  	[sflag:s5] =	ssyncadd.s32 @p0 $0xFFFFFFFF  }
0xaf: {  	s6 =	sshll.u32 @!p0 s1, $0xE  }
0xb0: {  	s6 =	sor.u32 @!p0 $0x4000, s6;
	s5 =	simm.s32 @!p0 $0x1B8D  }
0xb1: {  	s4 =	sshll.u32 @!p0 s4, $0x11;
	s6 =	sadd.s32 @!p0 $0x11B8D, s6;
	_ =	swait.eq @!p0 [sflag:s5], $0x1  }
0xb2: {  	s4 =	sor.u32 @!p0 s4, s6;
	[sflag:s5] =	ssyncadd.s32 @!p0 $0xFFFFFFFF  }
0xb3: {  	s25 =	simm.s32 $0x1B8E;
	s24 =	sld [smem:$0x3FFE];
	[sflag:s4] =	ssyncadd.remote.s32 @!p0 $0x1  }
0xb4: {  	s26 =	simm.s32 $execute0_lowered;
	[smem:$0x3FD2] =	sst s25  }
0xb5: {  	s5 =	sshll.u32 s26, $0x1;
	_ =	strace $0x8000005B;
	[dreg:$0x1] =	wrdreg $0xFFFFFFFF  }
0xb6: {  	s28 =	simm.s32 $_size_execute0_lowered;
	s3 =	sadd.s32 s3, s5;
	[dreg:$0x0] =	wrdreg $0x0  }
0xb7: {  	s5 =	sshll.u32 s28, $0x1;
	[dreg:$0x2] =	wrdreg s3  }
0xb8: {  	[dreg:$0x3] =	wrdreg s5  }
0xb9: {  	[dreg:$0x4] =	wrdreg $0xC0  }
0xba: {  	_ =	task [dreg:s22], $0x5FFFF  }
0xbb: {  	[dreg:$0x1] =	wrdreg $0xFFFFFFFF  }
0xbc: {  	[dreg:$0x0] =	wrdreg $0x60  }
0xbd: {  	[dreg:$0x2] =	wrdreg s24  }
0xbe: {  	[dreg:$0x3] =	wrdreg $0x9  }
0xbf: {  	_ =	task.clear_ibuf [dreg:s22], $0x4FFFF;
	_ =	strace $0x9000005B  }
0xc0: {  	s29 =	simm.s32 $0x9;
	_ =	strace $0x80000064  }
0xc1: {  	_ =	swait.ge [sflag:s29], $0x1  }
0xc2: {  	[sflag:s29] =	ssyncadd.s32 $0xFFFFFFFF  }
0xc3: {  	_ =	strace $0x90000064  }
0xc4: {  	_ =	sfence  }
0xc5: {  	s30 =	sld [smem:$0x0];
	_ =	sdelay $0x2  }
0xc6: {  	s31 =	sshll.u32 s1, $0xD;
	s1 =	sshrl.u32 s1, $0x2  }
0xc7: {  	s4 =	sand.u32 $0x4000, s31;
	s1 =	sadd.s32 s1, s30  }
0xc8: {  	s0 =	sor.u32 s4, s0;
	s1 =	sshll.u32 s1, $0x11  }
0xc9: {  	s0 =	sor.u32 s1, s0  }
0xca: {  	s0 =	sadd.s32 $0x8F2B, s0  }
0xcb: {  	[sflag:s0] =	ssyncadd.remote.s32 $0x1  }
0xcc: {  	_ =	sfence.sel $0xFFFF  }
0xcd: {  	[dreg:$0x0] =	wrdreg $0xFFFFFFFF;
	(pc) =	sbr.abs _section_cstart, $3  }
0xce: {  	[dreg:$0x1] =	wrdreg $0xFFFFFFFF  }
0xcf: {  	_ =	task.clear_ibuf [dreg:s22], $0x2FFFF;
	_ =	strace $0x9FFFFFFF  }
0xd0: {  	(tm) =	ssettm $0x7FFFFFFF  }
0xd1: {  	_ =	shalt  }
tec
execute0_lowered:
.L_overlay_start_1:
0x0: {  	(tag) =	ssettag $0x1  }
0x1: {  	s5 =	rddreg [dreg:$0x0]  }
0x2: {  	s0 =	rddreg [dreg:$0x1];
	s1 =	simm.s32 $0x0  }
0x3: {  	s2 =	srdreg.scid;
	s9 =	simm.s32 $0x4;
	s10 =	simm.s32 $0x0  }
0x4: {  	[smem:$0x7FF] =	sst s1;
	s3 =	sadd.s32 $0x1AE200, s5;
	s4 =	sadd.s32 $0x6800, s5  }
0x5: {  	s6 =	sand.u32 $0x1, s2;
	s2 =	stileid.u32;
	s5 =	sadd.s32 $0x5AE200, s5  }
0x6: {  	_ =	strace $0x8000005C;
	s7 =	ssub.s32 $0x2, s6;
	s6 =	sshll.u32 s6, $0x4  }
0x7: {  	v2 =	vlaneseq.u32;
	[dreg:$0x2] =	wrdreg s5;
	s8 =	sshrl.u32 s7, $0x1;
	s6 =	sor.u32 s2, s6  }
0x8: {  	vm0 =	vmmov $0xffff;
	v1 =	vshrl.u32 v2, $0x3;
	s7 =	ssub.s32 s7, s8;
	s31 =	sshll.u32 s6, $0x6;
	s5 =	sshll.u32 s6, $0x2  }
0x9: {  	v0 =	vand.u32 $0x7, v2;
	v2 =	vor.u32 $0x8, v2;
	v1 =	vmul.u32 $0x8, v1;
	s8 =	simm.s32 $0x5;
	s6 =	sadd.s32 s4, s31;
	s7 =	smax.u32 s7, $0x1  }
.LBB2_1:
0xa: {  	_ =	strace $0x8000005D;
	s11 =	simm.s32 $0x4  }
0xb: {  	s12 =	simm.s32 $0x0;
	s13 =	simm.s32 $0x0;
	s14 =	simm.s32 $0x0  }
0xc: {  	[tilespmem:s1], [sflag:$0x1] =	stream.linear.gather [hbm4b:s6+s1], $0x80, $0x200038;
	[tilespmem:$0x10100] =	vst v63  }
0xd: {  	s15 =	simm.s32 $0x0;
	s16 =	simm.s32 $0x1;
	_ =	strace $0x9000005D  }
.LBB2_2:
0xe: {  	s17 =	smov.u32 s12;
	s12 =	sadd.s32 $0x1, s12  }
0xf: {  	p0 =	seq.s32 s12, $0x4  }
0x10: {  	s12 =	simm.s32 @p0 $0x0  }
0x11: {  	p6 =	sne.s32 s11, $0x1;
	p1 =	sne.s32 s17, s12  }
0x12: {  	p0 =	por !p6, !p1  }
0x13: {  	p0 =	por !p0, !p0  }
0x14: {  	s18 =	sadd.s32 @p0 s5, s12  }
0x15: {  	s19 =	sand.u32 @p0 $0x1, s16;
	s18 =	sshll.u32 @p0 s18, $0x4  }
0x16: {  	_ =	strace @p0 $0x8000005E;
	s21 =	simm.s32 @p0 $0x0;
	s18 =	sand.u32 @p0 $0x1FFFFFF0, s18  }
0x17: {  	s20 =	sshll.u32 @p0 s19, $0x7;
	s19 =	sadd.s32 @p0 $0x1, s19;
	s18 =	sadd.s32 @p0 s4, s18  }
0x18: {  	[tilespmem:s20], [sflag:s19] =	stream.linear.gather @p0 [hbm4b:s18+s21], $0x80, $0x200038;
	[tilespmem:$0x10100] =	vst v63  }
0x19: {  	s24 =	sand.u32 $0x1, s15;
	_ =	strace @p0 $0x9000005E  }
0x1a: {  	s18 =	sadd.s32 $0x1, s24;
	_ =	strace $0x8000005F  }
0x1b: {  	_ =	swait.ge [sflag:s18], $0x80  }
0x1c: {  	[sflag:s18] =	ssyncset.done $0x0  }
0x1d: {  	[sflag:s18] =	ssyncadd.s32 $0xFFFFFF80  }
0x1e: {  	s25 =	sshll.u32 s15, $0x7;
	_ =	strace $0x9000005F  }
0x1f: {  	s21 =	sand.u32 $0x80, s25;
	_ =	strace $0x80000060  }
0x20: {  	v3 =	vld [tilespmem:s21+$0x0];
	_ =	sdelay $0x4  }
0x21: {  	v4 =	vshll.u32 v3, $0x1  }
0x22: {  	v3 =	vand.u32 $0x7, v3;
	v4 =	vand.u32 $0xFFFFFFF0, v4  }
0x23: {  	v3 =	vor.u32 v3, v4  }
0x24: {  	v4 =	vperm.xlane v3, v0;
	_ =	sdelay $0x1  }
0x25: {  	v3 =	vperm.xlane v3, v2;
	v4 =	vadd.s32 v1, v4;
	_ =	sdelay $0x1  }
0x26: {  	s18 =	sand.u32 $0x1, s14;
	v3 =	vadd.s32 v1, v3  }
0x27: {  	s20 =	sshll.u32 s18, $0xF  }
0x28: {  	s19 =	sor.u32 $0x100, s20  }
0x29: {  	[tilespmem:s19], [sflag:$0x5] =	stream.indirect_vreg.gather [hbm4b:s3+s1], $0x80, v4, vm0, $0x2000b8;
	[tilespmem:$0x10100] =	vst v63  }
0x2a: {  	s22 =	sor.u32 $0x900, s20  }
0x2b: {  	[tilespmem:s22], [sflag:$0x5] =	stream.indirect_vreg.gather [hbm4b:s3+s1], $0x80, v3, vm0, $0x2000b8;
	[tilespmem:$0x10100] =	vst v63  }
0x2c: {  	v3 =	vld [tilespmem:s21+$0x10];
	_ =	sdelay $0x4  }
0x2d: {  	v57 =	vshll.u32 v3, $0x1  }
0x2e: {  	v3 =	vand.u32 $0x7, v3;
	v4 =	vand.u32 $0xFFFFFFF0, v57  }
0x2f: {  	v3 =	vor.u32 v3, v4  }
0x30: {  	v4 =	vperm.xlane v3, v0;
	_ =	sdelay $0x1  }
0x31: {  	v3 =	vperm.xlane v3, v2;
	v4 =	vadd.s32 v1, v4;
	_ =	sdelay $0x1  }
0x32: {  	v3 =	vadd.s32 v1, v3;
	_ =	sdelay $0x1  }
0x33: {  	s26 =	sor.u32 $0x1100, s20  }
0x34: {  	[tilespmem:s26], [sflag:$0x5] =	stream.indirect_vreg.gather [hbm4b:s3+s1], $0x80, v4, vm0, $0x2000b8;
	[tilespmem:$0x10100] =	vst v63  }
0x35: {  	s28 =	sor.u32 $0x1900, s20  }
0x36: {  	[tilespmem:s28], [sflag:$0x5] =	stream.indirect_vreg.gather [hbm4b:s3+s1], $0x80, v3, vm0, $0x2000b8;
	[tilespmem:$0x10100] =	vst v63  }
0x37: {  	v3 =	vld [tilespmem:s21+$0x20];
	_ =	sdelay $0x4  }
0x38: {  	v58 =	vshll.u32 v3, $0x1  }
0x39: {  	v3 =	vand.u32 $0x7, v3;
	v4 =	vand.u32 $0xFFFFFFF0, v58  }
0x3a: {  	v3 =	vor.u32 v3, v4  }
0x3b: {  	v4 =	vperm.xlane v3, v0;
	_ =	sdelay $0x1  }
0x3c: {  	v3 =	vperm.xlane v3, v2;
	v4 =	vadd.s32 v1, v4;
	_ =	sdelay $0x1  }
0x3d: {  	v3 =	vadd.s32 v1, v3;
	_ =	sdelay $0x1  }
0x3e: {  	s29 =	sor.u32 $0x2100, s20  }
0x3f: {  	[tilespmem:s29], [sflag:$0x5] =	stream.indirect_vreg.gather [hbm4b:s3+s1], $0x80, v4, vm0, $0x2000b8;
	[tilespmem:$0x10100] =	vst v63  }
0x40: {  	s30 =	sor.u32 $0x2900, s20  }
0x41: {  	[tilespmem:s30], [sflag:$0x5] =	stream.indirect_vreg.gather [hbm4b:s3+s1], $0x80, v3, vm0, $0x2000b8;
	[tilespmem:$0x10100] =	vst v63  }
0x42: {  	v3 =	vld [tilespmem:s21+$0x30];
	_ =	sdelay $0x4  }
0x43: {  	v59 =	vshll.u32 v3, $0x1  }
0x44: {  	v3 =	vand.u32 $0x7, v3;
	v4 =	vand.u32 $0xFFFFFFF0, v59  }
0x45: {  	v3 =	vor.u32 v3, v4  }
0x46: {  	v4 =	vperm.xlane v3, v0;
	_ =	sdelay $0x1  }
0x47: {  	v3 =	vperm.xlane v3, v2;
	v4 =	vadd.s32 v1, v4;
	_ =	sdelay $0x1  }
0x48: {  	v3 =	vadd.s32 v1, v3;
	_ =	sdelay $0x1  }
0x49: {  	s31 =	sor.u32 $0x3100, s20  }
0x4a: {  	[tilespmem:s31], [sflag:$0x5] =	stream.indirect_vreg.gather [hbm4b:s3+s1], $0x80, v4, vm0, $0x2000b8;
	[tilespmem:$0x10100] =	vst v63  }
0x4b: {  	s23 =	sor.u32 $0x3900, s20  }
0x4c: {  	[tilespmem:s23], [sflag:$0x5] =	stream.indirect_vreg.gather [hbm4b:s3+s1], $0x80, v3, vm0, $0x2000b8;
	[tilespmem:$0x10100] =	vst v63  }
0x4d: {  	v3 =	vld [tilespmem:s21+$0x40];
	_ =	sdelay $0x4  }
0x4e: {  	v60 =	vshll.u32 v3, $0x1  }
0x4f: {  	v3 =	vand.u32 $0x7, v3;
	v4 =	vand.u32 $0xFFFFFFF0, v60  }
0x50: {  	v3 =	vor.u32 v3, v4  }
0x51: {  	v4 =	vperm.xlane v3, v0;
	_ =	sdelay $0x1  }
0x52: {  	v3 =	vperm.xlane v3, v2;
	v4 =	vadd.s32 v1, v4;
	_ =	sdelay $0x1  }
0x53: {  	v3 =	vadd.s32 v1, v3;
	_ =	sdelay $0x1  }
0x54: {  	s24 =	sor.u32 $0x4100, s20  }
0x55: {  	[tilespmem:s24], [sflag:$0x5] =	stream.indirect_vreg.gather [hbm4b:s3+s1], $0x80, v4, vm0, $0x2000b8;
	[tilespmem:$0x10100] =	vst v63  }
0x56: {  	s25 =	sor.u32 $0x4900, s20  }
0x57: {  	[tilespmem:s25], [sflag:$0x5] =	stream.indirect_vreg.gather [hbm4b:s3+s1], $0x80, v3, vm0, $0x2000b8;
	[tilespmem:$0x10100] =	vst v63  }
0x58: {  	v3 =	vld [tilespmem:s21+$0x50];
	_ =	sdelay $0x4  }
0x59: {  	v61 =	vshll.u32 v3, $0x1  }
0x5a: {  	v3 =	vand.u32 $0x7, v3;
	v4 =	vand.u32 $0xFFFFFFF0, v61  }
0x5b: {  	v3 =	vor.u32 v3, v4  }
0x5c: {  	v4 =	vperm.xlane v3, v0;
	_ =	sdelay $0x1  }
0x5d: {  	v3 =	vperm.xlane v3, v2;
	v4 =	vadd.s32 v1, v4;
	_ =	sdelay $0x1  }
0x5e: {  	v3 =	vadd.s32 v1, v3;
	_ =	sdelay $0x1  }
0x5f: {  	s26 =	sor.u32 $0x5100, s20  }
0x60: {  	[tilespmem:s26], [sflag:$0x5] =	stream.indirect_vreg.gather [hbm4b:s3+s1], $0x80, v4, vm0, $0x2000b8;
	[tilespmem:$0x10100] =	vst v63  }
0x61: {  	s28 =	sor.u32 $0x5900, s20  }
0x62: {  	[tilespmem:s28], [sflag:$0x5] =	stream.indirect_vreg.gather [hbm4b:s3+s1], $0x80, v3, vm0, $0x2000b8;
	[tilespmem:$0x10100] =	vst v63  }
0x63: {  	v3 =	vld [tilespmem:s21+$0x60];
	_ =	sdelay $0x4  }
0x64: {  	v62 =	vshll.u32 v3, $0x1  }
0x65: {  	v3 =	vand.u32 $0x7, v3;
	v4 =	vand.u32 $0xFFFFFFF0, v62  }
0x66: {  	v3 =	vor.u32 v3, v4  }
0x67: {  	v4 =	vperm.xlane v3, v0;
	_ =	sdelay $0x1  }
0x68: {  	v3 =	vperm.xlane v3, v2;
	v4 =	vadd.s32 v1, v4;
	_ =	sdelay $0x1  }
0x69: {  	v3 =	vadd.s32 v1, v3;
	_ =	sdelay $0x1  }
0x6a: {  	s29 =	sor.u32 $0x6100, s20  }
0x6b: {  	[tilespmem:s29], [sflag:$0x5] =	stream.indirect_vreg.gather [hbm4b:s3+s1], $0x80, v4, vm0, $0x2000b8;
	[tilespmem:$0x10100] =	vst v63  }
0x6c: {  	s30 =	sor.u32 $0x6900, s20  }
0x6d: {  	[tilespmem:s30], [sflag:$0x5] =	stream.indirect_vreg.gather [hbm4b:s3+s1], $0x80, v3, vm0, $0x2000b8;
	[tilespmem:$0x10100] =	vst v63  }
0x6e: {  	v3 =	vld [tilespmem:s21+$0x70];
	_ =	sdelay $0x4  }
0x6f: {  	v63 =	vshll.u32 v3, $0x1  }
0x70: {  	v3 =	vand.u32 $0x7, v3;
	v4 =	vand.u32 $0xFFFFFFF0, v63  }
0x71: {  	v3 =	vor.u32 v3, v4  }
0x72: {  	v4 =	vperm.xlane v3, v0;
	_ =	sdelay $0x1  }
0x73: {  	v3 =	vperm.xlane v3, v2;
	v4 =	vadd.s32 v1, v4;
	_ =	sdelay $0x1  }
0x74: {  	v3 =	vadd.s32 v1, v3;
	_ =	sdelay $0x1  }
0x75: {  	s31 =	sor.u32 $0x7100, s20  }
0x76: {  	[tilespmem:s31], [sflag:$0x5] =	stream.indirect_vreg.gather [hbm4b:s3+s1], $0x80, v4, vm0, $0x2000b8;
	[tilespmem:$0x10100] =	vst v63  }
0x77: {  	s20 =	sor.u32 $0x7900, s20  }
0x78: {  	[tilespmem:s20], [sflag:$0x5] =	stream.indirect_vreg.gather [hbm4b:s3+s1], $0x80, v3, vm0, $0x2000b8;
	[tilespmem:$0x10100] =	vst v63  }
0x79: {  	_ =	swait.ge [sflag:s8], $0x8000  }
0x7a: {  	p2 =	seq.s32 s11, $0x1;
	[sflag:s8] =	ssyncset.done $0x0  }
0x7b: {  	s17 =	sadd.s32 s5, s17;
	p1 =	por p2, p1;
	[sflag:s8] =	ssyncadd.s32 $0xFFFF8000  }
0x7c: {  	s17 =	sshll.u32 @p1 s17, $0xC;
	_ =	strace $0x90000060  }
0x7d: {  	s17 =	sand.u32 @p1 $0x1FFFF000, s17;
	s21 =	simm.s32 $0x1;
	_ =	strace @p1 $0x80000061  }
0x7e: {  	s18 =	sadd.s32 @p1 $0x3, s18;
	s21 =	simm.s32 @!p0 $0x0;
	s20 =	rddreg [dreg:$0x2]  }
0x7f: {  	p0 =	seq.s32 s11, $0x4;
	s17 =	sadd.s32 @p1 s20, s17;
	s20 =	simm.s32 @p1 $0x0  }
0x80: {  	[hbm4b:s17+s20] =	stream.linear.scatter @p1 [tilespmem:s19], [sflag:s18], $0x8000, $0x200038;
	[tilespmem:$0x10100] =	vst v63  }
0x81: {  	s17 =	simm.s32 $0x1;
	s19 =	simm.s32 $0x1;
	_ =	strace @p1 $0x90000061  }
0x82: {  	s17 =	simm.s32 @!p1 $0x0;
	p1 =	sne.s32 s11, $0x4;
	s11 =	sadd.s32 $0xFFFFFFFF, s11  }
0x83: {  	s18 =	sand.u32 @!p0 $0x1, s13;
	s19 =	simm.s32 @!p1 $0x0;
	p1 =	sne.s32 s11, $0x0  }
.Ltmp0:
0x84: {  	s18 =	sadd.s32 @!p0 $0x3, s18;
	_ =	strace @!p0 $0x80000062;
	(pc) =	sbr.rel @p1 .LBB2_2-.Ltmp0, $4  }
0x85: {  	_ =	swait.ge @!p0 [sflag:s18], $0x8000  }
0x86: {  	[sflag:s18] =	ssyncset.done @!p0 $0x0  }
0x87: {  	s16 =	sadd.s32 s21, s16;
	s14 =	sadd.s32 s17, s14;
	[sflag:s18] =	ssyncadd.s32 @!p0 $0xFFFF8000  }
0x88: {  	s15 =	sadd.s32 s17, s15;
	s13 =	sadd.s32 s19, s13;
	_ =	strace @!p0 $0x90000062  }
0x89: {  	s10 =	sadd.s32 $0x1, s10  }
0x8a: {  	p0 =	sne.s32 s10, s7  }
.Ltmp1:
0x8b: {  	_ =	strace $0x80000063;
	(pc) =	sbr.rel @p0 .LBB2_1-.Ltmp1, $4  }
0x8c: {  	_ =	swait.ge [sflag:s9], $0x8000  }
0x8d: {  	[sflag:s9] =	ssyncset.done $0x0  }
0x8e: {  	[sflag:s9] =	ssyncadd.s32 $0xFFFF8000  }
0x8f: {  	_ =	strace $0x90000063  }
0x90: {  	_ =	sfence.sel $0x180000  }
0x91: {  	[bflag:$0x0] =	sbarrier.arrive $0xFFFF  }
0x92: {  	p0 =	sne.s32 s2, $0x0;
	_ =	strace $0x9000005C  }
0x93: {  	s0 =	sadd.s32 @!p0 $0x100000, s0;
	[bflag:$0x2] =	sbarrier.arrive $0xFFFF  }
0x94: {  	[sflag:s0] =	ssyncadd.tile.s32 @!p0 $0x1;
	_ =	shalt  }
.Lfunc_end2:
_tile_overlayer_lowered:
.L_overlay_start_2:
0x95: {  	(tag) =	ssettag $0x2  }
0x96: {  	s0 =	rddreg [dreg:$0x0];
	s2 =	stileid.u32  }
0x97: {  	s1 =	rddreg [dreg:$0x1];
	p0 =	sne.s32 s2, $0x0  }
0x98: {  	s3 =	rddreg [dreg:$0x2];
	[bflag:$0x3] =	sbarrier.arrive $0xFFFF;
	s2 =	simm.s32 @!p0 $0x1C01  }
0x99: {  	[timem:s3], [sflag:s2] =	dma.local @!p0 [hbm:s0], s1  }
0x9a: {  	s0 =	simm.s32 @!p0 $0x1  }
0x9b: {  	_ =	swait.ge @!p0 [sflag:s0], s1  }
0x9c: {  	s1 =	ssub.s32 @!p0 $0x0, s1;
	[sflag:s0] =	ssyncset.done @!p0 $0x0  }
0x9d: {  	[sflag:s0] =	ssyncadd.s32 @!p0 s1  }
0x9e: {  	[bflag:$0x3] =	sbarrier.arrive $0xFFFF  }
0x9f: {  	_ =	shalt  }

// kernel: kernel.19.cloned.1.call-start
scs
__scs_entry_jumppad:
0x0: {  	(pc) =	sbr.rel $0x88, $3  }
0x1: {  	(tag) =	ssettag $0x0;
	lr =	simm.s32 $0x1  }
0x2: {  	[smem:$0x3F90] =	sst lr;
	_ =	strace $0xD0000000  }
0x3: {  	_ = 	snop  }
0x4: {  	_ = 	snop  }
0x5: {  	_ = 	snop  }
0x6: {  	_ = 	snop  }
0x7: {  	_ = 	snop  }
__scs_overlays_trampoline_lowered:
0x8: {  	[smem:$0x3F9F] =	sst s0  }
0x9: {  	[smem:$0x3FA0] =	sst s1  }
0xa: {  	[smem:$0x3FA1] =	sst s2  }
0xb: {  	[smem:$0x3FA2] =	sst s3  }
0xc: {  	[smem:$0x3FA3] =	sst s4  }
0xd: {  	[smem:$0x3FA4] =	sst s5  }
0xe: {  	[smem:$0x3FA5] =	sst s6  }
0xf: {  	[smem:$0x3FA6] =	sst s7  }
0x10: {  	[smem:$0x3FA7] =	sst s8  }
0x11: {  	[smem:$0x3FA8] =	sst s9;
	s0 =	simm.s32 @!p0 $0x0  }
0x12: {  	s1 =	sld [smem:$0x3F8E];
	s0 =	simm.s32 @p0 $0x1  }
0x13: {  	[smem:$0x3FA9] =	sst s0;
	s0 =	simm.s32 @!p1 $0x0  }
0x14: {  	s2 =	sld [smem:$0x3F8D];
	s0 =	simm.s32 @p1 $0x1  }
0x15: {  	[smem:$0x3FAA] =	sst s0;
	s0 =	simm.s32 @!p2 $0x0  }
0x16: {  	s3 =	sld [smem:$0x3FDB];
	s0 =	simm.s32 @p2 $0x1  }
0x17: {  	s4 =	simm.s32 $0x1BF5;
	[smem:$0x3FAC] =	sst s0  }
0x18: {  	s0 =	sld [smem:$0x3F8F];
	_ =	swait.ge [sflag:s4], $0x0  }
0x19: {  	s7 =	sld [smem:$0x3F90]  }
0x1a: {  	s8 =	sadd.s32 $0xFFFFE003, lr  }
0x1b: {  	s9 =	sadd.s32 $0xFFFFFEF7, lr;
	s5 =	simm.s32 $0xFFFFFFFF;
	p2 =	slt.u32 s8, $0xFFFFF086  }
0x1c: {  	p1 =	slt.u32 s9, $0xF7A;
	s5 =	simm.s32 @!p2 $0x0  }
0x1d: {  	s5 =	simm.s32 @p1 $0x1;
	p0 =	seq.s32 s7, s2  }
0x1e: {  	s7 =	smul.u32 @!p0 $0xF7A, s2;
	p2 =	seq.s32 @!p0 s5, $0x0  }
0x1f: {  	s9 =	smul.u32 $0xF7A, s1;
	s8 =	simm.s32 @!p0 $0x1BF5;
	p2 =	por !p2, p0  }
0x20: {  	[sflag:s8] =	ssyncset.s32 @!p0 $0xFFFFF086;
	s6 =	sadd.s32 @!p0 s3, s7;
	s7 =	simm.s32 @!p0 $0x108  }
0x21: {  	s3 =	sadd.s32 s3, s9;
	s6 =	sadd.s32 @!p0 $0x88, s6;
	s7 =	simm.s32 @p2 $0x1082  }
0x22: {  	[simem:s7], [sflag:s8] =	dma.local @!p0 [hbm:s6], $0xF7A  }
0x23: {  	s9 =	sor.u32 $0xD0000000, s2;
	s6 =	simm.s32 $0x108;
	_ =	swait.ge @!p0 [sflag:s8], $0x0  }
0x24: {  	s3 =	sadd.s32 $0x88, s3;
	s6 =	simm.s32 @!p1 $0x1082;
	[sflag:s4] =	ssyncset.s32 $0xFFFFF086  }
0x25: {  	[simem:s6], [sflag:s4] =	dma.local [hbm:s3], $0xF7A  }
0x26: {  	[smem:$0x3F90] =	sst s1;
	(tag) =	ssettag s2;
	_ =	strace s9  }
0x27: {  	s1 =	sld [smem:$0x3FA0]  }
0x28: {  	s2 =	sld [smem:$0x3FA1]  }
0x29: {  	s4 =	sld [smem:$0x3FA3]  }
0x2a: {  	p0 =	seq.s32 s5, $0x0;
	s5 =	sld [smem:$0x3FA4]  }
0x2b: {  	s6 =	sld [smem:$0x3FA5]  }
0x2c: {  	s7 =	sld [smem:$0x3FA6]  }
0x2d: {  	s3 =	simm.s32 $0x108;
	s8 =	sld [smem:$0x3FA7]  }
0x2e: {  	s3 =	simm.s32 @!p0 $0x1082;
	s9 =	sld [smem:$0x3FA8]  }
0x2f: {  	lr =	sadd.s32 s0, s3;
	s0 =	sld [smem:$0x3F9F]  }
0x30: {  	s3 =	sld [smem:$0x3FA2]  }
0x31: {  	[smem:$0x3FAB] =	sst s10  }
0x32: {  	s10 =	sld [smem:$0x3FA9];
	_ =	sdelay $0x3  }
0x33: {  	p0 =	seq.s32 s10, $0x1;
	s10 =	sld [smem:$0x3FAB];
	_ =	sdelay $0x3  }
0x34: {  	[smem:$0x3FAB] =	sst s10  }
0x35: {  	s10 =	sld [smem:$0x3FAA];
	_ =	sdelay $0x3  }
0x36: {  	p1 =	seq.s32 s10, $0x1;
	s10 =	sld [smem:$0x3FAB];
	_ =	sdelay $0x3  }
0x37: {  	[smem:$0x3FAB] =	sst s10  }
0x38: {  	s10 =	sld [smem:$0x3FAC]  }
0x39: {  	_ = 	snop;
	(pc) =	sbr.ind lr, $3  }
0x3a: {  	_ = 	snop  }
0x3b: {  	_ = 	snop  }
0x3c: {  	p2 =	seq.s32 s10, $0x1;
	s10 =	sld [smem:$0x3FAB]  }
0x3d: {  	_ =	shalt  }
0x3e: {  	_ =	shalt  }
0x3f: {  	_ =	shalt  }
0x40: {  	_ =	shalt  }
0x41: {  	_ =	shalt  }
0x42: {  	_ =	shalt  }
0x43: {  	_ =	shalt  }
0x44: {  	_ =	shalt  }
0x45: {  	_ =	shalt  }
0x46: {  	_ =	shalt  }
0x47: {  	_ =	shalt  }
0x48: {  	_ =	shalt  }
0x49: {  	_ =	shalt  }
0x4a: {  	_ =	shalt  }
0x4b: {  	_ =	shalt  }
0x4c: {  	_ =	shalt  }
0x4d: {  	_ =	shalt  }
0x4e: {  	_ =	shalt  }
0x4f: {  	_ =	shalt  }
0x50: {  	_ =	shalt  }
0x51: {  	_ =	shalt  }
0x52: {  	_ =	shalt  }
0x53: {  	_ =	shalt  }
0x54: {  	_ =	shalt  }
0x55: {  	_ =	shalt  }
0x56: {  	_ =	shalt  }
0x57: {  	_ =	shalt  }
0x58: {  	_ =	shalt  }
0x59: {  	_ =	shalt  }
0x5a: {  	_ =	shalt  }
0x5b: {  	_ =	shalt  }
0x5c: {  	_ =	shalt  }
0x5d: {  	_ =	shalt  }
0x5e: {  	_ =	shalt  }
0x5f: {  	_ =	shalt  }
0x60: {  	_ =	shalt  }
0x61: {  	_ =	shalt  }
0x62: {  	_ =	shalt  }
0x63: {  	_ =	shalt  }
0x64: {  	_ =	shalt  }
0x65: {  	_ =	shalt  }
0x66: {  	_ =	shalt  }
0x67: {  	_ =	shalt  }
0x68: {  	_ =	shalt  }
0x69: {  	_ =	shalt  }
0x6a: {  	_ =	shalt  }
0x6b: {  	_ =	shalt  }
0x6c: {  	_ =	shalt  }
0x6d: {  	_ =	shalt  }
0x6e: {  	_ =	shalt  }
0x6f: {  	_ =	shalt  }
0x70: {  	_ =	shalt  }
0x71: {  	_ =	shalt  }
0x72: {  	_ =	shalt  }
0x73: {  	_ =	shalt  }
0x74: {  	_ =	shalt  }
0x75: {  	_ =	shalt  }
0x76: {  	_ =	shalt  }
0x77: {  	_ =	shalt  }
0x78: {  	_ =	shalt  }
0x79: {  	_ =	shalt  }
0x7a: {  	_ =	shalt  }
0x7b: {  	_ =	shalt  }
0x7c: {  	_ =	shalt  }
0x7d: {  	_ =	shalt  }
0x7e: {  	_ =	shalt  }
0x7f: {  	_ =	shalt  }
0x80: {  	_ =	shalt  }
0x81: {  	_ =	shalt  }
0x82: {  	_ =	shalt  }
0x83: {  	_ =	shalt  }
0x84: {  	_ =	shalt  }
0x85: {  	_ =	shalt  }
0x86: {  	_ =	shalt  }
0x87: {  	_ =	shalt  }
.Lfunc_end0:
.L_simem_size_0:
called_computation.2_lowered:
.L_overlay_start_0:
0x88: {  	s2 =	sld [smem:$0x3FD9]  }
0x89: {  	s3 =	sld [smem:$0x3FFE];
	_ =	sdelay $0x1  }
0x8a: {  	s1 =	srdreg.scid  }
0x8b: {  	s0 =	sand.u32 $0x1, s1  }
0x8c: {  	s16 =	sshll.u32 s0, $0xA;
	s2 =	sadd.s32 s3, s2  }
0x8d: {  	s2 =	sadd.s32 s2, s16  }
0x8e: {  	[smem:$0x3FB7] =	sst s2  }
0x8f: {  	_ = 	snop  }
0x90: {  	(tm) =	ssettm $0x1  }
0x91: {  	s17 =	sld [smem:$0x3FFB];
	_ =	sdelay $0x3  }
0x92: {  	_ =	strace s17  }
0x93: {  	s2 =	sld [smem:$0x3FFC];
	_ =	sdelay $0x3  }
0x94: {  	_ =	strace s2  }
0x95: {  	s2 =	sld [smem:$0x3FFD];
	_ =	sdelay $0x3  }
0x96: {  	_ =	strace s2  }
0x97: {  	_ =	strace $0x8FFFFFFF  }
0x98: {  	s18 =	sld [smem:$0x3FDB];
	_ =	sdelay $0x1  }
0x99: {  	s19 =	simm.s32 $_scs_section_size  }
0x9a: {  	s4 =	simm.s32 $_size__tile_overlayer_lowered;
	s5 =	simm.s32 $_tile_overlayer_lowered  }
0x9b: {  	s22 =	simm.s32 $0x1BFF;
	s21 =	sshll.u32 s5, $0x1;
	s2 =	sadd.s32 s19, s18  }
0x9c: {  	s6 =	simm.s32 $0x0;
	s20 =	sshll.u32 s4, $0x1;
	s4 =	sadd.s32 s21, s2  }
0x9d: {  	[timem:s6], [sflag:s22] =	dma.local [hbm:s4], s20  }
0x9e: {  	_ =	swait.ge [sflag:s22], s20  }
0x9f: {  	s3 =	ssub.s32 $0x0, s20;
	[sflag:s22] =	ssyncset.done $0x0  }
0xa0: {  	[sflag:s22] =	ssyncadd.s32 s3;
	_ =	sdelay $0x1  }
0xa1: {  	s23 =	simm.s32 $0x1B8B  }
0xa2: {  	_ =	swait.ge [sflag:s23], $0x1  }
0xa3: {  	[sflag:s23] =	ssyncset.done $0x0  }
0xa4: {  	s25 =	simm.s32 $0x1B8E;
	s24 =	sld [smem:$0x3FFE];
	[sflag:s23] =	ssyncadd.s32 $0xFFFFFFFF  }
0xa5: {  	s26 =	simm.s32 $execute0_lowered;
	[smem:$0x3FD2] =	sst s25  }
0xa6: {  	s4 =	sshll.u32 s26, $0x1;
	_ =	strace $0x80000051;
	[dreg:$0x1] =	wrdreg $0xFFFFFFFF  }
0xa7: {  	s28 =	simm.s32 $_size_execute0_lowered;
	s2 =	sadd.s32 s2, s4;
	[dreg:$0x0] =	wrdreg $0x0  }
0xa8: {  	s4 =	sshll.u32 s28, $0x1;
	[dreg:$0x2] =	wrdreg s2  }
0xa9: {  	[dreg:$0x3] =	wrdreg s4  }
0xaa: {  	[dreg:$0x4] =	wrdreg $0xC0  }
0xab: {  	_ =	task [dreg:s6], $0x5FFFF  }
0xac: {  	[dreg:$0x1] =	wrdreg $0xFFFFFFFF  }
0xad: {  	[dreg:$0x0] =	wrdreg $0x60  }
0xae: {  	[dreg:$0x2] =	wrdreg s24  }
0xaf: {  	[dreg:$0x3] =	wrdreg $0xA  }
0xb0: {  	_ =	task.clear_ibuf [dreg:s6], $0x4FFFF;
	_ =	strace $0x90000051  }
0xb1: {  	s29 =	simm.s32 $0xA;
	_ =	strace $0x8000005A  }
0xb2: {  	_ =	swait.ge [sflag:s29], $0x1  }
0xb3: {  	[sflag:s29] =	ssyncadd.s32 $0xFFFFFFFF  }
0xb4: {  	_ =	strace $0x9000005A  }
0xb5: {  	_ =	sfence  }
0xb6: {  	s30 =	sld [smem:$0x0];
	_ =	sdelay $0x2  }
0xb7: {  	s31 =	sshll.u32 s1, $0xD;
	s1 =	sshrl.u32 s1, $0x2  }
0xb8: {  	s3 =	sand.u32 $0x4000, s31;
	s1 =	sadd.s32 s1, s30  }
0xb9: {  	s0 =	sor.u32 s3, s0;
	s1 =	sshll.u32 s1, $0x11  }
0xba: {  	s0 =	sor.u32 s1, s0  }
0xbb: {  	s0 =	sadd.s32 $0x8F2B, s0  }
0xbc: {  	[sflag:s0] =	ssyncadd.remote.s32 $0x1  }
0xbd: {  	_ =	sfence.sel $0xFFFF  }
0xbe: {  	[dreg:$0x0] =	wrdreg $0xFFFFFFFF;
	(pc) =	sbr.abs _section_cstart, $3  }
0xbf: {  	[dreg:$0x1] =	wrdreg $0xFFFFFFFF  }
0xc0: {  	_ =	task.clear_ibuf [dreg:s6], $0x2FFFF;
	_ =	strace $0x9FFFFFFF  }
0xc1: {  	(tm) =	ssettm $0x7FFFFFFF  }
tec
execute0_lowered:
.L_overlay_start_1:
0x0: {  	(tag) =	ssettag $0x1  }
0x1: {  	s5 =	rddreg [dreg:$0x0]  }
0x2: {  	s0 =	rddreg [dreg:$0x1];
	s1 =	simm.s32 $0x0  }
0x3: {  	s2 =	srdreg.scid;
	s9 =	simm.s32 $0x4;
	s10 =	simm.s32 $0x0  }
0x4: {  	[smem:$0x7FF] =	sst s1;
	s3 =	sadd.s32 $0x1AE200, s5;
	s4 =	sadd.s32 $0x7000, s5  }
0x5: {  	s6 =	sand.u32 $0x1, s2;
	s2 =	stileid.u32;
	s5 =	sadd.s32 $0x3EE200, s5  }
0x6: {  	_ =	strace $0x80000052;
	s7 =	ssub.s32 $0x2, s6;
	s6 =	sshll.u32 s6, $0x4  }
0x7: {  	v2 =	vlaneseq.u32;
	[dreg:$0x2] =	wrdreg s5;
	s8 =	sshrl.u32 s7, $0x1;
	s6 =	sor.u32 s2, s6  }
0x8: {  	vm0 =	vmmov $0xffff;
	v1 =	vshrl.u32 v2, $0x3;
	s7 =	ssub.s32 s7, s8;
	s31 =	sshll.u32 s6, $0x6;
	s5 =	sshll.u32 s6, $0x2  }
0x9: {  	v0 =	vand.u32 $0x7, v2;
	v2 =	vor.u32 $0x8, v2;
	v1 =	vmul.u32 $0x8, v1;
	s8 =	simm.s32 $0x5;
	s6 =	sadd.s32 s4, s31;
	s7 =	smax.u32 s7, $0x1  }
.LBB2_1:
0xa: {  	_ =	strace $0x80000053;
	s11 =	simm.s32 $0x4  }
0xb: {  	s12 =	simm.s32 $0x0;
	s13 =	simm.s32 $0x0;
	s14 =	simm.s32 $0x0  }
0xc: {  	[tilespmem:s1], [sflag:$0x1] =	stream.linear.gather [hbm4b:s6+s1], $0x80, $0x200038;
	[tilespmem:$0x10100] =	vst v63  }
0xd: {  	s15 =	simm.s32 $0x0;
	s16 =	simm.s32 $0x1;
	_ =	strace $0x90000053  }
.LBB2_2:
0xe: {  	s17 =	smov.u32 s12;
	s12 =	sadd.s32 $0x1, s12  }
0xf: {  	p0 =	seq.s32 s12, $0x4  }
0x10: {  	s12 =	simm.s32 @p0 $0x0  }
0x11: {  	p6 =	sne.s32 s11, $0x1;
	p1 =	sne.s32 s17, s12  }
0x12: {  	p0 =	por !p6, !p1  }
0x13: {  	p0 =	por !p0, !p0  }
0x14: {  	s18 =	sadd.s32 @p0 s5, s12  }
0x15: {  	s19 =	sand.u32 @p0 $0x1, s16;
	s18 =	sshll.u32 @p0 s18, $0x4  }
0x16: {  	_ =	strace @p0 $0x80000054;
	s21 =	simm.s32 @p0 $0x0;
	s18 =	sand.u32 @p0 $0x1FFFFFF0, s18  }
0x17: {  	s20 =	sshll.u32 @p0 s19, $0x7;
	s19 =	sadd.s32 @p0 $0x1, s19;
	s18 =	sadd.s32 @p0 s4, s18  }
0x18: {  	[tilespmem:s20], [sflag:s19] =	stream.linear.gather @p0 [hbm4b:s18+s21], $0x80, $0x200038;
	[tilespmem:$0x10100] =	vst v63  }
0x19: {  	s24 =	sand.u32 $0x1, s15;
	_ =	strace @p0 $0x90000054  }
0x1a: {  	s18 =	sadd.s32 $0x1, s24;
	_ =	strace $0x80000055  }
0x1b: {  	_ =	swait.ge [sflag:s18], $0x80  }
0x1c: {  	[sflag:s18] =	ssyncset.done $0x0  }
0x1d: {  	[sflag:s18] =	ssyncadd.s32 $0xFFFFFF80  }
0x1e: {  	s25 =	sshll.u32 s15, $0x7;
	_ =	strace $0x90000055  }
0x1f: {  	s21 =	sand.u32 $0x80, s25;
	_ =	strace $0x80000056  }
0x20: {  	v3 =	vld [tilespmem:s21+$0x0];
	_ =	sdelay $0x4  }
0x21: {  	v4 =	vshll.u32 v3, $0x1  }
0x22: {  	v3 =	vand.u32 $0x7, v3;
	v4 =	vand.u32 $0xFFFFFFF0, v4  }
0x23: {  	v3 =	vor.u32 v3, v4  }
0x24: {  	v4 =	vperm.xlane v3, v0;
	_ =	sdelay $0x1  }
0x25: {  	v3 =	vperm.xlane v3, v2;
	v4 =	vadd.s32 v1, v4;
	_ =	sdelay $0x1  }
0x26: {  	s18 =	sand.u32 $0x1, s14;
	v3 =	vadd.s32 v1, v3  }
0x27: {  	s20 =	sshll.u32 s18, $0xF  }
0x28: {  	s19 =	sor.u32 $0x100, s20  }
0x29: {  	[tilespmem:s19], [sflag:$0x5] =	stream.indirect_vreg.gather [hbm4b:s3+s1], $0x80, v4, vm0, $0x2000b8;
	[tilespmem:$0x10100] =	vst v63  }
0x2a: {  	s22 =	sor.u32 $0x900, s20  }
0x2b: {  	[tilespmem:s22], [sflag:$0x5] =	stream.indirect_vreg.gather [hbm4b:s3+s1], $0x80, v3, vm0, $0x2000b8;
	[tilespmem:$0x10100] =	vst v63  }
0x2c: {  	v3 =	vld [tilespmem:s21+$0x10];
	_ =	sdelay $0x4  }
0x2d: {  	v57 =	vshll.u32 v3, $0x1  }
0x2e: {  	v3 =	vand.u32 $0x7, v3;
	v4 =	vand.u32 $0xFFFFFFF0, v57  }
0x2f: {  	v3 =	vor.u32 v3, v4  }
0x30: {  	v4 =	vperm.xlane v3, v0;
	_ =	sdelay $0x1  }
0x31: {  	v3 =	vperm.xlane v3, v2;
	v4 =	vadd.s32 v1, v4;
	_ =	sdelay $0x1  }
0x32: {  	v3 =	vadd.s32 v1, v3;
	_ =	sdelay $0x1  }
0x33: {  	s26 =	sor.u32 $0x1100, s20  }
0x34: {  	[tilespmem:s26], [sflag:$0x5] =	stream.indirect_vreg.gather [hbm4b:s3+s1], $0x80, v4, vm0, $0x2000b8;
	[tilespmem:$0x10100] =	vst v63  }
0x35: {  	s28 =	sor.u32 $0x1900, s20  }
0x36: {  	[tilespmem:s28], [sflag:$0x5] =	stream.indirect_vreg.gather [hbm4b:s3+s1], $0x80, v3, vm0, $0x2000b8;
	[tilespmem:$0x10100] =	vst v63  }
0x37: {  	v3 =	vld [tilespmem:s21+$0x20];
	_ =	sdelay $0x4  }
0x38: {  	v58 =	vshll.u32 v3, $0x1  }
0x39: {  	v3 =	vand.u32 $0x7, v3;
	v4 =	vand.u32 $0xFFFFFFF0, v58  }
0x3a: {  	v3 =	vor.u32 v3, v4  }
0x3b: {  	v4 =	vperm.xlane v3, v0;
	_ =	sdelay $0x1  }
0x3c: {  	v3 =	vperm.xlane v3, v2;
	v4 =	vadd.s32 v1, v4;
	_ =	sdelay $0x1  }
0x3d: {  	v3 =	vadd.s32 v1, v3;
	_ =	sdelay $0x1  }
0x3e: {  	s29 =	sor.u32 $0x2100, s20  }
0x3f: {  	[tilespmem:s29], [sflag:$0x5] =	stream.indirect_vreg.gather [hbm4b:s3+s1], $0x80, v4, vm0, $0x2000b8;
	[tilespmem:$0x10100] =	vst v63  }
0x40: {  	s30 =	sor.u32 $0x2900, s20  }
0x41: {  	[tilespmem:s30], [sflag:$0x5] =	stream.indirect_vreg.gather [hbm4b:s3+s1], $0x80, v3, vm0, $0x2000b8;
	[tilespmem:$0x10100] =	vst v63  }
0x42: {  	v3 =	vld [tilespmem:s21+$0x30];
	_ =	sdelay $0x4  }
0x43: {  	v59 =	vshll.u32 v3, $0x1  }
0x44: {  	v3 =	vand.u32 $0x7, v3;
	v4 =	vand.u32 $0xFFFFFFF0, v59  }
0x45: {  	v3 =	vor.u32 v3, v4  }
0x46: {  	v4 =	vperm.xlane v3, v0;
	_ =	sdelay $0x1  }
0x47: {  	v3 =	vperm.xlane v3, v2;
	v4 =	vadd.s32 v1, v4;
	_ =	sdelay $0x1  }
0x48: {  	v3 =	vadd.s32 v1, v3;
	_ =	sdelay $0x1  }
0x49: {  	s31 =	sor.u32 $0x3100, s20  }
0x4a: {  	[tilespmem:s31], [sflag:$0x5] =	stream.indirect_vreg.gather [hbm4b:s3+s1], $0x80, v4, vm0, $0x2000b8;
	[tilespmem:$0x10100] =	vst v63  }
0x4b: {  	s23 =	sor.u32 $0x3900, s20  }
0x4c: {  	[tilespmem:s23], [sflag:$0x5] =	stream.indirect_vreg.gather [hbm4b:s3+s1], $0x80, v3, vm0, $0x2000b8;
	[tilespmem:$0x10100] =	vst v63  }
0x4d: {  	v3 =	vld [tilespmem:s21+$0x40];
	_ =	sdelay $0x4  }
0x4e: {  	v60 =	vshll.u32 v3, $0x1  }
0x4f: {  	v3 =	vand.u32 $0x7, v3;
	v4 =	vand.u32 $0xFFFFFFF0, v60  }
0x50: {  	v3 =	vor.u32 v3, v4  }
0x51: {  	v4 =	vperm.xlane v3, v0;
	_ =	sdelay $0x1  }
0x52: {  	v3 =	vperm.xlane v3, v2;
	v4 =	vadd.s32 v1, v4;
	_ =	sdelay $0x1  }
0x53: {  	v3 =	vadd.s32 v1, v3;
	_ =	sdelay $0x1  }
0x54: {  	s24 =	sor.u32 $0x4100, s20  }
0x55: {  	[tilespmem:s24], [sflag:$0x5] =	stream.indirect_vreg.gather [hbm4b:s3+s1], $0x80, v4, vm0, $0x2000b8;
	[tilespmem:$0x10100] =	vst v63  }
0x56: {  	s25 =	sor.u32 $0x4900, s20  }
0x57: {  	[tilespmem:s25], [sflag:$0x5] =	stream.indirect_vreg.gather [hbm4b:s3+s1], $0x80, v3, vm0, $0x2000b8;
	[tilespmem:$0x10100] =	vst v63  }
0x58: {  	v3 =	vld [tilespmem:s21+$0x50];
	_ =	sdelay $0x4  }
0x59: {  	v61 =	vshll.u32 v3, $0x1  }
0x5a: {  	v3 =	vand.u32 $0x7, v3;
	v4 =	vand.u32 $0xFFFFFFF0, v61  }
0x5b: {  	v3 =	vor.u32 v3, v4  }
0x5c: {  	v4 =	vperm.xlane v3, v0;
	_ =	sdelay $0x1  }
0x5d: {  	v3 =	vperm.xlane v3, v2;
	v4 =	vadd.s32 v1, v4;
	_ =	sdelay $0x1  }
0x5e: {  	v3 =	vadd.s32 v1, v3;
	_ =	sdelay $0x1  }
0x5f: {  	s26 =	sor.u32 $0x5100, s20  }
0x60: {  	[tilespmem:s26], [sflag:$0x5] =	stream.indirect_vreg.gather [hbm4b:s3+s1], $0x80, v4, vm0, $0x2000b8;
	[tilespmem:$0x10100] =	vst v63  }
0x61: {  	s28 =	sor.u32 $0x5900, s20  }
0x62: {  	[tilespmem:s28], [sflag:$0x5] =	stream.indirect_vreg.gather [hbm4b:s3+s1], $0x80, v3, vm0, $0x2000b8;
	[tilespmem:$0x10100] =	vst v63  }
0x63: {  	v3 =	vld [tilespmem:s21+$0x60];
	_ =	sdelay $0x4  }
0x64: {  	v62 =	vshll.u32 v3, $0x1  }
0x65: {  	v3 =	vand.u32 $0x7, v3;
	v4 =	vand.u32 $0xFFFFFFF0, v62  }
0x66: {  	v3 =	vor.u32 v3, v4  }
0x67: {  	v4 =	vperm.xlane v3, v0;
	_ =	sdelay $0x1  }
0x68: {  	v3 =	vperm.xlane v3, v2;
	v4 =	vadd.s32 v1, v4;
	_ =	sdelay $0x1  }
0x69: {  	v3 =	vadd.s32 v1, v3;
	_ =	sdelay $0x1  }
0x6a: {  	s29 =	sor.u32 $0x6100, s20  }
0x6b: {  	[tilespmem:s29], [sflag:$0x5] =	stream.indirect_vreg.gather [hbm4b:s3+s1], $0x80, v4, vm0, $0x2000b8;
	[tilespmem:$0x10100] =	vst v63  }
0x6c: {  	s30 =	sor.u32 $0x6900, s20  }
0x6d: {  	[tilespmem:s30], [sflag:$0x5] =	stream.indirect_vreg.gather [hbm4b:s3+s1], $0x80, v3, vm0, $0x2000b8;
	[tilespmem:$0x10100] =	vst v63  }
0x6e: {  	v3 =	vld [tilespmem:s21+$0x70];
	_ =	sdelay $0x4  }
0x6f: {  	v63 =	vshll.u32 v3, $0x1  }
0x70: {  	v3 =	vand.u32 $0x7, v3;
	v4 =	vand.u32 $0xFFFFFFF0, v63  }
0x71: {  	v3 =	vor.u32 v3, v4  }
0x72: {  	v4 =	vperm.xlane v3, v0;
	_ =	sdelay $0x1  }
0x73: {  	v3 =	vperm.xlane v3, v2;
	v4 =	vadd.s32 v1, v4;
	_ =	sdelay $0x1  }
0x74: {  	v3 =	vadd.s32 v1, v3;
	_ =	sdelay $0x1  }
0x75: {  	s31 =	sor.u32 $0x7100, s20  }
0x76: {  	[tilespmem:s31], [sflag:$0x5] =	stream.indirect_vreg.gather [hbm4b:s3+s1], $0x80, v4, vm0, $0x2000b8;
	[tilespmem:$0x10100] =	vst v63  }
0x77: {  	s20 =	sor.u32 $0x7900, s20  }
0x78: {  	[tilespmem:s20], [sflag:$0x5] =	stream.indirect_vreg.gather [hbm4b:s3+s1], $0x80, v3, vm0, $0x2000b8;
	[tilespmem:$0x10100] =	vst v63  }
0x79: {  	_ =	swait.ge [sflag:s8], $0x8000  }
0x7a: {  	p2 =	seq.s32 s11, $0x1;
	[sflag:s8] =	ssyncset.done $0x0  }
0x7b: {  	s17 =	sadd.s32 s5, s17;
	p1 =	por p2, p1;
	[sflag:s8] =	ssyncadd.s32 $0xFFFF8000  }
0x7c: {  	s17 =	sshll.u32 @p1 s17, $0xC;
	_ =	strace $0x90000056  }
0x7d: {  	s17 =	sand.u32 @p1 $0x1FFFF000, s17;
	s21 =	simm.s32 $0x1;
	_ =	strace @p1 $0x80000057  }
0x7e: {  	s18 =	sadd.s32 @p1 $0x3, s18;
	s21 =	simm.s32 @!p0 $0x0;
	s20 =	rddreg [dreg:$0x2]  }
0x7f: {  	p0 =	seq.s32 s11, $0x4;
	s17 =	sadd.s32 @p1 s20, s17;
	s20 =	simm.s32 @p1 $0x0  }
0x80: {  	[hbm4b:s17+s20] =	stream.linear.scatter @p1 [tilespmem:s19], [sflag:s18], $0x8000, $0x200038;
	[tilespmem:$0x10100] =	vst v63  }
0x81: {  	s17 =	simm.s32 $0x1;
	s19 =	simm.s32 $0x1;
	_ =	strace @p1 $0x90000057  }
0x82: {  	s17 =	simm.s32 @!p1 $0x0;
	p1 =	sne.s32 s11, $0x4;
	s11 =	sadd.s32 $0xFFFFFFFF, s11  }
0x83: {  	s18 =	sand.u32 @!p0 $0x1, s13;
	s19 =	simm.s32 @!p1 $0x0;
	p1 =	sne.s32 s11, $0x0  }
.Ltmp0:
0x84: {  	s18 =	sadd.s32 @!p0 $0x3, s18;
	_ =	strace @!p0 $0x80000058;
	(pc) =	sbr.rel @p1 .LBB2_2-.Ltmp0, $4  }
0x85: {  	_ =	swait.ge @!p0 [sflag:s18], $0x8000  }
0x86: {  	[sflag:s18] =	ssyncset.done @!p0 $0x0  }
0x87: {  	s16 =	sadd.s32 s21, s16;
	s14 =	sadd.s32 s17, s14;
	[sflag:s18] =	ssyncadd.s32 @!p0 $0xFFFF8000  }
0x88: {  	s15 =	sadd.s32 s17, s15;
	s13 =	sadd.s32 s19, s13;
	_ =	strace @!p0 $0x90000058  }
0x89: {  	s10 =	sadd.s32 $0x1, s10  }
0x8a: {  	p0 =	sne.s32 s10, s7  }
.Ltmp1:
0x8b: {  	_ =	strace $0x80000059;
	(pc) =	sbr.rel @p0 .LBB2_1-.Ltmp1, $4  }
0x8c: {  	_ =	swait.ge [sflag:s9], $0x8000  }
0x8d: {  	[sflag:s9] =	ssyncset.done $0x0  }
0x8e: {  	[sflag:s9] =	ssyncadd.s32 $0xFFFF8000  }
0x8f: {  	_ =	strace $0x90000059  }
0x90: {  	_ =	sfence.sel $0x180000  }
0x91: {  	[bflag:$0x0] =	sbarrier.arrive $0xFFFF  }
0x92: {  	p0 =	sne.s32 s2, $0x0;
	_ =	strace $0x90000052  }
0x93: {  	s0 =	sadd.s32 @!p0 $0x100000, s0;
	[bflag:$0x2] =	sbarrier.arrive $0xFFFF  }
0x94: {  	[sflag:s0] =	ssyncadd.tile.s32 @!p0 $0x1;
	_ =	shalt  }
.Lfunc_end2:
_tile_overlayer_lowered:
.L_overlay_start_2:
0x95: {  	(tag) =	ssettag $0x2  }
0x96: {  	s0 =	rddreg [dreg:$0x0];
	s2 =	stileid.u32  }
0x97: {  	s1 =	rddreg [dreg:$0x1];
	p0 =	sne.s32 s2, $0x0  }
0x98: {  	s3 =	rddreg [dreg:$0x2];
	[bflag:$0x3] =	sbarrier.arrive $0xFFFF;
	s2 =	simm.s32 @!p0 $0x1C01  }
0x99: {  	[timem:s3], [sflag:s2] =	dma.local @!p0 [hbm:s0], s1  }
0x9a: {  	s0 =	simm.s32 @!p0 $0x1  }
0x9b: {  	_ =	swait.ge @!p0 [sflag:s0], s1  }
0x9c: {  	s1 =	ssub.s32 @!p0 $0x0, s1;
	[sflag:s0] =	ssyncset.done @!p0 $0x0  }
0x9d: {  	[sflag:s0] =	ssyncadd.s32 @!p0 s1  }
0x9e: {  	[bflag:$0x3] =	sbarrier.arrive $0xFFFF  }
0x9f: {  	_ =	shalt  }

</sc_bundles>
